<compile_context>
chip_gen: v7x
topology: tpu7x:2x2x1
jax: 0.10.2.dev20260603
libtpu: 0.0.44.dev20260713+nightly
codegen_flags: <defaults>
</compile_context>

<pallas_src>
import functools

import jax
import jax.numpy as jnp
from jax import lax
from jax.experimental import pallas as pl
from jax.experimental.pallas import tpu as pltpu
from jax.experimental.pallas import tpu_sc as plsc

N = 10000
E = 320000
D = 128
L = 16
NC, NS = 2, 16
NW = NC * NS
CH = 128
NCHUNK = -(-E // (NW * CH))
EPW = NCHUNK * CH
EP = EPW * NW
NP = NS * 640
RPT = NP // NS

_f32 = jnp.float32


def _mesh():
    return plsc.VectorSubcoreMesh(core_axis_name="c", subcore_axis_name="s",
                                  num_cores=NC, num_subcores=NS)


@functools.lru_cache(maxsize=None)
def _sc_agg():

    @functools.partial(
        pl.kernel,
        out_type=jax.ShapeDtypeStruct((NC * NP, D), _f32),
        mesh=_mesh(),
        scratch_types=[
            pltpu.VMEM((CH,), jnp.int32),
            pltpu.VMEM((CH,), jnp.int32),
            pltpu.VMEM((CH, D), _f32),
            pltpu.VMEM_SHARED((NP, D), _f32),
            pltpu.SemaphoreType.DMA,
        ])
    def k(h_hbm, src_hbm, dst_hbm, acc_out, srcv, dstv, rows, acc_sp, sem):
        cid = lax.axis_index("c")
        sid = lax.axis_index("s")
        wid = sid * NC + cid
        r0 = sid * RPT
        zero16 = jnp.zeros((L,), _f32)

        @pl.loop(0, CH)
        def _zero(r):
            for c in range(D // L):
                rows[r, pl.ds(c * L, L)] = zero16

        for j in range(RPT // CH):
            pltpu.sync_copy(rows, acc_sp.at[pl.ds(r0 + j * CH, CH)])
        plsc.subcore_barrier()

        ebase = wid * EPW

        @pl.loop(0, NCHUNK)
        def _edges(j):
            base = pl.multiple_of(ebase + j * CH, CH)
            pltpu.sync_copy(src_hbm.at[pl.ds(base, CH)], srcv)
            pltpu.sync_copy(dst_hbm.at[pl.ds(base, CH)], dstv)
            pltpu.async_copy(h_hbm.at[srcv], rows, sem).wait()
            pltpu.sync_copy(rows, acc_sp.at[dstv], add=True)

        plsc.subcore_barrier()
        for j in range(RPT // CH):
            row = r0 + j * CH
            pltpu.sync_copy(acc_sp.at[pl.ds(row, CH)],
                            acc_out.at[pl.ds(cid * NP + row, CH)])

    return k


@functools.lru_cache(maxsize=None)
def _sc_cnt():

    @functools.partial(
        pl.kernel,
        out_type=jax.ShapeDtypeStruct((NC * NP, D), _f32),
        mesh=_mesh(),
        scratch_types=[
            pltpu.VMEM((CH,), jnp.int32),
            pltpu.VMEM((CH, D), _f32),
            pltpu.VMEM_SHARED((NP, D), _f32),
        ])
    def k(dst_hbm, cnt_out, dstv, ones_v, cnt_sp):
        cid = lax.axis_index("c")
        sid = lax.axis_index("s")
        wid = sid * NC + cid
        r0 = sid * RPT
        zero16 = jnp.zeros((L,), _f32)
        one16 = jnp.ones((L,), _f32)

        @pl.loop(0, CH)
        def _zero(r):
            for c in range(D // L):
                ones_v[r, pl.ds(c * L, L)] = zero16

        for j in range(RPT // CH):
            pltpu.sync_copy(ones_v, cnt_sp.at[pl.ds(r0 + j * CH, CH)])

        @pl.loop(0, CH)
        def _ones(r):
            for c in range(D // L):
                ones_v[r, pl.ds(c * L, L)] = one16

        plsc.subcore_barrier()

        ebase = wid * EPW

        @pl.loop(0, NCHUNK)
        def _edges(j):
            base = pl.multiple_of(ebase + j * CH, CH)
            pltpu.sync_copy(dst_hbm.at[pl.ds(base, CH)], dstv)
            pltpu.sync_copy(ones_v, cnt_sp.at[dstv], add=True)

        plsc.subcore_barrier()
        for j in range(RPT // CH):
            row = r0 + j * CH
            pltpu.sync_copy(cnt_sp.at[pl.ds(row, CH)],
                            cnt_out.at[pl.ds(cid * NP + row, CH)])

    return k


_RB = 512


def _tc_body(x_ref, acc_ref, cnt_ref, wl_ref, wr_ref, b_ref, o_ref):
    s = acc_ref[0] + acc_ref[1]
    mean = s / jnp.maximum(cnt_ref[...], 1.0)
    out = (jnp.dot(mean, wl_ref[...], preferred_element_type=_f32)
           + jnp.dot(x_ref[...], wr_ref[...], preferred_element_type=_f32)
           + b_ref[...])
    nrm = jnp.sqrt(jnp.sum(out * out, axis=-1, keepdims=True))
    out = out / jnp.maximum(nrm, 1e-12)
    o_ref[...] = jnp.maximum(out, 0.0)


_tc_layer = pl.pallas_call(
    _tc_body,
    grid=(NP // _RB,),
    in_specs=[
        pl.BlockSpec((_RB, D), lambda i: (i, 0)),
        pl.BlockSpec((NC, _RB, D), lambda i: (0, i, 0)),
        pl.BlockSpec((_RB, D), lambda i: (i, 0)),
        pl.BlockSpec((D, D), lambda i: (0, 0)),
        pl.BlockSpec((D, D), lambda i: (0, 0)),
        pl.BlockSpec((1, D), lambda i: (0, 0)),
    ],
    out_specs=pl.BlockSpec((_RB, D), lambda i: (i, 0)),
    out_shape=jax.ShapeDtypeStruct((NP, D), _f32),
)


def kernel(x, edge_index, Wl0, Wr0, b0, Wl1, Wr1, b1, Wl2, Wr2, b2):
    src = jnp.concatenate(
        [edge_index[0], jnp.zeros((EP - E,), jnp.int32)])
    dst = jnp.concatenate(
        [edge_index[1], jnp.full((EP - E,), NP - 1, jnp.int32)])
    xp = jnp.zeros((NP, D), _f32).at[:N].set(x)

    sc_agg = _sc_agg()
    sc_cnt = _sc_cnt()

    cntp = sc_cnt(dst)
    cnt = cntp[:NP] + cntp[NP:]

    acc = sc_agg(xp, src, dst).reshape(NC, NP, D)
    h = _tc_layer(xp, acc, cnt, Wl0, Wr0, b0.reshape(1, D))
    acc = sc_agg(h, src, dst).reshape(NC, NP, D)
    h = _tc_layer(h, acc, cnt, Wl1, Wr1, b1.reshape(1, D))
    acc = sc_agg(h, src, dst).reshape(NC, NP, D)
    h = _tc_layer(h, acc, cnt, Wl2, Wr2, b2.reshape(1, D))
    return h[:N]

# --- scband reference (transcript-rebuilt; emitter-appended) ---
"""Pipeline reference for scband-graph-sage-25220047962465 (READ-ONLY COPY).

The authoritative reference and input builder live on the scoring server;
editing this copy changes nothing except your own understanding.
"""

import jax, jax.numpy as jnp
import numpy as np

N = 10000
E = 320000
D = 128


def setup_inputs(seed: int = 0) -> dict:
    key = jax.random.key(seed)
    ks = jax.random.split(key, 12)
    x = jax.random.normal(ks[0], (N, D), dtype=jnp.float32)
    edge_index = jax.random.randint(ks[1], (2, E), 0, N, dtype=jnp.int32)
    s = 1.0 / np.sqrt(D)
    params = {}
    for i in range(3):
        params[f"Wl{i}"] = jax.random.uniform(ks[2 + 3 * i], (D, D), dtype=jnp.float32, minval=-s, maxval=s)
        params[f"Wr{i}"] = jax.random.uniform(ks[3 + 3 * i], (D, D), dtype=jnp.float32, minval=-s, maxval=s)
        params[f"b{i}"] = jax.random.uniform(ks[4 + 3 * i], (D,), dtype=jnp.float32, minval=-s, maxval=s)
    inp = {"x": x, "edge_index": edge_index}
    inp.update(params)
    return inp


def _sage_conv(x, edge_index, Wl, Wr, b):
    # PyG SAGEConv with mean aggregation, root weight, bias, normalize=True.
    src = edge_index[0]
    dst = edge_index[1]
    msgs = jnp.take(x, src, axis=0)                                  # gather x_j
    summed = jax.ops.segment_sum(msgs, dst, num_segments=N)          # scatter-add to dst
    cnt = jax.ops.segment_sum(jnp.ones((edge_index.shape[1],), dtype=x.dtype), dst, num_segments=N)
    mean = summed / jnp.maximum(cnt, 1.0)[:, None]                   # mean aggregation
    out = mean @ Wl + b + x @ Wr                                     # lin_l(aggr) + lin_r(x)
    nrm = jnp.sqrt(jnp.sum(out * out, axis=-1, keepdims=True))
    out = out / jnp.maximum(nrm, 1e-12)                              # F.normalize(out, p=2, dim=-1)
    return out


def reference(x, edge_index, Wl0, Wr0, b0, Wl1, Wr1, b1, Wl2, Wr2, b2):
    # eval mode: dropout is identity
    h = _sage_conv(x, edge_index, Wl0, Wr0, b0)
    h = jax.nn.relu(h)
    h = _sage_conv(h, edge_index, Wl1, Wr1, b1)
    h = jax.nn.relu(h)
    h = _sage_conv(h, edge_index, Wl2, Wr2, b2)
    h = jax.nn.relu(h)
    return h

if __name__ == "__main__":
    import jax
    _d = setup_inputs()
    print(jax.jit(kernel)(*tuple(_d.values())))

</pallas_src>

<mosaic_0001>
#map = affine_map<(d0, d1) -> (0, 0)>
#map1 = affine_map<(d0, d1) -> (0)>
module attributes {stable_mosaic.version = 14 : i64} {
  func.func @k(%arg0: i32, %arg1: i32, %arg2: memref<10240x128xf32, #tpu.memory_space<hbm>>, %arg3: memref<323584xi32, #tpu.memory_space<hbm>>, %arg4: memref<323584xi32, #tpu.memory_space<hbm>>, %arg5: memref<20480x128xf32, #tpu.memory_space<hbm>>, %arg6: memref<128xi32, #tpu.memory_space<vmem>>, %arg7: memref<128xi32, #tpu.memory_space<vmem>>, %arg8: memref<128x128xf32, #tpu.memory_space<vmem>>, %arg9: memref<10240x128xf32, #tpu.memory_space<vmem_shared>>, %arg10: memref<!tpu.dma_semaphore, #tpu.memory_space<semaphore_mem>>) attributes {dimension_semantics = [#tpu.dimension_semantics<core_parallel>, #tpu.dimension_semantics<subcore_parallel>], iteration_bounds = array<i64: 2, 16>, scalar_prefetch = 0 : i64, scratch_operands = 5 : i64, tpu.core_type = #tpu.core_type<sc_vector_subcore>, window_params = [{transform_indices = #map}, {transform_indices = #map1}, {transform_indices = #map1}, {transform_indices = #map}]} {
    %mul3A = arith.constant 2 : i32
    %mul3A_0 = arith.muli %arg1, %mul3A : i32
    %add3A = arith.addi %mul3A_0, %arg0 : i32
    %mul3A_1 = arith.constant 640 : i32
    %mul3A_2 = arith.muli %arg1, %mul3A_1 : i32
    %broadcast_in_dim3A = arith.constant 0.000000e+00 : f32
    %broadcast_in_dim3A_3 = vector.broadcast %broadcast_in_dim3A : f32 to vector<16xf32>
    %scan3A = arith.constant 0 : i32
    %scan3A_4 = arith.constant 128 : i32
    %scan3A_5 = arith.addi %scan3A, %scan3A_4 : i32
    %scan3A_6 = arith.constant 1 : i32
    scf.for %scan3A_51 = %scan3A to %scan3A_5 step %scan3A_6  : i32 {
      %mul3A_52 = arith.constant 1 : i32
      %mul3A_53 = arith.muli %scan3A_51, %mul3A_52 : i32
      %add3A_54 = arith.constant 0 : i32
      %add3A_55 = arith.addi %add3A_54, %mul3A_53 : i32
      %swap3A = arith.index_cast %add3A_55 : i32 to index
      %swap3A_56 = arith.constant 0 : index
      %swap3A_57 = tpu.vector_load %arg8[%swap3A, %swap3A_56] {strides = array<i32>} : memref<128x128xf32, #tpu.memory_space<vmem>>, vector<1x16xf32>,
      %swap3A_58 = vector.shape_cast %swap3A_57 : vector<1x16xf32> to vector<16xf32>
      %swap3A_59 = vector.shape_cast %broadcast_in_dim3A_3 : vector<16xf32> to vector<1x16xf32>
      tpu.vector_store %arg8[%swap3A, %swap3A_56], %swap3A_59 {strides = array<i32>} : memref<128x128xf32, #tpu.memory_space<vmem>>, vector<1x16xf32>,
      %swap3A_60 = arith.index_cast %add3A_55 : i32 to index
      %swap3A_61 = arith.constant 16 : index
      %swap3A_62 = tpu.vector_load %arg8[%swap3A_60, %swap3A_61] {strides = array<i32>} : memref<128x128xf32, #tpu.memory_space<vmem>>, vector<1x16xf32>,
      %swap3A_63 = vector.shape_cast %swap3A_62 : vector<1x16xf32> to vector<16xf32>
      %swap3A_64 = vector.shape_cast %broadcast_in_dim3A_3 : vector<16xf32> to vector<1x16xf32>
      tpu.vector_store %arg8[%swap3A_60, %swap3A_61], %swap3A_64 {strides = array<i32>} : memref<128x128xf32, #tpu.memory_space<vmem>>, vector<1x16xf32>,
      %swap3A_65 = arith.index_cast %add3A_55 : i32 to index
      %swap3A_66 = arith.constant 32 : index
      %swap3A_67 = tpu.vector_load %arg8[%swap3A_65, %swap3A_66] {strides = array<i32>} : memref<128x128xf32, #tpu.memory_space<vmem>>, vector<1x16xf32>,
      %swap3A_68 = vector.shape_cast %swap3A_67 : vector<1x16xf32> to vector<16xf32>
      %swap3A_69 = vector.shape_cast %broadcast_in_dim3A_3 : vector<16xf32> to vector<1x16xf32>
      tpu.vector_store %arg8[%swap3A_65, %swap3A_66], %swap3A_69 {strides = array<i32>} : memref<128x128xf32, #tpu.memory_space<vmem>>, vector<1x16xf32>,
      %swap3A_70 = arith.index_cast %add3A_55 : i32 to index
      %swap3A_71 = arith.constant 48 : index
      %swap3A_72 = tpu.vector_load %arg8[%swap3A_70, %swap3A_71] {strides = array<i32>} : memref<128x128xf32, #tpu.memory_space<vmem>>, vector<1x16xf32>,
      %swap3A_73 = vector.shape_cast %swap3A_72 : vector<1x16xf32> to vector<16xf32>
      %swap3A_74 = vector.shape_cast %broadcast_in_dim3A_3 : vector<16xf32> to vector<1x16xf32>
      tpu.vector_store %arg8[%swap3A_70, %swap3A_71], %swap3A_74 {strides = array<i32>} : memref<128x128xf32, #tpu.memory_space<vmem>>, vector<1x16xf32>,
      %swap3A_75 = arith.index_cast %add3A_55 : i32 to index
      %swap3A_76 = arith.constant 64 : index
      %swap3A_77 = tpu.vector_load %arg8[%swap3A_75, %swap3A_76] {strides = array<i32>} : memref<128x128xf32, #tpu.memory_space<vmem>>, vector<1x16xf32>,
      %swap3A_78 = vector.shape_cast %swap3A_77 : vector<1x16xf32> to vector<16xf32>
      %swap3A_79 = vector.shape_cast %broadcast_in_dim3A_3 : vector<16xf32> to vector<1x16xf32>
      tpu.vector_store %arg8[%swap3A_75, %swap3A_76], %swap3A_79 {strides = array<i32>} : memref<128x128xf32, #tpu.memory_space<vmem>>, vector<1x16xf32>,
      %swap3A_80 = arith.index_cast %add3A_55 : i32 to index
      %swap3A_81 = arith.constant 80 : index
      %swap3A_82 = tpu.vector_load %arg8[%swap3A_80, %swap3A_81] {strides = array<i32>} : memref<128x128xf32, #tpu.memory_space<vmem>>, vector<1x16xf32>,
      %swap3A_83 = vector.shape_cast %swap3A_82 : vector<1x16xf32> to vector<16xf32>
      %swap3A_84 = vector.shape_cast %broadcast_in_dim3A_3 : vector<16xf32> to vector<1x16xf32>
      tpu.vector_store %arg8[%swap3A_80, %swap3A_81], %swap3A_84 {strides = array<i32>} : memref<128x128xf32, #tpu.memory_space<vmem>>, vector<1x16xf32>,
      %swap3A_85 = arith.index_cast %add3A_55 : i32 to index
      %swap3A_86 = arith.constant 96 : index
      %swap3A_87 = tpu.vector_load %arg8[%swap3A_85, %swap3A_86] {strides = array<i32>} : memref<128x128xf32, #tpu.memory_space<vmem>>, vector<1x16xf32>,
      %swap3A_88 = vector.shape_cast %swap3A_87 : vector<1x16xf32> to vector<16xf32>
      %swap3A_89 = vector.shape_cast %broadcast_in_dim3A_3 : vector<16xf32> to vector<1x16xf32>
      tpu.vector_store %arg8[%swap3A_85, %swap3A_86], %swap3A_89 {strides = array<i32>} : memref<128x128xf32, #tpu.memory_space<vmem>>, vector<1x16xf32>,
      %swap3A_90 = arith.index_cast %add3A_55 : i32 to index
      %swap3A_91 = arith.constant 112 : index
      %swap3A_92 = tpu.vector_load %arg8[%swap3A_90, %swap3A_91] {strides = array<i32>} : memref<128x128xf32, #tpu.memory_space<vmem>>, vector<1x16xf32>,
      %swap3A_93 = vector.shape_cast %swap3A_92 : vector<1x16xf32> to vector<16xf32>
      %swap3A_94 = vector.shape_cast %broadcast_in_dim3A_3 : vector<16xf32> to vector<1x16xf32>
      tpu.vector_store %arg8[%swap3A_90, %swap3A_91], %swap3A_94 {strides = array<i32>} : memref<128x128xf32, #tpu.memory_space<vmem>>, vector<1x16xf32>,
    }
    %scan3A_7 = arith.constant 128 : i32
    %add3A_8 = arith.constant 0 : i32
    %add3A_9 = arith.addi %mul3A_2, %add3A_8 : i32
    "tpu.region"() ({
      %run_scoped3A = tpu.sem_alloc : memref<!tpu.dma_semaphore, #tpu.memory_space<semaphore_mem>>
      %dma_start3A = arith.constant 0 : i32
      %dma_start3A_51 = tpu.memref_slice %arg9[%add3A_9, %dma_start3A] : memref<10240x128xf32, #tpu.memory_space<vmem_shared>> -> memref<128x128xf32, #tpu.memory_space<vmem_shared>>
      %dma_start3A_52 = arith.constant 0 : i32
      %dma_start3A_53 = tpu.memref_slice %arg9[%add3A_9, %dma_start3A_52] : memref<10240x128xf32, #tpu.memory_space<vmem_shared>> -> memref<128x128xf32, #tpu.memory_space<vmem_shared>>
      tpu.enqueue_dma source(%arg8 : memref<128x128xf32, #tpu.memory_space<vmem>>) target(%dma_start3A_53 : memref<128x128xf32, #tpu.memory_space<vmem_shared>>) target_semaphore(%run_scoped3A : memref<!tpu.dma_semaphore, #tpu.memory_space<semaphore_mem>>)
      %dma_wait3A = arith.constant 0 : i32
      %dma_wait3A_54 = tpu.memref_slice %arg9[%add3A_9, %dma_wait3A] : memref<10240x128xf32, #tpu.memory_space<vmem_shared>> -> memref<128x128xf32, #tpu.memory_space<vmem_shared>>
      %dma_wait3A_55 = arith.constant 0 : i32
      %dma_wait3A_56 = tpu.memref_slice %arg9[%add3A_9, %dma_wait3A_55] : memref<10240x128xf32, #tpu.memory_space<vmem_shared>> -> memref<128x128xf32, #tpu.memory_space<vmem_shared>>
      tpu.wait_dma2 semaphore(%run_scoped3A : memref<!tpu.dma_semaphore, #tpu.memory_space<semaphore_mem>>) src(%arg8 : memref<128x128xf32, #tpu.memory_space<vmem>>) dst(%dma_wait3A_56 : memref<128x128xf32, #tpu.memory_space<vmem_shared>>)
      tpu.yield
    }) : () -> ()
    %add3A_10 = arith.constant 128 : i32
    %add3A_11 = arith.addi %mul3A_2, %add3A_10 : i32
    "tpu.region"() ({
      %run_scoped3A = tpu.sem_alloc : memref<!tpu.dma_semaphore, #tpu.memory_space<semaphore_mem>>
      %dma_start3A = arith.constant 0 : i32
      %dma_start3A_51 = tpu.memref_slice %arg9[%add3A_11, %dma_start3A] : memref<10240x128xf32, #tpu.memory_space<vmem_shared>> -> memref<128x128xf32, #tpu.memory_space<vmem_shared>>
      %dma_start3A_52 = arith.constant 0 : i32
      %dma_start3A_53 = tpu.memref_slice %arg9[%add3A_11, %dma_start3A_52] : memref<10240x128xf32, #tpu.memory_space<vmem_shared>> -> memref<128x128xf32, #tpu.memory_space<vmem_shared>>
      tpu.enqueue_dma source(%arg8 : memref<128x128xf32, #tpu.memory_space<vmem>>) target(%dma_start3A_53 : memref<128x128xf32, #tpu.memory_space<vmem_shared>>) target_semaphore(%run_scoped3A : memref<!tpu.dma_semaphore, #tpu.memory_space<semaphore_mem>>)
      %dma_wait3A = arith.constant 0 : i32
      %dma_wait3A_54 = tpu.memref_slice %arg9[%add3A_11, %dma_wait3A] : memref<10240x128xf32, #tpu.memory_space<vmem_shared>> -> memref<128x128xf32, #tpu.memory_space<vmem_shared>>
      %dma_wait3A_55 = arith.constant 0 : i32
      %dma_wait3A_56 = tpu.memref_slice %arg9[%add3A_11, %dma_wait3A_55] : memref<10240x128xf32, #tpu.memory_space<vmem_shared>> -> memref<128x128xf32, #tpu.memory_space<vmem_shared>>
      tpu.wait_dma2 semaphore(%run_scoped3A : memref<!tpu.dma_semaphore, #tpu.memory_space<semaphore_mem>>) src(%arg8 : memref<128x128xf32, #tpu.memory_space<vmem>>) dst(%dma_wait3A_56 : memref<128x128xf32, #tpu.memory_space<vmem_shared>>)
      tpu.yield
    }) : () -> ()
    %add3A_12 = arith.constant 256 : i32
    %add3A_13 = arith.addi %mul3A_2, %add3A_12 : i32
    "tpu.region"() ({
      %run_scoped3A = tpu.sem_alloc : memref<!tpu.dma_semaphore, #tpu.memory_space<semaphore_mem>>
      %dma_start3A = arith.constant 0 : i32
      %dma_start3A_51 = tpu.memref_slice %arg9[%add3A_13, %dma_start3A] : memref<10240x128xf32, #tpu.memory_space<vmem_shared>> -> memref<128x128xf32, #tpu.memory_space<vmem_shared>>
      %dma_start3A_52 = arith.constant 0 : i32
      %dma_start3A_53 = tpu.memref_slice %arg9[%add3A_13, %dma_start3A_52] : memref<10240x128xf32, #tpu.memory_space<vmem_shared>> -> memref<128x128xf32, #tpu.memory_space<vmem_shared>>
      tpu.enqueue_dma source(%arg8 : memref<128x128xf32, #tpu.memory_space<vmem>>) target(%dma_start3A_53 : memref<128x128xf32, #tpu.memory_space<vmem_shared>>) target_semaphore(%run_scoped3A : memref<!tpu.dma_semaphore, #tpu.memory_space<semaphore_mem>>)
      %dma_wait3A = arith.constant 0 : i32
      %dma_wait3A_54 = tpu.memref_slice %arg9[%add3A_13, %dma_wait3A] : memref<10240x128xf32, #tpu.memory_space<vmem_shared>> -> memref<128x128xf32, #tpu.memory_space<vmem_shared>>
      %dma_wait3A_55 = arith.constant 0 : i32
      %dma_wait3A_56 = tpu.memref_slice %arg9[%add3A_13, %dma_wait3A_55] : memref<10240x128xf32, #tpu.memory_space<vmem_shared>> -> memref<128x128xf32, #tpu.memory_space<vmem_shared>>
      tpu.wait_dma2 semaphore(%run_scoped3A : memref<!tpu.dma_semaphore, #tpu.memory_space<semaphore_mem>>) src(%arg8 : memref<128x128xf32, #tpu.memory_space<vmem>>) dst(%dma_wait3A_56 : memref<128x128xf32, #tpu.memory_space<vmem_shared>>)
      tpu.yield
    }) : () -> ()
    %add3A_14 = arith.constant 384 : i32
    %add3A_15 = arith.addi %mul3A_2, %add3A_14 : i32
    "tpu.region"() ({
      %run_scoped3A = tpu.sem_alloc : memref<!tpu.dma_semaphore, #tpu.memory_space<semaphore_mem>>
      %dma_start3A = arith.constant 0 : i32
      %dma_start3A_51 = tpu.memref_slice %arg9[%add3A_15, %dma_start3A] : memref<10240x128xf32, #tpu.memory_space<vmem_shared>> -> memref<128x128xf32, #tpu.memory_space<vmem_shared>>
      %dma_start3A_52 = arith.constant 0 : i32
      %dma_start3A_53 = tpu.memref_slice %arg9[%add3A_15, %dma_start3A_52] : memref<10240x128xf32, #tpu.memory_space<vmem_shared>> -> memref<128x128xf32, #tpu.memory_space<vmem_shared>>
      tpu.enqueue_dma source(%arg8 : memref<128x128xf32, #tpu.memory_space<vmem>>) target(%dma_start3A_53 : memref<128x128xf32, #tpu.memory_space<vmem_shared>>) target_semaphore(%run_scoped3A : memref<!tpu.dma_semaphore, #tpu.memory_space<semaphore_mem>>)
      %dma_wait3A = arith.constant 0 : i32
      %dma_wait3A_54 = tpu.memref_slice %arg9[%add3A_15, %dma_wait3A] : memref<10240x128xf32, #tpu.memory_space<vmem_shared>> -> memref<128x128xf32, #tpu.memory_space<vmem_shared>>
      %dma_wait3A_55 = arith.constant 0 : i32
      %dma_wait3A_56 = tpu.memref_slice %arg9[%add3A_15, %dma_wait3A_55] : memref<10240x128xf32, #tpu.memory_space<vmem_shared>> -> memref<128x128xf32, #tpu.memory_space<vmem_shared>>
      tpu.wait_dma2 semaphore(%run_scoped3A : memref<!tpu.dma_semaphore, #tpu.memory_space<semaphore_mem>>) src(%arg8 : memref<128x128xf32, #tpu.memory_space<vmem>>) dst(%dma_wait3A_56 : memref<128x128xf32, #tpu.memory_space<vmem_shared>>)
      tpu.yield
    }) : () -> ()
    %add3A_16 = arith.constant 512 : i32
    %add3A_17 = arith.addi %mul3A_2, %add3A_16 : i32
    "tpu.region"() ({
      %run_scoped3A = tpu.sem_alloc : memref<!tpu.dma_semaphore, #tpu.memory_space<semaphore_mem>>
      %dma_start3A = arith.constant 0 : i32
      %dma_start3A_51 = tpu.memref_slice %arg9[%add3A_17, %dma_start3A] : memref<10240x128xf32, #tpu.memory_space<vmem_shared>> -> memref<128x128xf32, #tpu.memory_space<vmem_shared>>
      %dma_start3A_52 = arith.constant 0 : i32
      %dma_start3A_53 = tpu.memref_slice %arg9[%add3A_17, %dma_start3A_52] : memref<10240x128xf32, #tpu.memory_space<vmem_shared>> -> memref<128x128xf32, #tpu.memory_space<vmem_shared>>
      tpu.enqueue_dma source(%arg8 : memref<128x128xf32, #tpu.memory_space<vmem>>) target(%dma_start3A_53 : memref<128x128xf32, #tpu.memory_space<vmem_shared>>) target_semaphore(%run_scoped3A : memref<!tpu.dma_semaphore, #tpu.memory_space<semaphore_mem>>)
      %dma_wait3A = arith.constant 0 : i32
      %dma_wait3A_54 = tpu.memref_slice %arg9[%add3A_17, %dma_wait3A] : memref<10240x128xf32, #tpu.memory_space<vmem_shared>> -> memref<128x128xf32, #tpu.memory_space<vmem_shared>>
      %dma_wait3A_55 = arith.constant 0 : i32
      %dma_wait3A_56 = tpu.memref_slice %arg9[%add3A_17, %dma_wait3A_55] : memref<10240x128xf32, #tpu.memory_space<vmem_shared>> -> memref<128x128xf32, #tpu.memory_space<vmem_shared>>
      tpu.wait_dma2 semaphore(%run_scoped3A : memref<!tpu.dma_semaphore, #tpu.memory_space<semaphore_mem>>) src(%arg8 : memref<128x128xf32, #tpu.memory_space<vmem>>) dst(%dma_wait3A_56 : memref<128x128xf32, #tpu.memory_space<vmem_shared>>)
      tpu.yield
    }) : () -> ()
    %barrier3A = arith.constant 0 : index
    tpu.barrier barrier_id(%barrier3A)
    %mul3A_18 = arith.constant 10112 : i32
    %mul3A_19 = arith.muli %add3A, %mul3A_18 : i32
    %scan3A_20 = arith.constant 0 : i32
    %scan3A_21 = arith.constant 79 : i32
    %scan3A_22 = arith.addi %scan3A_20, %scan3A_21 : i32
    %scan3A_23 = arith.constant 1 : i32
    scf.for %scan3A_51 = %scan3A_20 to %scan3A_22 step %scan3A_23  : i32 {
      %mul3A_52 = arith.constant 1 : i32
      %mul3A_53 = arith.muli %scan3A_51, %mul3A_52 : i32
      %add3A_54 = arith.constant 0 : i32
      %add3A_55 = arith.addi %add3A_54, %mul3A_53 : i32
      %mul3A_56 = arith.constant 128 : i32
      %mul3A_57 = arith.muli %add3A_55, %mul3A_56 : i32
      %add3A_58 = arith.addi %mul3A_19, %mul3A_57 : i32
      %multiple_of3A = tpu.assume_multiple %add3A_58, 128 : i32
      "tpu.region"() ({
        %run_scoped3A = tpu.sem_alloc : memref<!tpu.dma_semaphore, #tpu.memory_space<semaphore_mem>>
        %dma_start3A_63 = tpu.memref_slice %arg3[%multiple_of3A] : memref<323584xi32, #tpu.memory_space<hbm>> -> memref<128xi32, #tpu.memory_space<hbm>>
        %dma_start3A_64 = tpu.memref_slice %arg3[%multiple_of3A] : memref<323584xi32, #tpu.memory_space<hbm>> -> memref<128xi32, #tpu.memory_space<hbm>>
        tpu.enqueue_dma source(%dma_start3A_64 : memref<128xi32, #tpu.memory_space<hbm>>) target(%arg6 : memref<128xi32, #tpu.memory_space<vmem>>) target_semaphore(%run_scoped3A : memref<!tpu.dma_semaphore, #tpu.memory_space<semaphore_mem>>)
        %dma_wait3A_65 = tpu.memref_slice %arg3[%multiple_of3A] : memref<323584xi32, #tpu.memory_space<hbm>> -> memref<128xi32, #tpu.memory_space<hbm>>
        %dma_wait3A_66 = tpu.memref_slice %arg3[%multiple_of3A] : memref<323584xi32, #tpu.memory_space<hbm>> -> memref<128xi32, #tpu.memory_space<hbm>>
        tpu.wait_dma2 semaphore(%run_scoped3A : memref<!tpu.dma_semaphore, #tpu.memory_space<semaphore_mem>>) src(%dma_wait3A_66 : memref<128xi32, #tpu.memory_space<hbm>>) dst(%arg6 : memref<128xi32, #tpu.memory_space<vmem>>)
        tpu.yield
      }) : () -> ()
      "tpu.region"() ({
        %run_scoped3A = tpu.sem_alloc : memref<!tpu.dma_semaphore, #tpu.memory_space<semaphore_mem>>
        %dma_start3A_63 = tpu.memref_slice %arg4[%multiple_of3A] : memref<323584xi32, #tpu.memory_space<hbm>> -> memref<128xi32, #tpu.memory_space<hbm>>
        %dma_start3A_64 = tpu.memref_slice %arg4[%multiple_of3A] : memref<323584xi32, #tpu.memory_space<hbm>> -> memref<128xi32, #tpu.memory_space<hbm>>
        tpu.enqueue_dma source(%dma_start3A_64 : memref<128xi32, #tpu.memory_space<hbm>>) target(%arg7 : memref<128xi32, #tpu.memory_space<vmem>>) target_semaphore(%run_scoped3A : memref<!tpu.dma_semaphore, #tpu.memory_space<semaphore_mem>>)
        %dma_wait3A_65 = tpu.memref_slice %arg4[%multiple_of3A] : memref<323584xi32, #tpu.memory_space<hbm>> -> memref<128xi32, #tpu.memory_space<hbm>>
        %dma_wait3A_66 = tpu.memref_slice %arg4[%multiple_of3A] : memref<323584xi32, #tpu.memory_space<hbm>> -> memref<128xi32, #tpu.memory_space<hbm>>
        tpu.wait_dma2 semaphore(%run_scoped3A : memref<!tpu.dma_semaphore, #tpu.memory_space<semaphore_mem>>) src(%dma_wait3A_66 : memref<128xi32, #tpu.memory_space<hbm>>) dst(%arg7 : memref<128xi32, #tpu.memory_space<vmem>>)
        tpu.yield
      }) : () -> ()
      %dma_start3A = arith.constant 0 : i32
      %dma_start3A_59 = arith.constant 0 : i32
      %dma_start3A_60 = tpu.memref_slice %arg2[%dma_start3A, %dma_start3A_59] : memref<10240x128xf32, #tpu.memory_space<hbm>> -> memref<10240x128xf32, #tpu.memory_space<hbm>>
      tpu.enqueue_indirect_dma source(%dma_start3A_60 : memref<10240x128xf32, #tpu.memory_space<hbm>>) target(%arg8 : memref<128x128xf32, #tpu.memory_space<vmem>>) offsets(%arg6 : memref<128xi32, #tpu.memory_space<vmem>>) semaphore(%arg10 : memref<!tpu.dma_semaphore, #tpu.memory_space<semaphore_mem>>)
      %dma_wait3A = arith.constant 0 : i32
      %dma_wait3A_61 = arith.constant 0 : i32
      %dma_wait3A_62 = tpu.memref_slice %arg2[%dma_wait3A, %dma_wait3A_61] : memref<10240x128xf32, #tpu.memory_space<hbm>> -> memref<10240x128xf32, #tpu.memory_space<hbm>>
      tpu.wait_indirect_dma semaphore(%arg10 : memref<!tpu.dma_semaphore, #tpu.memory_space<semaphore_mem>>) src(%dma_wait3A_62 : memref<10240x128xf32, #tpu.memory_space<hbm>>) dst(%arg8 : memref<128x128xf32, #tpu.memory_space<vmem>>)
      "tpu.region"() ({
        %run_scoped3A = tpu.sem_alloc : memref<!tpu.dma_semaphore, #tpu.memory_space<semaphore_mem>>
        %dma_start3A_63 = arith.constant 0 : i32
        %dma_start3A_64 = arith.constant 0 : i32
        %dma_start3A_65 = tpu.memref_slice %arg9[%dma_start3A_63, %dma_start3A_64] : memref<10240x128xf32, #tpu.memory_space<vmem_shared>> -> memref<10240x128xf32, #tpu.memory_space<vmem_shared>>
        tpu.enqueue_indirect_dma source(%arg8 : memref<128x128xf32, #tpu.memory_space<vmem>>) target(%dma_start3A_65 : memref<10240x128xf32, #tpu.memory_space<vmem_shared>>) offsets(%arg7 : memref<128xi32, #tpu.memory_space<vmem>>) semaphore(%run_scoped3A : memref<!tpu.dma_semaphore, #tpu.memory_space<semaphore_mem>>) {add = true}
        %dma_wait3A_66 = arith.constant 0 : i32
        %dma_wait3A_67 = arith.constant 0 : i32
        %dma_wait3A_68 = tpu.memref_slice %arg9[%dma_wait3A_66, %dma_wait3A_67] : memref<10240x128xf32, #tpu.memory_space<vmem_shared>> -> memref<10240x128xf32, #tpu.memory_space<vmem_shared>>
        tpu.wait_indirect_dma semaphore(%run_scoped3A : memref<!tpu.dma_semaphore, #tpu.memory_space<semaphore_mem>>) src(%arg8 : memref<128x128xf32, #tpu.memory_space<vmem>>) dst(%dma_wait3A_68 : memref<10240x128xf32, #tpu.memory_space<vmem_shared>>)
        tpu.yield
      }) : () -> ()
    }
    %scan3A_24 = arith.constant 79 : i32
    %barrier3A_25 = arith.constant 0 : index
    tpu.barrier barrier_id(%barrier3A_25)
    %add3A_26 = arith.constant 0 : i32
    %add3A_27 = arith.addi %mul3A_2, %add3A_26 : i32
    %mul3A_28 = arith.constant 10240 : i32
    %mul3A_29 = arith.muli %arg0, %mul3A_28 : i32
    %add3A_30 = arith.addi %mul3A_29, %add3A_27 : i32
    "tpu.region"() ({
      %run_scoped3A = tpu.sem_alloc : memref<!tpu.dma_semaphore, #tpu.memory_space<semaphore_mem>>
      %dma_start3A = arith.constant 0 : i32
      %dma_start3A_51 = tpu.memref_slice %arg5[%add3A_30, %dma_start3A] : memref<20480x128xf32, #tpu.memory_space<hbm>> -> memref<128x128xf32, #tpu.memory_space<hbm>>
      %dma_start3A_52 = arith.constant 0 : i32
      %dma_start3A_53 = tpu.memref_slice %arg9[%add3A_27, %dma_start3A_52] : memref<10240x128xf32, #tpu.memory_space<vmem_shared>> -> memref<128x128xf32, #tpu.memory_space<vmem_shared>>
      tpu.enqueue_dma source(%dma_start3A_53 : memref<128x128xf32, #tpu.memory_space<vmem_shared>>) target(%dma_start3A_51 : memref<128x128xf32, #tpu.memory_space<hbm>>) target_semaphore(%run_scoped3A : memref<!tpu.dma_semaphore, #tpu.memory_space<semaphore_mem>>)
      %dma_wait3A = arith.constant 0 : i32
      %dma_wait3A_54 = tpu.memref_slice %arg5[%add3A_30, %dma_wait3A] : memref<20480x128xf32, #tpu.memory_space<hbm>> -> memref<128x128xf32, #tpu.memory_space<hbm>>
      %dma_wait3A_55 = arith.constant 0 : i32
      %dma_wait3A_56 = tpu.memref_slice %arg9[%add3A_27, %dma_wait3A_55] : memref<10240x128xf32, #tpu.memory_space<vmem_shared>> -> memref<128x128xf32, #tpu.memory_space<vmem_shared>>
      tpu.wait_dma2 semaphore(%run_scoped3A : memref<!tpu.dma_semaphore, #tpu.memory_space<semaphore_mem>>) src(%dma_wait3A_56 : memref<128x128xf32, #tpu.memory_space<vmem_shared>>) dst(%dma_wait3A_54 : memref<128x128xf32, #tpu.memory_space<hbm>>)
      tpu.yield
    }) : () -> ()
    %add3A_31 = arith.constant 128 : i32
    %add3A_32 = arith.addi %mul3A_2, %add3A_31 : i32
    %mul3A_33 = arith.constant 10240 : i32
    %mul3A_34 = arith.muli %arg0, %mul3A_33 : i32
    %add3A_35 = arith.addi %mul3A_34, %add3A_32 : i32
    "tpu.region"() ({
      %run_scoped3A = tpu.sem_alloc : memref<!tpu.dma_semaphore, #tpu.memory_space<semaphore_mem>>
      %dma_start3A = arith.constant 0 : i32
      %dma_start3A_51 = tpu.memref_slice %arg5[%add3A_35, %dma_start3A] : memref<20480x128xf32, #tpu.memory_space<hbm>> -> memref<128x128xf32, #tpu.memory_space<hbm>>
      %dma_start3A_52 = arith.constant 0 : i32
      %dma_start3A_53 = tpu.memref_slice %arg9[%add3A_32, %dma_start3A_52] : memref<10240x128xf32, #tpu.memory_space<vmem_shared>> -> memref<128x128xf32, #tpu.memory_space<vmem_shared>>
      tpu.enqueue_dma source(%dma_start3A_53 : memref<128x128xf32, #tpu.memory_space<vmem_shared>>) target(%dma_start3A_51 : memref<128x128xf32, #tpu.memory_space<hbm>>) target_semaphore(%run_scoped3A : memref<!tpu.dma_semaphore, #tpu.memory_space<semaphore_mem>>)
      %dma_wait3A = arith.constant 0 : i32
      %dma_wait3A_54 = tpu.memref_slice %arg5[%add3A_35, %dma_wait3A] : memref<20480x128xf32, #tpu.memory_space<hbm>> -> memref<128x128xf32, #tpu.memory_space<hbm>>
      %dma_wait3A_55 = arith.constant 0 : i32
      %dma_wait3A_56 = tpu.memref_slice %arg9[%add3A_32, %dma_wait3A_55] : memref<10240x128xf32, #tpu.memory_space<vmem_shared>> -> memref<128x128xf32, #tpu.memory_space<vmem_shared>>
      tpu.wait_dma2 semaphore(%run_scoped3A : memref<!tpu.dma_semaphore, #tpu.memory_space<semaphore_mem>>) src(%dma_wait3A_56 : memref<128x128xf32, #tpu.memory_space<vmem_shared>>) dst(%dma_wait3A_54 : memref<128x128xf32, #tpu.memory_space<hbm>>)
      tpu.yield
    }) : () -> ()
    %add3A_36 = arith.constant 256 : i32
    %add3A_37 = arith.addi %mul3A_2, %add3A_36 : i32
    %mul3A_38 = arith.constant 10240 : i32
    %mul3A_39 = arith.muli %arg0, %mul3A_38 : i32
    %add3A_40 = arith.addi %mul3A_39, %add3A_37 : i32
    "tpu.region"() ({
      %run_scoped3A = tpu.sem_alloc : memref<!tpu.dma_semaphore, #tpu.memory_space<semaphore_mem>>
      %dma_start3A = arith.constant 0 : i32
      %dma_start3A_51 = tpu.memref_slice %arg5[%add3A_40, %dma_start3A] : memref<20480x128xf32, #tpu.memory_space<hbm>> -> memref<128x128xf32, #tpu.memory_space<hbm>>
      %dma_start3A_52 = arith.constant 0 : i32
      %dma_start3A_53 = tpu.memref_slice %arg9[%add3A_37, %dma_start3A_52] : memref<10240x128xf32, #tpu.memory_space<vmem_shared>> -> memref<128x128xf32, #tpu.memory_space<vmem_shared>>
      tpu.enqueue_dma source(%dma_start3A_53 : memref<128x128xf32, #tpu.memory_space<vmem_shared>>) target(%dma_start3A_51 : memref<128x128xf32, #tpu.memory_space<hbm>>) target_semaphore(%run_scoped3A : memref<!tpu.dma_semaphore, #tpu.memory_space<semaphore_mem>>)
      %dma_wait3A = arith.constant 0 : i32
      %dma_wait3A_54 = tpu.memref_slice %arg5[%add3A_40, %dma_wait3A] : memref<20480x128xf32, #tpu.memory_space<hbm>> -> memref<128x128xf32, #tpu.memory_space<hbm>>
      %dma_wait3A_55 = arith.constant 0 : i32
      %dma_wait3A_56 = tpu.memref_slice %arg9[%add3A_37, %dma_wait3A_55] : memref<10240x128xf32, #tpu.memory_space<vmem_shared>> -> memref<128x128xf32, #tpu.memory_space<vmem_shared>>
      tpu.wait_dma2 semaphore(%run_scoped3A : memref<!tpu.dma_semaphore, #tpu.memory_space<semaphore_mem>>) src(%dma_wait3A_56 : memref<128x128xf32, #tpu.memory_space<vmem_shared>>) dst(%dma_wait3A_54 : memref<128x128xf32, #tpu.memory_space<hbm>>)
      tpu.yield
    }) : () -> ()
    %add3A_41 = arith.constant 384 : i32
    %add3A_42 = arith.addi %mul3A_2, %add3A_41 : i32
    %mul3A_43 = arith.constant 10240 : i32
    %mul3A_44 = arith.muli %arg0, %mul3A_43 : i32
    %add3A_45 = arith.addi %mul3A_44, %add3A_42 : i32
    "tpu.region"() ({
      %run_scoped3A = tpu.sem_alloc : memref<!tpu.dma_semaphore, #tpu.memory_space<semaphore_mem>>
      %dma_start3A = arith.constant 0 : i32
      %dma_start3A_51 = tpu.memref_slice %arg5[%add3A_45, %dma_start3A] : memref<20480x128xf32, #tpu.memory_space<hbm>> -> memref<128x128xf32, #tpu.memory_space<hbm>>
      %dma_start3A_52 = arith.constant 0 : i32
      %dma_start3A_53 = tpu.memref_slice %arg9[%add3A_42, %dma_start3A_52] : memref<10240x128xf32, #tpu.memory_space<vmem_shared>> -> memref<128x128xf32, #tpu.memory_space<vmem_shared>>
      tpu.enqueue_dma source(%dma_start3A_53 : memref<128x128xf32, #tpu.memory_space<vmem_shared>>) target(%dma_start3A_51 : memref<128x128xf32, #tpu.memory_space<hbm>>) target_semaphore(%run_scoped3A : memref<!tpu.dma_semaphore, #tpu.memory_space<semaphore_mem>>)
      %dma_wait3A = arith.constant 0 : i32
      %dma_wait3A_54 = tpu.memref_slice %arg5[%add3A_45, %dma_wait3A] : memref<20480x128xf32, #tpu.memory_space<hbm>> -> memref<128x128xf32, #tpu.memory_space<hbm>>
      %dma_wait3A_55 = arith.constant 0 : i32
      %dma_wait3A_56 = tpu.memref_slice %arg9[%add3A_42, %dma_wait3A_55] : memref<10240x128xf32, #tpu.memory_space<vmem_shared>> -> memref<128x128xf32, #tpu.memory_space<vmem_shared>>
      tpu.wait_dma2 semaphore(%run_scoped3A : memref<!tpu.dma_semaphore, #tpu.memory_space<semaphore_mem>>) src(%dma_wait3A_56 : memref<128x128xf32, #tpu.memory_space<vmem_shared>>) dst(%dma_wait3A_54 : memref<128x128xf32, #tpu.memory_space<hbm>>)
      tpu.yield
    }) : () -> ()
    %add3A_46 = arith.constant 512 : i32
    %add3A_47 = arith.addi %mul3A_2, %add3A_46 : i32
    %mul3A_48 = arith.constant 10240 : i32
    %mul3A_49 = arith.muli %arg0, %mul3A_48 : i32
    %add3A_50 = arith.addi %mul3A_49, %add3A_47 : i32
    "tpu.region"() ({
      %run_scoped3A = tpu.sem_alloc : memref<!tpu.dma_semaphore, #tpu.memory_space<semaphore_mem>>
      %dma_start3A = arith.constant 0 : i32
      %dma_start3A_51 = tpu.memref_slice %arg5[%add3A_50, %dma_start3A] : memref<20480x128xf32, #tpu.memory_space<hbm>> -> memref<128x128xf32, #tpu.memory_space<hbm>>
      %dma_start3A_52 = arith.constant 0 : i32
      %dma_start3A_53 = tpu.memref_slice %arg9[%add3A_47, %dma_start3A_52] : memref<10240x128xf32, #tpu.memory_space<vmem_shared>> -> memref<128x128xf32, #tpu.memory_space<vmem_shared>>
      tpu.enqueue_dma source(%dma_start3A_53 : memref<128x128xf32, #tpu.memory_space<vmem_shared>>) target(%dma_start3A_51 : memref<128x128xf32, #tpu.memory_space<hbm>>) target_semaphore(%run_scoped3A : memref<!tpu.dma_semaphore, #tpu.memory_space<semaphore_mem>>)
      %dma_wait3A = arith.constant 0 : i32
      %dma_wait3A_54 = tpu.memref_slice %arg5[%add3A_50, %dma_wait3A] : memref<20480x128xf32, #tpu.memory_space<hbm>> -> memref<128x128xf32, #tpu.memory_space<hbm>>
      %dma_wait3A_55 = arith.constant 0 : i32
      %dma_wait3A_56 = tpu.memref_slice %arg9[%add3A_47, %dma_wait3A_55] : memref<10240x128xf32, #tpu.memory_space<vmem_shared>> -> memref<128x128xf32, #tpu.memory_space<vmem_shared>>
      tpu.wait_dma2 semaphore(%run_scoped3A : memref<!tpu.dma_semaphore, #tpu.memory_space<semaphore_mem>>) src(%dma_wait3A_56 : memref<128x128xf32, #tpu.memory_space<vmem_shared>>) dst(%dma_wait3A_54 : memref<128x128xf32, #tpu.memory_space<hbm>>)
      tpu.yield
    }) : () -> ()
    return
  }
}

#map = affine_map<(d0, d1) -> (0)>
#map1 = affine_map<(d0, d1) -> (0, 0)>
module attributes {stable_mosaic.version = 14 : i64} {
  func.func @k(%arg0: i32, %arg1: i32, %arg2: memref<323584xi32, #tpu.memory_space<hbm>>, %arg3: memref<20480x128xf32, #tpu.memory_space<hbm>>, %arg4: memref<128xi32, #tpu.memory_space<vmem>>, %arg5: memref<128x128xf32, #tpu.memory_space<vmem>>, %arg6: memref<10240x128xf32, #tpu.memory_space<vmem_shared>>) attributes {dimension_semantics = [#tpu.dimension_semantics<core_parallel>, #tpu.dimension_semantics<subcore_parallel>], iteration_bounds = array<i64: 2, 16>, scalar_prefetch = 0 : i64, scratch_operands = 3 : i64, tpu.core_type = #tpu.core_type<sc_vector_subcore>, window_params = [{transform_indices = #map}, {transform_indices = #map1}]} {
    %mul3A = arith.constant 2 : i32
    %mul3A_0 = arith.muli %arg1, %mul3A : i32
    %add3A = arith.addi %mul3A_0, %arg0 : i32
    %mul3A_1 = arith.constant 640 : i32
    %mul3A_2 = arith.muli %arg1, %mul3A_1 : i32
    %broadcast_in_dim3A = arith.constant 0.000000e+00 : f32
    %broadcast_in_dim3A_3 = vector.broadcast %broadcast_in_dim3A : f32 to vector<16xf32>
    %broadcast_in_dim3A_4 = arith.constant 1.000000e+00 : f32
    %broadcast_in_dim3A_5 = vector.broadcast %broadcast_in_dim3A_4 : f32 to vector<16xf32>
    %scan3A = arith.constant 0 : i32
    %scan3A_6 = arith.constant 128 : i32
    %scan3A_7 = arith.addi %scan3A, %scan3A_6 : i32
    %scan3A_8 = arith.constant 1 : i32
    scf.for %scan3A_58 = %scan3A to %scan3A_7 step %scan3A_8  : i32 {
      %mul3A_59 = arith.constant 1 : i32
      %mul3A_60 = arith.muli %scan3A_58, %mul3A_59 : i32
      %add3A_61 = arith.constant 0 : i32
      %add3A_62 = arith.addi %add3A_61, %mul3A_60 : i32
      %swap3A = arith.index_cast %add3A_62 : i32 to index
      %swap3A_63 = arith.constant 0 : index
      %swap3A_64 = tpu.vector_load %arg5[%swap3A, %swap3A_63] {strides = array<i32>} : memref<128x128xf32, #tpu.memory_space<vmem>>, vector<1x16xf32>,
      %swap3A_65 = vector.shape_cast %swap3A_64 : vector<1x16xf32> to vector<16xf32>
      %swap3A_66 = vector.shape_cast %broadcast_in_dim3A_3 : vector<16xf32> to vector<1x16xf32>
      tpu.vector_store %arg5[%swap3A, %swap3A_63], %swap3A_66 {strides = array<i32>} : memref<128x128xf32, #tpu.memory_space<vmem>>, vector<1x16xf32>,
      %swap3A_67 = arith.index_cast %add3A_62 : i32 to index
      %swap3A_68 = arith.constant 16 : index
      %swap3A_69 = tpu.vector_load %arg5[%swap3A_67, %swap3A_68] {strides = array<i32>} : memref<128x128xf32, #tpu.memory_space<vmem>>, vector<1x16xf32>,
      %swap3A_70 = vector.shape_cast %swap3A_69 : vector<1x16xf32> to vector<16xf32>
      %swap3A_71 = vector.shape_cast %broadcast_in_dim3A_3 : vector<16xf32> to vector<1x16xf32>
      tpu.vector_store %arg5[%swap3A_67, %swap3A_68], %swap3A_71 {strides = array<i32>} : memref<128x128xf32, #tpu.memory_space<vmem>>, vector<1x16xf32>,
      %swap3A_72 = arith.index_cast %add3A_62 : i32 to index
      %swap3A_73 = arith.constant 32 : index
      %swap3A_74 = tpu.vector_load %arg5[%swap3A_72, %swap3A_73] {strides = array<i32>} : memref<128x128xf32, #tpu.memory_space<vmem>>, vector<1x16xf32>,
      %swap3A_75 = vector.shape_cast %swap3A_74 : vector<1x16xf32> to vector<16xf32>
      %swap3A_76 = vector.shape_cast %broadcast_in_dim3A_3 : vector<16xf32> to vector<1x16xf32>
      tpu.vector_store %arg5[%swap3A_72, %swap3A_73], %swap3A_76 {strides = array<i32>} : memref<128x128xf32, #tpu.memory_space<vmem>>, vector<1x16xf32>,
      %swap3A_77 = arith.index_cast %add3A_62 : i32 to index
      %swap3A_78 = arith.constant 48 : index
      %swap3A_79 = tpu.vector_load %arg5[%swap3A_77, %swap3A_78] {strides = array<i32>} : memref<128x128xf32, #tpu.memory_space<vmem>>, vector<1x16xf32>,
      %swap3A_80 = vector.shape_cast %swap3A_79 : vector<1x16xf32> to vector<16xf32>
      %swap3A_81 = vector.shape_cast %broadcast_in_dim3A_3 : vector<16xf32> to vector<1x16xf32>
      tpu.vector_store %arg5[%swap3A_77, %swap3A_78], %swap3A_81 {strides = array<i32>} : memref<128x128xf32, #tpu.memory_space<vmem>>, vector<1x16xf32>,
      %swap3A_82 = arith.index_cast %add3A_62 : i32 to index
      %swap3A_83 = arith.constant 64 : index
      %swap3A_84 = tpu.vector_load %arg5[%swap3A_82, %swap3A_83] {strides = array<i32>} : memref<128x128xf32, #tpu.memory_space<vmem>>, vector<1x16xf32>,
      %swap3A_85 = vector.shape_cast %swap3A_84 : vector<1x16xf32> to vector<16xf32>
      %swap3A_86 = vector.shape_cast %broadcast_in_dim3A_3 : vector<16xf32> to vector<1x16xf32>
      tpu.vector_store %arg5[%swap3A_82, %swap3A_83], %swap3A_86 {strides = array<i32>} : memref<128x128xf32, #tpu.memory_space<vmem>>, vector<1x16xf32>,
      %swap3A_87 = arith.index_cast %add3A_62 : i32 to index
      %swap3A_88 = arith.constant 80 : index
      %swap3A_89 = tpu.vector_load %arg5[%swap3A_87, %swap3A_88] {strides = array<i32>} : memref<128x128xf32, #tpu.memory_space<vmem>>, vector<1x16xf32>,
      %swap3A_90 = vector.shape_cast %swap3A_89 : vector<1x16xf32> to vector<16xf32>
      %swap3A_91 = vector.shape_cast %broadcast_in_dim3A_3 : vector<16xf32> to vector<1x16xf32>
      tpu.vector_store %arg5[%swap3A_87, %swap3A_88], %swap3A_91 {strides = array<i32>} : memref<128x128xf32, #tpu.memory_space<vmem>>, vector<1x16xf32>,
      %swap3A_92 = arith.index_cast %add3A_62 : i32 to index
      %swap3A_93 = arith.constant 96 : index
      %swap3A_94 = tpu.vector_load %arg5[%swap3A_92, %swap3A_93] {strides = array<i32>} : memref<128x128xf32, #tpu.memory_space<vmem>>, vector<1x16xf32>,
      %swap3A_95 = vector.shape_cast %swap3A_94 : vector<1x16xf32> to vector<16xf32>
      %swap3A_96 = vector.shape_cast %broadcast_in_dim3A_3 : vector<16xf32> to vector<1x16xf32>
      tpu.vector_store %arg5[%swap3A_92, %swap3A_93], %swap3A_96 {strides = array<i32>} : memref<128x128xf32, #tpu.memory_space<vmem>>, vector<1x16xf32>,
      %swap3A_97 = arith.index_cast %add3A_62 : i32 to index
      %swap3A_98 = arith.constant 112 : index
      %swap3A_99 = tpu.vector_load %arg5[%swap3A_97, %swap3A_98] {strides = array<i32>} : memref<128x128xf32, #tpu.memory_space<vmem>>, vector<1x16xf32>,
      %swap3A_100 = vector.shape_cast %swap3A_99 : vector<1x16xf32> to vector<16xf32>
      %swap3A_101 = vector.shape_cast %broadcast_in_dim3A_3 : vector<16xf32> to vector<1x16xf32>
      tpu.vector_store %arg5[%swap3A_97, %swap3A_98], %swap3A_101 {strides = array<i32>} : memref<128x128xf32, #tpu.memory_space<vmem>>, vector<1x16xf32>,
    }
    %scan3A_9 = arith.constant 128 : i32
    %add3A_10 = arith.constant 0 : i32
    %add3A_11 = arith.addi %mul3A_2, %add3A_10 : i32
    "tpu.region"() ({
      %run_scoped3A = tpu.sem_alloc : memref<!tpu.dma_semaphore, #tpu.memory_space<semaphore_mem>>
      %dma_start3A = arith.constant 0 : i32
      %dma_start3A_58 = tpu.memref_slice %arg6[%add3A_11, %dma_start3A] : memref<10240x128xf32, #tpu.memory_space<vmem_shared>> -> memref<128x128xf32, #tpu.memory_space<vmem_shared>>
      %dma_start3A_59 = arith.constant 0 : i32
      %dma_start3A_60 = tpu.memref_slice %arg6[%add3A_11, %dma_start3A_59] : memref<10240x128xf32, #tpu.memory_space<vmem_shared>> -> memref<128x128xf32, #tpu.memory_space<vmem_shared>>
      tpu.enqueue_dma source(%arg5 : memref<128x128xf32, #tpu.memory_space<vmem>>) target(%dma_start3A_60 : memref<128x128xf32, #tpu.memory_space<vmem_shared>>) target_semaphore(%run_scoped3A : memref<!tpu.dma_semaphore, #tpu.memory_space<semaphore_mem>>)
      %dma_wait3A = arith.constant 0 : i32
      %dma_wait3A_61 = tpu.memref_slice %arg6[%add3A_11, %dma_wait3A] : memref<10240x128xf32, #tpu.memory_space<vmem_shared>> -> memref<128x128xf32, #tpu.memory_space<vmem_shared>>
      %dma_wait3A_62 = arith.constant 0 : i32
      %dma_wait3A_63 = tpu.memref_slice %arg6[%add3A_11, %dma_wait3A_62] : memref<10240x128xf32, #tpu.memory_space<vmem_shared>> -> memref<128x128xf32, #tpu.memory_space<vmem_shared>>
      tpu.wait_dma2 semaphore(%run_scoped3A : memref<!tpu.dma_semaphore, #tpu.memory_space<semaphore_mem>>) src(%arg5 : memref<128x128xf32, #tpu.memory_space<vmem>>) dst(%dma_wait3A_63 : memref<128x128xf32, #tpu.memory_space<vmem_shared>>)
      tpu.yield
    }) : () -> ()
    %add3A_12 = arith.constant 128 : i32
    %add3A_13 = arith.addi %mul3A_2, %add3A_12 : i32
    "tpu.region"() ({
      %run_scoped3A = tpu.sem_alloc : memref<!tpu.dma_semaphore, #tpu.memory_space<semaphore_mem>>
      %dma_start3A = arith.constant 0 : i32
      %dma_start3A_58 = tpu.memref_slice %arg6[%add3A_13, %dma_start3A] : memref<10240x128xf32, #tpu.memory_space<vmem_shared>> -> memref<128x128xf32, #tpu.memory_space<vmem_shared>>
      %dma_start3A_59 = arith.constant 0 : i32
      %dma_start3A_60 = tpu.memref_slice %arg6[%add3A_13, %dma_start3A_59] : memref<10240x128xf32, #tpu.memory_space<vmem_shared>> -> memref<128x128xf32, #tpu.memory_space<vmem_shared>>
      tpu.enqueue_dma source(%arg5 : memref<128x128xf32, #tpu.memory_space<vmem>>) target(%dma_start3A_60 : memref<128x128xf32, #tpu.memory_space<vmem_shared>>) target_semaphore(%run_scoped3A : memref<!tpu.dma_semaphore, #tpu.memory_space<semaphore_mem>>)
      %dma_wait3A = arith.constant 0 : i32
      %dma_wait3A_61 = tpu.memref_slice %arg6[%add3A_13, %dma_wait3A] : memref<10240x128xf32, #tpu.memory_space<vmem_shared>> -> memref<128x128xf32, #tpu.memory_space<vmem_shared>>
      %dma_wait3A_62 = arith.constant 0 : i32
      %dma_wait3A_63 = tpu.memref_slice %arg6[%add3A_13, %dma_wait3A_62] : memref<10240x128xf32, #tpu.memory_space<vmem_shared>> -> memref<128x128xf32, #tpu.memory_space<vmem_shared>>
      tpu.wait_dma2 semaphore(%run_scoped3A : memref<!tpu.dma_semaphore, #tpu.memory_space<semaphore_mem>>) src(%arg5 : memref<128x128xf32, #tpu.memory_space<vmem>>) dst(%dma_wait3A_63 : memref<128x128xf32, #tpu.memory_space<vmem_shared>>)
      tpu.yield
    }) : () -> ()
    %add3A_14 = arith.constant 256 : i32
    %add3A_15 = arith.addi %mul3A_2, %add3A_14 : i32
    "tpu.region"() ({
      %run_scoped3A = tpu.sem_alloc : memref<!tpu.dma_semaphore, #tpu.memory_space<semaphore_mem>>
      %dma_start3A = arith.constant 0 : i32
      %dma_start3A_58 = tpu.memref_slice %arg6[%add3A_15, %dma_start3A] : memref<10240x128xf32, #tpu.memory_space<vmem_shared>> -> memref<128x128xf32, #tpu.memory_space<vmem_shared>>
      %dma_start3A_59 = arith.constant 0 : i32
      %dma_start3A_60 = tpu.memref_slice %arg6[%add3A_15, %dma_start3A_59] : memref<10240x128xf32, #tpu.memory_space<vmem_shared>> -> memref<128x128xf32, #tpu.memory_space<vmem_shared>>
      tpu.enqueue_dma source(%arg5 : memref<128x128xf32, #tpu.memory_space<vmem>>) target(%dma_start3A_60 : memref<128x128xf32, #tpu.memory_space<vmem_shared>>) target_semaphore(%run_scoped3A : memref<!tpu.dma_semaphore, #tpu.memory_space<semaphore_mem>>)
      %dma_wait3A = arith.constant 0 : i32
      %dma_wait3A_61 = tpu.memref_slice %arg6[%add3A_15, %dma_wait3A] : memref<10240x128xf32, #tpu.memory_space<vmem_shared>> -> memref<128x128xf32, #tpu.memory_space<vmem_shared>>
      %dma_wait3A_62 = arith.constant 0 : i32
      %dma_wait3A_63 = tpu.memref_slice %arg6[%add3A_15, %dma_wait3A_62] : memref<10240x128xf32, #tpu.memory_space<vmem_shared>> -> memref<128x128xf32, #tpu.memory_space<vmem_shared>>
      tpu.wait_dma2 semaphore(%run_scoped3A : memref<!tpu.dma_semaphore, #tpu.memory_space<semaphore_mem>>) src(%arg5 : memref<128x128xf32, #tpu.memory_space<vmem>>) dst(%dma_wait3A_63 : memref<128x128xf32, #tpu.memory_space<vmem_shared>>)
      tpu.yield
    }) : () -> ()
    %add3A_16 = arith.constant 384 : i32
    %add3A_17 = arith.addi %mul3A_2, %add3A_16 : i32
    "tpu.region"() ({
      %run_scoped3A = tpu.sem_alloc : memref<!tpu.dma_semaphore, #tpu.memory_space<semaphore_mem>>
      %dma_start3A = arith.constant 0 : i32
      %dma_start3A_58 = tpu.memref_slice %arg6[%add3A_17, %dma_start3A] : memref<10240x128xf32, #tpu.memory_space<vmem_shared>> -> memref<128x128xf32, #tpu.memory_space<vmem_shared>>
      %dma_start3A_59 = arith.constant 0 : i32
      %dma_start3A_60 = tpu.memref_slice %arg6[%add3A_17, %dma_start3A_59] : memref<10240x128xf32, #tpu.memory_space<vmem_shared>> -> memref<128x128xf32, #tpu.memory_space<vmem_shared>>
      tpu.enqueue_dma source(%arg5 : memref<128x128xf32, #tpu.memory_space<vmem>>) target(%dma_start3A_60 : memref<128x128xf32, #tpu.memory_space<vmem_shared>>) target_semaphore(%run_scoped3A : memref<!tpu.dma_semaphore, #tpu.memory_space<semaphore_mem>>)
      %dma_wait3A = arith.constant 0 : i32
      %dma_wait3A_61 = tpu.memref_slice %arg6[%add3A_17, %dma_wait3A] : memref<10240x128xf32, #tpu.memory_space<vmem_shared>> -> memref<128x128xf32, #tpu.memory_space<vmem_shared>>
      %dma_wait3A_62 = arith.constant 0 : i32
      %dma_wait3A_63 = tpu.memref_slice %arg6[%add3A_17, %dma_wait3A_62] : memref<10240x128xf32, #tpu.memory_space<vmem_shared>> -> memref<128x128xf32, #tpu.memory_space<vmem_shared>>
      tpu.wait_dma2 semaphore(%run_scoped3A : memref<!tpu.dma_semaphore, #tpu.memory_space<semaphore_mem>>) src(%arg5 : memref<128x128xf32, #tpu.memory_space<vmem>>) dst(%dma_wait3A_63 : memref<128x128xf32, #tpu.memory_space<vmem_shared>>)
      tpu.yield
    }) : () -> ()
    %add3A_18 = arith.constant 512 : i32
    %add3A_19 = arith.addi %mul3A_2, %add3A_18 : i32
    "tpu.region"() ({
      %run_scoped3A = tpu.sem_alloc : memref<!tpu.dma_semaphore, #tpu.memory_space<semaphore_mem>>
      %dma_start3A = arith.constant 0 : i32
      %dma_start3A_58 = tpu.memref_slice %arg6[%add3A_19, %dma_start3A] : memref<10240x128xf32, #tpu.memory_space<vmem_shared>> -> memref<128x128xf32, #tpu.memory_space<vmem_shared>>
      %dma_start3A_59 = arith.constant 0 : i32
      %dma_start3A_60 = tpu.memref_slice %arg6[%add3A_19, %dma_start3A_59] : memref<10240x128xf32, #tpu.memory_space<vmem_shared>> -> memref<128x128xf32, #tpu.memory_space<vmem_shared>>
      tpu.enqueue_dma source(%arg5 : memref<128x128xf32, #tpu.memory_space<vmem>>) target(%dma_start3A_60 : memref<128x128xf32, #tpu.memory_space<vmem_shared>>) target_semaphore(%run_scoped3A : memref<!tpu.dma_semaphore, #tpu.memory_space<semaphore_mem>>)
      %dma_wait3A = arith.constant 0 : i32
      %dma_wait3A_61 = tpu.memref_slice %arg6[%add3A_19, %dma_wait3A] : memref<10240x128xf32, #tpu.memory_space<vmem_shared>> -> memref<128x128xf32, #tpu.memory_space<vmem_shared>>
      %dma_wait3A_62 = arith.constant 0 : i32
      %dma_wait3A_63 = tpu.memref_slice %arg6[%add3A_19, %dma_wait3A_62] : memref<10240x128xf32, #tpu.memory_space<vmem_shared>> -> memref<128x128xf32, #tpu.memory_space<vmem_shared>>
      tpu.wait_dma2 semaphore(%run_scoped3A : memref<!tpu.dma_semaphore, #tpu.memory_space<semaphore_mem>>) src(%arg5 : memref<128x128xf32, #tpu.memory_space<vmem>>) dst(%dma_wait3A_63 : memref<128x128xf32, #tpu.memory_space<vmem_shared>>)
      tpu.yield
    }) : () -> ()
    %scan3A_20 = arith.constant 0 : i32
    %scan3A_21 = arith.constant 128 : i32
    %scan3A_22 = arith.addi %scan3A_20, %scan3A_21 : i32
    %scan3A_23 = arith.constant 1 : i32
    scf.for %scan3A_58 = %scan3A_20 to %scan3A_22 step %scan3A_23  : i32 {
      %mul3A_59 = arith.constant 1 : i32
      %mul3A_60 = arith.muli %scan3A_58, %mul3A_59 : i32
      %add3A_61 = arith.constant 0 : i32
      %add3A_62 = arith.addi %add3A_61, %mul3A_60 : i32
      %swap3A = arith.index_cast %add3A_62 : i32 to index
      %swap3A_63 = arith.constant 0 : index
      %swap3A_64 = tpu.vector_load %arg5[%swap3A, %swap3A_63] {strides = array<i32>} : memref<128x128xf32, #tpu.memory_space<vmem>>, vector<1x16xf32>,
      %swap3A_65 = vector.shape_cast %swap3A_64 : vector<1x16xf32> to vector<16xf32>
      %swap3A_66 = vector.shape_cast %broadcast_in_dim3A_5 : vector<16xf32> to vector<1x16xf32>
      tpu.vector_store %arg5[%swap3A, %swap3A_63], %swap3A_66 {strides = array<i32>} : memref<128x128xf32, #tpu.memory_space<vmem>>, vector<1x16xf32>,
      %swap3A_67 = arith.index_cast %add3A_62 : i32 to index
      %swap3A_68 = arith.constant 16 : index
      %swap3A_69 = tpu.vector_load %arg5[%swap3A_67, %swap3A_68] {strides = array<i32>} : memref<128x128xf32, #tpu.memory_space<vmem>>, vector<1x16xf32>,
      %swap3A_70 = vector.shape_cast %swap3A_69 : vector<1x16xf32> to vector<16xf32>
      %swap3A_71 = vector.shape_cast %broadcast_in_dim3A_5 : vector<16xf32> to vector<1x16xf32>
      tpu.vector_store %arg5[%swap3A_67, %swap3A_68], %swap3A_71 {strides = array<i32>} : memref<128x128xf32, #tpu.memory_space<vmem>>, vector<1x16xf32>,
      %swap3A_72 = arith.index_cast %add3A_62 : i32 to index
      %swap3A_73 = arith.constant 32 : index
      %swap3A_74 = tpu.vector_load %arg5[%swap3A_72, %swap3A_73] {strides = array<i32>} : memref<128x128xf32, #tpu.memory_space<vmem>>, vector<1x16xf32>,
      %swap3A_75 = vector.shape_cast %swap3A_74 : vector<1x16xf32> to vector<16xf32>
      %swap3A_76 = vector.shape_cast %broadcast_in_dim3A_5 : vector<16xf32> to vector<1x16xf32>
      tpu.vector_store %arg5[%swap3A_72, %swap3A_73], %swap3A_76 {strides = array<i32>} : memref<128x128xf32, #tpu.memory_space<vmem>>, vector<1x16xf32>,
      %swap3A_77 = arith.index_cast %add3A_62 : i32 to index
      %swap3A_78 = arith.constant 48 : index
      %swap3A_79 = tpu.vector_load %arg5[%swap3A_77, %swap3A_78] {strides = array<i32>} : memref<128x128xf32, #tpu.memory_space<vmem>>, vector<1x16xf32>,
      %swap3A_80 = vector.shape_cast %swap3A_79 : vector<1x16xf32> to vector<16xf32>
      %swap3A_81 = vector.shape_cast %broadcast_in_dim3A_5 : vector<16xf32> to vector<1x16xf32>
      tpu.vector_store %arg5[%swap3A_77, %swap3A_78], %swap3A_81 {strides = array<i32>} : memref<128x128xf32, #tpu.memory_space<vmem>>, vector<1x16xf32>,
      %swap3A_82 = arith.index_cast %add3A_62 : i32 to index
      %swap3A_83 = arith.constant 64 : index
      %swap3A_84 = tpu.vector_load %arg5[%swap3A_82, %swap3A_83] {strides = array<i32>} : memref<128x128xf32, #tpu.memory_space<vmem>>, vector<1x16xf32>,
      %swap3A_85 = vector.shape_cast %swap3A_84 : vector<1x16xf32> to vector<16xf32>
      %swap3A_86 = vector.shape_cast %broadcast_in_dim3A_5 : vector<16xf32> to vector<1x16xf32>
      tpu.vector_store %arg5[%swap3A_82, %swap3A_83], %swap3A_86 {strides = array<i32>} : memref<128x128xf32, #tpu.memory_space<vmem>>, vector<1x16xf32>,
      %swap3A_87 = arith.index_cast %add3A_62 : i32 to index
      %swap3A_88 = arith.constant 80 : index
      %swap3A_89 = tpu.vector_load %arg5[%swap3A_87, %swap3A_88] {strides = array<i32>} : memref<128x128xf32, #tpu.memory_space<vmem>>, vector<1x16xf32>,
      %swap3A_90 = vector.shape_cast %swap3A_89 : vector<1x16xf32> to vector<16xf32>
      %swap3A_91 = vector.shape_cast %broadcast_in_dim3A_5 : vector<16xf32> to vector<1x16xf32>
      tpu.vector_store %arg5[%swap3A_87, %swap3A_88], %swap3A_91 {strides = array<i32>} : memref<128x128xf32, #tpu.memory_space<vmem>>, vector<1x16xf32>,
      %swap3A_92 = arith.index_cast %add3A_62 : i32 to index
      %swap3A_93 = arith.constant 96 : index
      %swap3A_94 = tpu.vector_load %arg5[%swap3A_92, %swap3A_93] {strides = array<i32>} : memref<128x128xf32, #tpu.memory_space<vmem>>, vector<1x16xf32>,
      %swap3A_95 = vector.shape_cast %swap3A_94 : vector<1x16xf32> to vector<16xf32>
      %swap3A_96 = vector.shape_cast %broadcast_in_dim3A_5 : vector<16xf32> to vector<1x16xf32>
      tpu.vector_store %arg5[%swap3A_92, %swap3A_93], %swap3A_96 {strides = array<i32>} : memref<128x128xf32, #tpu.memory_space<vmem>>, vector<1x16xf32>,
      %swap3A_97 = arith.index_cast %add3A_62 : i32 to index
      %swap3A_98 = arith.constant 112 : index
      %swap3A_99 = tpu.vector_load %arg5[%swap3A_97, %swap3A_98] {strides = array<i32>} : memref<128x128xf32, #tpu.memory_space<vmem>>, vector<1x16xf32>,
      %swap3A_100 = vector.shape_cast %swap3A_99 : vector<1x16xf32> to vector<16xf32>
      %swap3A_101 = vector.shape_cast %broadcast_in_dim3A_5 : vector<16xf32> to vector<1x16xf32>
      tpu.vector_store %arg5[%swap3A_97, %swap3A_98], %swap3A_101 {strides = array<i32>} : memref<128x128xf32, #tpu.memory_space<vmem>>, vector<1x16xf32>,
    }
    %scan3A_24 = arith.constant 128 : i32
    %barrier3A = arith.constant 0 : index
    tpu.barrier barrier_id(%barrier3A)
    %mul3A_25 = arith.constant 10112 : i32
    %mul3A_26 = arith.muli %add3A, %mul3A_25 : i32
    %scan3A_27 = arith.constant 0 : i32
    %scan3A_28 = arith.constant 79 : i32
    %scan3A_29 = arith.addi %scan3A_27, %scan3A_28 : i32
    %scan3A_30 = arith.constant 1 : i32
    scf.for %scan3A_58 = %scan3A_27 to %scan3A_29 step %scan3A_30  : i32 {
      %mul3A_59 = arith.constant 1 : i32
      %mul3A_60 = arith.muli %scan3A_58, %mul3A_59 : i32
      %add3A_61 = arith.constant 0 : i32
      %add3A_62 = arith.addi %add3A_61, %mul3A_60 : i32
      %mul3A_63 = arith.constant 128 : i32
      %mul3A_64 = arith.muli %add3A_62, %mul3A_63 : i32
      %add3A_65 = arith.addi %mul3A_26, %mul3A_64 : i32
      %multiple_of3A = tpu.assume_multiple %add3A_65, 128 : i32
      "tpu.region"() ({
        %run_scoped3A = tpu.sem_alloc : memref<!tpu.dma_semaphore, #tpu.memory_space<semaphore_mem>>
        %dma_start3A = tpu.memref_slice %arg2[%multiple_of3A] : memref<323584xi32, #tpu.memory_space<hbm>> -> memref<128xi32, #tpu.memory_space<hbm>>
        %dma_start3A_66 = tpu.memref_slice %arg2[%multiple_of3A] : memref<323584xi32, #tpu.memory_space<hbm>> -> memref<128xi32, #tpu.memory_space<hbm>>
        tpu.enqueue_dma source(%dma_start3A_66 : memref<128xi32, #tpu.memory_space<hbm>>) target(%arg4 : memref<128xi32, #tpu.memory_space<vmem>>) target_semaphore(%run_scoped3A : memref<!tpu.dma_semaphore, #tpu.memory_space<semaphore_mem>>)
        %dma_wait3A = tpu.memref_slice %arg2[%multiple_of3A] : memref<323584xi32, #tpu.memory_space<hbm>> -> memref<128xi32, #tpu.memory_space<hbm>>
        %dma_wait3A_67 = tpu.memref_slice %arg2[%multiple_of3A] : memref<323584xi32, #tpu.memory_space<hbm>> -> memref<128xi32, #tpu.memory_space<hbm>>
        tpu.wait_dma2 semaphore(%run_scoped3A : memref<!tpu.dma_semaphore, #tpu.memory_space<semaphore_mem>>) src(%dma_wait3A_67 : memref<128xi32, #tpu.memory_space<hbm>>) dst(%arg4 : memref<128xi32, #tpu.memory_space<vmem>>)
        tpu.yield
      }) : () -> ()
      "tpu.region"() ({
        %run_scoped3A = tpu.sem_alloc : memref<!tpu.dma_semaphore, #tpu.memory_space<semaphore_mem>>
        %dma_start3A = arith.constant 0 : i32
        %dma_start3A_66 = arith.constant 0 : i32
        %dma_start3A_67 = tpu.memref_slice %arg6[%dma_start3A, %dma_start3A_66] : memref<10240x128xf32, #tpu.memory_space<vmem_shared>> -> memref<10240x128xf32, #tpu.memory_space<vmem_shared>>
        tpu.enqueue_indirect_dma source(%arg5 : memref<128x128xf32, #tpu.memory_space<vmem>>) target(%dma_start3A_67 : memref<10240x128xf32, #tpu.memory_space<vmem_shared>>) offsets(%arg4 : memref<128xi32, #tpu.memory_space<vmem>>) semaphore(%run_scoped3A : memref<!tpu.dma_semaphore, #tpu.memory_space<semaphore_mem>>) {add = true}
        %dma_wait3A = arith.constant 0 : i32
        %dma_wait3A_68 = arith.constant 0 : i32
        %dma_wait3A_69 = tpu.memref_slice %arg6[%dma_wait3A, %dma_wait3A_68] : memref<10240x128xf32, #tpu.memory_space<vmem_shared>> -> memref<10240x128xf32, #tpu.memory_space<vmem_shared>>
        tpu.wait_indirect_dma semaphore(%run_scoped3A : memref<!tpu.dma_semaphore, #tpu.memory_space<semaphore_mem>>) src(%arg5 : memref<128x128xf32, #tpu.memory_space<vmem>>) dst(%dma_wait3A_69 : memref<10240x128xf32, #tpu.memory_space<vmem_shared>>)
        tpu.yield
      }) : () -> ()
    }
    %scan3A_31 = arith.constant 79 : i32
    %barrier3A_32 = arith.constant 0 : index
    tpu.barrier barrier_id(%barrier3A_32)
    %add3A_33 = arith.constant 0 : i32
    %add3A_34 = arith.addi %mul3A_2, %add3A_33 : i32
    %mul3A_35 = arith.constant 10240 : i32
    %mul3A_36 = arith.muli %arg0, %mul3A_35 : i32
    %add3A_37 = arith.addi %mul3A_36, %add3A_34 : i32
    "tpu.region"() ({
      %run_scoped3A = tpu.sem_alloc : memref<!tpu.dma_semaphore, #tpu.memory_space<semaphore_mem>>
      %dma_start3A = arith.constant 0 : i32
      %dma_start3A_58 = tpu.memref_slice %arg3[%add3A_37, %dma_start3A] : memref<20480x128xf32, #tpu.memory_space<hbm>> -> memref<128x128xf32, #tpu.memory_space<hbm>>
      %dma_start3A_59 = arith.constant 0 : i32
      %dma_start3A_60 = tpu.memref_slice %arg6[%add3A_34, %dma_start3A_59] : memref<10240x128xf32, #tpu.memory_space<vmem_shared>> -> memref<128x128xf32, #tpu.memory_space<vmem_shared>>
      tpu.enqueue_dma source(%dma_start3A_60 : memref<128x128xf32, #tpu.memory_space<vmem_shared>>) target(%dma_start3A_58 : memref<128x128xf32, #tpu.memory_space<hbm>>) target_semaphore(%run_scoped3A : memref<!tpu.dma_semaphore, #tpu.memory_space<semaphore_mem>>)
      %dma_wait3A = arith.constant 0 : i32
      %dma_wait3A_61 = tpu.memref_slice %arg3[%add3A_37, %dma_wait3A] : memref<20480x128xf32, #tpu.memory_space<hbm>> -> memref<128x128xf32, #tpu.memory_space<hbm>>
      %dma_wait3A_62 = arith.constant 0 : i32
      %dma_wait3A_63 = tpu.memref_slice %arg6[%add3A_34, %dma_wait3A_62] : memref<10240x128xf32, #tpu.memory_space<vmem_shared>> -> memref<128x128xf32, #tpu.memory_space<vmem_shared>>
      tpu.wait_dma2 semaphore(%run_scoped3A : memref<!tpu.dma_semaphore, #tpu.memory_space<semaphore_mem>>) src(%dma_wait3A_63 : memref<128x128xf32, #tpu.memory_space<vmem_shared>>) dst(%dma_wait3A_61 : memref<128x128xf32, #tpu.memory_space<hbm>>)
      tpu.yield
    }) : () -> ()
    %add3A_38 = arith.constant 128 : i32
    %add3A_39 = arith.addi %mul3A_2, %add3A_38 : i32
    %mul3A_40 = arith.constant 10240 : i32
    %mul3A_41 = arith.muli %arg0, %mul3A_40 : i32
    %add3A_42 = arith.addi %mul3A_41, %add3A_39 : i32
    "tpu.region"() ({
      %run_scoped3A = tpu.sem_alloc : memref<!tpu.dma_semaphore, #tpu.memory_space<semaphore_mem>>
      %dma_start3A = arith.constant 0 : i32
      %dma_start3A_58 = tpu.memref_slice %arg3[%add3A_42, %dma_start3A] : memref<20480x128xf32, #tpu.memory_space<hbm>> -> memref<128x128xf32, #tpu.memory_space<hbm>>
      %dma_start3A_59 = arith.constant 0 : i32
      %dma_start3A_60 = tpu.memref_slice %arg6[%add3A_39, %dma_start3A_59] : memref<10240x128xf32, #tpu.memory_space<vmem_shared>> -> memref<128x128xf32, #tpu.memory_space<vmem_shared>>
      tpu.enqueue_dma source(%dma_start3A_60 : memref<128x128xf32, #tpu.memory_space<vmem_shared>>) target(%dma_start3A_58 : memref<128x128xf32, #tpu.memory_space<hbm>>) target_semaphore(%run_scoped3A : memref<!tpu.dma_semaphore, #tpu.memory_space<semaphore_mem>>)
      %dma_wait3A = arith.constant 0 : i32
      %dma_wait3A_61 = tpu.memref_slice %arg3[%add3A_42, %dma_wait3A] : memref<20480x128xf32, #tpu.memory_space<hbm>> -> memref<128x128xf32, #tpu.memory_space<hbm>>
      %dma_wait3A_62 = arith.constant 0 : i32
      %dma_wait3A_63 = tpu.memref_slice %arg6[%add3A_39, %dma_wait3A_62] : memref<10240x128xf32, #tpu.memory_space<vmem_shared>> -> memref<128x128xf32, #tpu.memory_space<vmem_shared>>
      tpu.wait_dma2 semaphore(%run_scoped3A : memref<!tpu.dma_semaphore, #tpu.memory_space<semaphore_mem>>) src(%dma_wait3A_63 : memref<128x128xf32, #tpu.memory_space<vmem_shared>>) dst(%dma_wait3A_61 : memref<128x128xf32, #tpu.memory_space<hbm>>)
      tpu.yield
    }) : () -> ()
    %add3A_43 = arith.constant 256 : i32
    %add3A_44 = arith.addi %mul3A_2, %add3A_43 : i32
    %mul3A_45 = arith.constant 10240 : i32
    %mul3A_46 = arith.muli %arg0, %mul3A_45 : i32
    %add3A_47 = arith.addi %mul3A_46, %add3A_44 : i32
    "tpu.region"() ({
      %run_scoped3A = tpu.sem_alloc : memref<!tpu.dma_semaphore, #tpu.memory_space<semaphore_mem>>
      %dma_start3A = arith.constant 0 : i32
      %dma_start3A_58 = tpu.memref_slice %arg3[%add3A_47, %dma_start3A] : memref<20480x128xf32, #tpu.memory_space<hbm>> -> memref<128x128xf32, #tpu.memory_space<hbm>>
      %dma_start3A_59 = arith.constant 0 : i32
      %dma_start3A_60 = tpu.memref_slice %arg6[%add3A_44, %dma_start3A_59] : memref<10240x128xf32, #tpu.memory_space<vmem_shared>> -> memref<128x128xf32, #tpu.memory_space<vmem_shared>>
      tpu.enqueue_dma source(%dma_start3A_60 : memref<128x128xf32, #tpu.memory_space<vmem_shared>>) target(%dma_start3A_58 : memref<128x128xf32, #tpu.memory_space<hbm>>) target_semaphore(%run_scoped3A : memref<!tpu.dma_semaphore, #tpu.memory_space<semaphore_mem>>)
      %dma_wait3A = arith.constant 0 : i32
      %dma_wait3A_61 = tpu.memref_slice %arg3[%add3A_47, %dma_wait3A] : memref<20480x128xf32, #tpu.memory_space<hbm>> -> memref<128x128xf32, #tpu.memory_space<hbm>>
      %dma_wait3A_62 = arith.constant 0 : i32
      %dma_wait3A_63 = tpu.memref_slice %arg6[%add3A_44, %dma_wait3A_62] : memref<10240x128xf32, #tpu.memory_space<vmem_shared>> -> memref<128x128xf32, #tpu.memory_space<vmem_shared>>
      tpu.wait_dma2 semaphore(%run_scoped3A : memref<!tpu.dma_semaphore, #tpu.memory_space<semaphore_mem>>) src(%dma_wait3A_63 : memref<128x128xf32, #tpu.memory_space<vmem_shared>>) dst(%dma_wait3A_61 : memref<128x128xf32, #tpu.memory_space<hbm>>)
      tpu.yield
    }) : () -> ()
    %add3A_48 = arith.constant 384 : i32
    %add3A_49 = arith.addi %mul3A_2, %add3A_48 : i32
    %mul3A_50 = arith.constant 10240 : i32
    %mul3A_51 = arith.muli %arg0, %mul3A_50 : i32
    %add3A_52 = arith.addi %mul3A_51, %add3A_49 : i32
    "tpu.region"() ({
      %run_scoped3A = tpu.sem_alloc : memref<!tpu.dma_semaphore, #tpu.memory_space<semaphore_mem>>
      %dma_start3A = arith.constant 0 : i32
      %dma_start3A_58 = tpu.memref_slice %arg3[%add3A_52, %dma_start3A] : memref<20480x128xf32, #tpu.memory_space<hbm>> -> memref<128x128xf32, #tpu.memory_space<hbm>>
      %dma_start3A_59 = arith.constant 0 : i32
      %dma_start3A_60 = tpu.memref_slice %arg6[%add3A_49, %dma_start3A_59] : memref<10240x128xf32, #tpu.memory_space<vmem_shared>> -> memref<128x128xf32, #tpu.memory_space<vmem_shared>>
      tpu.enqueue_dma source(%dma_start3A_60 : memref<128x128xf32, #tpu.memory_space<vmem_shared>>) target(%dma_start3A_58 : memref<128x128xf32, #tpu.memory_space<hbm>>) target_semaphore(%run_scoped3A : memref<!tpu.dma_semaphore, #tpu.memory_space<semaphore_mem>>)
      %dma_wait3A = arith.constant 0 : i32
      %dma_wait3A_61 = tpu.memref_slice %arg3[%add3A_52, %dma_wait3A] : memref<20480x128xf32, #tpu.memory_space<hbm>> -> memref<128x128xf32, #tpu.memory_space<hbm>>
      %dma_wait3A_62 = arith.constant 0 : i32
      %dma_wait3A_63 = tpu.memref_slice %arg6[%add3A_49, %dma_wait3A_62] : memref<10240x128xf32, #tpu.memory_space<vmem_shared>> -> memref<128x128xf32, #tpu.memory_space<vmem_shared>>
      tpu.wait_dma2 semaphore(%run_scoped3A : memref<!tpu.dma_semaphore, #tpu.memory_space<semaphore_mem>>) src(%dma_wait3A_63 : memref<128x128xf32, #tpu.memory_space<vmem_shared>>) dst(%dma_wait3A_61 : memref<128x128xf32, #tpu.memory_space<hbm>>)
      tpu.yield
    }) : () -> ()
    %add3A_53 = arith.constant 512 : i32
    %add3A_54 = arith.addi %mul3A_2, %add3A_53 : i32
    %mul3A_55 = arith.constant 10240 : i32
    %mul3A_56 = arith.muli %arg0, %mul3A_55 : i32
    %add3A_57 = arith.addi %mul3A_56, %add3A_54 : i32
    "tpu.region"() ({
      %run_scoped3A = tpu.sem_alloc : memref<!tpu.dma_semaphore, #tpu.memory_space<semaphore_mem>>
      %dma_start3A = arith.constant 0 : i32
      %dma_start3A_58 = tpu.memref_slice %arg3[%add3A_57, %dma_start3A] : memref<20480x128xf32, #tpu.memory_space<hbm>> -> memref<128x128xf32, #tpu.memory_space<hbm>>
      %dma_start3A_59 = arith.constant 0 : i32
      %dma_start3A_60 = tpu.memref_slice %arg6[%add3A_54, %dma_start3A_59] : memref<10240x128xf32, #tpu.memory_space<vmem_shared>> -> memref<128x128xf32, #tpu.memory_space<vmem_shared>>
      tpu.enqueue_dma source(%dma_start3A_60 : memref<128x128xf32, #tpu.memory_space<vmem_shared>>) target(%dma_start3A_58 : memref<128x128xf32, #tpu.memory_space<hbm>>) target_semaphore(%run_scoped3A : memref<!tpu.dma_semaphore, #tpu.memory_space<semaphore_mem>>)
      %dma_wait3A = arith.constant 0 : i32
      %dma_wait3A_61 = tpu.memref_slice %arg3[%add3A_57, %dma_wait3A] : memref<20480x128xf32, #tpu.memory_space<hbm>> -> memref<128x128xf32, #tpu.memory_space<hbm>>
      %dma_wait3A_62 = arith.constant 0 : i32
      %dma_wait3A_63 = tpu.memref_slice %arg6[%add3A_54, %dma_wait3A_62] : memref<10240x128xf32, #tpu.memory_space<vmem_shared>> -> memref<128x128xf32, #tpu.memory_space<vmem_shared>>
      tpu.wait_dma2 semaphore(%run_scoped3A : memref<!tpu.dma_semaphore, #tpu.memory_space<semaphore_mem>>) src(%dma_wait3A_63 : memref<128x128xf32, #tpu.memory_space<vmem_shared>>) dst(%dma_wait3A_61 : memref<128x128xf32, #tpu.memory_space<hbm>>)
      tpu.yield
    }) : () -> ()
    return
  }
}

#map = affine_map<(d0, d1) -> (0, 0)>
#map1 = affine_map<(d0, d1) -> (0)>
module attributes {stable_mosaic.version = 14 : i64} {
  func.func @k(%arg0: i32, %arg1: i32, %arg2: memref<10240x128xf32, #tpu.memory_space<hbm>>, %arg3: memref<323584xi32, #tpu.memory_space<hbm>>, %arg4: memref<323584xi32, #tpu.memory_space<hbm>>, %arg5: memref<20480x128xf32, #tpu.memory_space<hbm>>, %arg6: memref<128xi32, #tpu.memory_space<vmem>>, %arg7: memref<128xi32, #tpu.memory_space<vmem>>, %arg8: memref<128x128xf32, #tpu.memory_space<vmem>>, %arg9: memref<10240x128xf32, #tpu.memory_space<vmem_shared>>, %arg10: memref<!tpu.dma_semaphore, #tpu.memory_space<semaphore_mem>>) attributes {dimension_semantics = [#tpu.dimension_semantics<core_parallel>, #tpu.dimension_semantics<subcore_parallel>], iteration_bounds = array<i64: 2, 16>, scalar_prefetch = 0 : i64, scratch_operands = 5 : i64, tpu.core_type = #tpu.core_type<sc_vector_subcore>, window_params = [{transform_indices = #map}, {transform_indices = #map1}, {transform_indices = #map1}, {transform_indices = #map}]} {
    %mul3A = arith.constant 2 : i32
    %mul3A_0 = arith.muli %arg1, %mul3A : i32
    %add3A = arith.addi %mul3A_0, %arg0 : i32
    %mul3A_1 = arith.constant 640 : i32
    %mul3A_2 = arith.muli %arg1, %mul3A_1 : i32
    %broadcast_in_dim3A = arith.constant 0.000000e+00 : f32
    %broadcast_in_dim3A_3 = vector.broadcast %broadcast_in_dim3A : f32 to vector<16xf32>
    %scan3A = arith.constant 0 : i32
    %scan3A_4 = arith.constant 128 : i32
    %scan3A_5 = arith.addi %scan3A, %scan3A_4 : i32
    %scan3A_6 = arith.constant 1 : i32
    scf.for %scan3A_51 = %scan3A to %scan3A_5 step %scan3A_6  : i32 {
      %mul3A_52 = arith.constant 1 : i32
      %mul3A_53 = arith.muli %scan3A_51, %mul3A_52 : i32
      %add3A_54 = arith.constant 0 : i32
      %add3A_55 = arith.addi %add3A_54, %mul3A_53 : i32
      %swap3A = arith.index_cast %add3A_55 : i32 to index
      %swap3A_56 = arith.constant 0 : index
      %swap3A_57 = tpu.vector_load %arg8[%swap3A, %swap3A_56] {strides = array<i32>} : memref<128x128xf32, #tpu.memory_space<vmem>>, vector<1x16xf32>,
      %swap3A_58 = vector.shape_cast %swap3A_57 : vector<1x16xf32> to vector<16xf32>
      %swap3A_59 = vector.shape_cast %broadcast_in_dim3A_3 : vector<16xf32> to vector<1x16xf32>
      tpu.vector_store %arg8[%swap3A, %swap3A_56], %swap3A_59 {strides = array<i32>} : memref<128x128xf32, #tpu.memory_space<vmem>>, vector<1x16xf32>,
      %swap3A_60 = arith.index_cast %add3A_55 : i32 to index
      %swap3A_61 = arith.constant 16 : index
      %swap3A_62 = tpu.vector_load %arg8[%swap3A_60, %swap3A_61] {strides = array<i32>} : memref<128x128xf32, #tpu.memory_space<vmem>>, vector<1x16xf32>,
      %swap3A_63 = vector.shape_cast %swap3A_62 : vector<1x16xf32> to vector<16xf32>
      %swap3A_64 = vector.shape_cast %broadcast_in_dim3A_3 : vector<16xf32> to vector<1x16xf32>
      tpu.vector_store %arg8[%swap3A_60, %swap3A_61], %swap3A_64 {strides = array<i32>} : memref<128x128xf32, #tpu.memory_space<vmem>>, vector<1x16xf32>,
      %swap3A_65 = arith.index_cast %add3A_55 : i32 to index
      %swap3A_66 = arith.constant 32 : index
      %swap3A_67 = tpu.vector_load %arg8[%swap3A_65, %swap3A_66] {strides = array<i32>} : memref<128x128xf32, #tpu.memory_space<vmem>>, vector<1x16xf32>,
      %swap3A_68 = vector.shape_cast %swap3A_67 : vector<1x16xf32> to vector<16xf32>
      %swap3A_69 = vector.shape_cast %broadcast_in_dim3A_3 : vector<16xf32> to vector<1x16xf32>
      tpu.vector_store %arg8[%swap3A_65, %swap3A_66], %swap3A_69 {strides = array<i32>} : memref<128x128xf32, #tpu.memory_space<vmem>>, vector<1x16xf32>,
      %swap3A_70 = arith.index_cast %add3A_55 : i32 to index
      %swap3A_71 = arith.constant 48 : index
      %swap3A_72 = tpu.vector_load %arg8[%swap3A_70, %swap3A_71] {strides = array<i32>} : memref<128x128xf32, #tpu.memory_space<vmem>>, vector<1x16xf32>,
      %swap3A_73 = vector.shape_cast %swap3A_72 : vector<1x16xf32> to vector<16xf32>
      %swap3A_74 = vector.shape_cast %broadcast_in_dim3A_3 : vector<16xf32> to vector<1x16xf32>
      tpu.vector_store %arg8[%swap3A_70, %swap3A_71], %swap3A_74 {strides = array<i32>} : memref<128x128xf32, #tpu.memory_space<vmem>>, vector<1x16xf32>,
      %swap3A_75 = arith.index_cast %add3A_55 : i32 to index
      %swap3A_76 = arith.constant 64 : index
      %swap3A_77 = tpu.vector_load %arg8[%swap3A_75, %swap3A_76] {strides = array<i32>} : memref<128x128xf32, #tpu.memory_space<vmem>>, vector<1x16xf32>,
      %swap3A_78 = vector.shape_cast %swap3A_77 : vector<1x16xf32> to vector<16xf32>
      %swap3A_79 = vector.shape_cast %broadcast_in_dim3A_3 : vector<16xf32> to vector<1x16xf32>
      tpu.vector_store %arg8[%swap3A_75, %swap3A_76], %swap3A_79 {strides = array<i32>} : memref<128x128xf32, #tpu.memory_space<vmem>>, vector<1x16xf32>,
      %swap3A_80 = arith.index_cast %add3A_55 : i32 to index
      %swap3A_81 = arith.constant 80 : index
      %swap3A_82 = tpu.vector_load %arg8[%swap3A_80, %swap3A_81] {strides = array<i32>} : memref<128x128xf32, #tpu.memory_space<vmem>>, vector<1x16xf32>,
      %swap3A_83 = vector.shape_cast %swap3A_82 : vector<1x16xf32> to vector<16xf32>
      %swap3A_84 = vector.shape_cast %broadcast_in_dim3A_3 : vector<16xf32> to vector<1x16xf32>
      tpu.vector_store %arg8[%swap3A_80, %swap3A_81], %swap3A_84 {strides = array<i32>} : memref<128x128xf32, #tpu.memory_space<vmem>>, vector<1x16xf32>,
      %swap3A_85 = arith.index_cast %add3A_55 : i32 to index
      %swap3A_86 = arith.constant 96 : index
      %swap3A_87 = tpu.vector_load %arg8[%swap3A_85, %swap3A_86] {strides = array<i32>} : memref<128x128xf32, #tpu.memory_space<vmem>>, vector<1x16xf32>,
      %swap3A_88 = vector.shape_cast %swap3A_87 : vector<1x16xf32> to vector<16xf32>
      %swap3A_89 = vector.shape_cast %broadcast_in_dim3A_3 : vector<16xf32> to vector<1x16xf32>
      tpu.vector_store %arg8[%swap3A_85, %swap3A_86], %swap3A_89 {strides = array<i32>} : memref<128x128xf32, #tpu.memory_space<vmem>>, vector<1x16xf32>,
      %swap3A_90 = arith.index_cast %add3A_55 : i32 to index
      %swap3A_91 = arith.constant 112 : index
      %swap3A_92 = tpu.vector_load %arg8[%swap3A_90, %swap3A_91] {strides = array<i32>} : memref<128x128xf32, #tpu.memory_space<vmem>>, vector<1x16xf32>,
      %swap3A_93 = vector.shape_cast %swap3A_92 : vector<1x16xf32> to vector<16xf32>
      %swap3A_94 = vector.shape_cast %broadcast_in_dim3A_3 : vector<16xf32> to vector<1x16xf32>
      tpu.vector_store %arg8[%swap3A_90, %swap3A_91], %swap3A_94 {strides = array<i32>} : memref<128x128xf32, #tpu.memory_space<vmem>>, vector<1x16xf32>,
    }
    %scan3A_7 = arith.constant 128 : i32
    %add3A_8 = arith.constant 0 : i32
    %add3A_9 = arith.addi %mul3A_2, %add3A_8 : i32
    "tpu.region"() ({
      %run_scoped3A = tpu.sem_alloc : memref<!tpu.dma_semaphore, #tpu.memory_space<semaphore_mem>>
      %dma_start3A = arith.constant 0 : i32
      %dma_start3A_51 = tpu.memref_slice %arg9[%add3A_9, %dma_start3A] : memref<10240x128xf32, #tpu.memory_space<vmem_shared>> -> memref<128x128xf32, #tpu.memory_space<vmem_shared>>
      %dma_start3A_52 = arith.constant 0 : i32
      %dma_start3A_53 = tpu.memref_slice %arg9[%add3A_9, %dma_start3A_52] : memref<10240x128xf32, #tpu.memory_space<vmem_shared>> -> memref<128x128xf32, #tpu.memory_space<vmem_shared>>
      tpu.enqueue_dma source(%arg8 : memref<128x128xf32, #tpu.memory_space<vmem>>) target(%dma_start3A_53 : memref<128x128xf32, #tpu.memory_space<vmem_shared>>) target_semaphore(%run_scoped3A : memref<!tpu.dma_semaphore, #tpu.memory_space<semaphore_mem>>)
      %dma_wait3A = arith.constant 0 : i32
      %dma_wait3A_54 = tpu.memref_slice %arg9[%add3A_9, %dma_wait3A] : memref<10240x128xf32, #tpu.memory_space<vmem_shared>> -> memref<128x128xf32, #tpu.memory_space<vmem_shared>>
      %dma_wait3A_55 = arith.constant 0 : i32
      %dma_wait3A_56 = tpu.memref_slice %arg9[%add3A_9, %dma_wait3A_55] : memref<10240x128xf32, #tpu.memory_space<vmem_shared>> -> memref<128x128xf32, #tpu.memory_space<vmem_shared>>
      tpu.wait_dma2 semaphore(%run_scoped3A : memref<!tpu.dma_semaphore, #tpu.memory_space<semaphore_mem>>) src(%arg8 : memref<128x128xf32, #tpu.memory_space<vmem>>) dst(%dma_wait3A_56 : memref<128x128xf32, #tpu.memory_space<vmem_shared>>)
      tpu.yield
    }) : () -> ()
    %add3A_10 = arith.constant 128 : i32
    %add3A_11 = arith.addi %mul3A_2, %add3A_10 : i32
    "tpu.region"() ({
      %run_scoped3A = tpu.sem_alloc : memref<!tpu.dma_semaphore, #tpu.memory_space<semaphore_mem>>
      %dma_start3A = arith.constant 0 : i32
      %dma_start3A_51 = tpu.memref_slice %arg9[%add3A_11, %dma_start3A] : memref<10240x128xf32, #tpu.memory_space<vmem_shared>> -> memref<128x128xf32, #tpu.memory_space<vmem_shared>>
      %dma_start3A_52 = arith.constant 0 : i32
      %dma_start3A_53 = tpu.memref_slice %arg9[%add3A_11, %dma_start3A_52] : memref<10240x128xf32, #tpu.memory_space<vmem_shared>> -> memref<128x128xf32, #tpu.memory_space<vmem_shared>>
      tpu.enqueue_dma source(%arg8 : memref<128x128xf32, #tpu.memory_space<vmem>>) target(%dma_start3A_53 : memref<128x128xf32, #tpu.memory_space<vmem_shared>>) target_semaphore(%run_scoped3A : memref<!tpu.dma_semaphore, #tpu.memory_space<semaphore_mem>>)
      %dma_wait3A = arith.constant 0 : i32
      %dma_wait3A_54 = tpu.memref_slice %arg9[%add3A_11, %dma_wait3A] : memref<10240x128xf32, #tpu.memory_space<vmem_shared>> -> memref<128x128xf32, #tpu.memory_space<vmem_shared>>
      %dma_wait3A_55 = arith.constant 0 : i32
      %dma_wait3A_56 = tpu.memref_slice %arg9[%add3A_11, %dma_wait3A_55] : memref<10240x128xf32, #tpu.memory_space<vmem_shared>> -> memref<128x128xf32, #tpu.memory_space<vmem_shared>>
      tpu.wait_dma2 semaphore(%run_scoped3A : memref<!tpu.dma_semaphore, #tpu.memory_space<semaphore_mem>>) src(%arg8 : memref<128x128xf32, #tpu.memory_space<vmem>>) dst(%dma_wait3A_56 : memref<128x128xf32, #tpu.memory_space<vmem_shared>>)
      tpu.yield
    }) : () -> ()
    %add3A_12 = arith.constant 256 : i32
    %add3A_13 = arith.addi %mul3A_2, %add3A_12 : i32
    "tpu.region"() ({
      %run_scoped3A = tpu.sem_alloc : memref<!tpu.dma_semaphore, #tpu.memory_space<semaphore_mem>>
      %dma_start3A = arith.constant 0 : i32
      %dma_start3A_51 = tpu.memref_slice %arg9[%add3A_13, %dma_start3A] : memref<10240x128xf32, #tpu.memory_space<vmem_shared>> -> memref<128x128xf32, #tpu.memory_space<vmem_shared>>
      %dma_start3A_52 = arith.constant 0 : i32
      %dma_start3A_53 = tpu.memref_slice %arg9[%add3A_13, %dma_start3A_52] : memref<10240x128xf32, #tpu.memory_space<vmem_shared>> -> memref<128x128xf32, #tpu.memory_space<vmem_shared>>
      tpu.enqueue_dma source(%arg8 : memref<128x128xf32, #tpu.memory_space<vmem>>) target(%dma_start3A_53 : memref<128x128xf32, #tpu.memory_space<vmem_shared>>) target_semaphore(%run_scoped3A : memref<!tpu.dma_semaphore, #tpu.memory_space<semaphore_mem>>)
      %dma_wait3A = arith.constant 0 : i32
      %dma_wait3A_54 = tpu.memref_slice %arg9[%add3A_13, %dma_wait3A] : memref<10240x128xf32, #tpu.memory_space<vmem_shared>> -> memref<128x128xf32, #tpu.memory_space<vmem_shared>>
      %dma_wait3A_55 = arith.constant 0 : i32
      %dma_wait3A_56 = tpu.memref_slice %arg9[%add3A_13, %dma_wait3A_55] : memref<10240x128xf32, #tpu.memory_space<vmem_shared>> -> memref<128x128xf32, #tpu.memory_space<vmem_shared>>
      tpu.wait_dma2 semaphore(%run_scoped3A : memref<!tpu.dma_semaphore, #tpu.memory_space<semaphore_mem>>) src(%arg8 : memref<128x128xf32, #tpu.memory_space<vmem>>) dst(%dma_wait3A_56 : memref<128x128xf32, #tpu.memory_space<vmem_shared>>)
      tpu.yield
    }) : () -> ()
    %add3A_14 = arith.constant 384 : i32
    %add3A_15 = arith.addi %mul3A_2, %add3A_14 : i32
    "tpu.region"() ({
      %run_scoped3A = tpu.sem_alloc : memref<!tpu.dma_semaphore, #tpu.memory_space<semaphore_mem>>
      %dma_start3A = arith.constant 0 : i32
      %dma_start3A_51 = tpu.memref_slice %arg9[%add3A_15, %dma_start3A] : memref<10240x128xf32, #tpu.memory_space<vmem_shared>> -> memref<128x128xf32, #tpu.memory_space<vmem_shared>>
      %dma_start3A_52 = arith.constant 0 : i32
      %dma_start3A_53 = tpu.memref_slice %arg9[%add3A_15, %dma_start3A_52] : memref<10240x128xf32, #tpu.memory_space<vmem_shared>> -> memref<128x128xf32, #tpu.memory_space<vmem_shared>>
      tpu.enqueue_dma source(%arg8 : memref<128x128xf32, #tpu.memory_space<vmem>>) target(%dma_start3A_53 : memref<128x128xf32, #tpu.memory_space<vmem_shared>>) target_semaphore(%run_scoped3A : memref<!tpu.dma_semaphore, #tpu.memory_space<semaphore_mem>>)
      %dma_wait3A = arith.constant 0 : i32
      %dma_wait3A_54 = tpu.memref_slice %arg9[%add3A_15, %dma_wait3A] : memref<10240x128xf32, #tpu.memory_space<vmem_shared>> -> memref<128x128xf32, #tpu.memory_space<vmem_shared>>
      %dma_wait3A_55 = arith.constant 0 : i32
      %dma_wait3A_56 = tpu.memref_slice %arg9[%add3A_15, %dma_wait3A_55] : memref<10240x128xf32, #tpu.memory_space<vmem_shared>> -> memref<128x128xf32, #tpu.memory_space<vmem_shared>>
      tpu.wait_dma2 semaphore(%run_scoped3A : memref<!tpu.dma_semaphore, #tpu.memory_space<semaphore_mem>>) src(%arg8 : memref<128x128xf32, #tpu.memory_space<vmem>>) dst(%dma_wait3A_56 : memref<128x128xf32, #tpu.memory_space<vmem_shared>>)
      tpu.yield
    }) : () -> ()
    %add3A_16 = arith.constant 512 : i32
    %add3A_17 = arith.addi %mul3A_2, %add3A_16 : i32
    "tpu.region"() ({
      %run_scoped3A = tpu.sem_alloc : memref<!tpu.dma_semaphore, #tpu.memory_space<semaphore_mem>>
      %dma_start3A = arith.constant 0 : i32
      %dma_start3A_51 = tpu.memref_slice %arg9[%add3A_17, %dma_start3A] : memref<10240x128xf32, #tpu.memory_space<vmem_shared>> -> memref<128x128xf32, #tpu.memory_space<vmem_shared>>
      %dma_start3A_52 = arith.constant 0 : i32
      %dma_start3A_53 = tpu.memref_slice %arg9[%add3A_17, %dma_start3A_52] : memref<10240x128xf32, #tpu.memory_space<vmem_shared>> -> memref<128x128xf32, #tpu.memory_space<vmem_shared>>
      tpu.enqueue_dma source(%arg8 : memref<128x128xf32, #tpu.memory_space<vmem>>) target(%dma_start3A_53 : memref<128x128xf32, #tpu.memory_space<vmem_shared>>) target_semaphore(%run_scoped3A : memref<!tpu.dma_semaphore, #tpu.memory_space<semaphore_mem>>)
      %dma_wait3A = arith.constant 0 : i32
      %dma_wait3A_54 = tpu.memref_slice %arg9[%add3A_17, %dma_wait3A] : memref<10240x128xf32, #tpu.memory_space<vmem_shared>> -> memref<128x128xf32, #tpu.memory_space<vmem_shared>>
      %dma_wait3A_55 = arith.constant 0 : i32
      %dma_wait3A_56 = tpu.memref_slice %arg9[%add3A_17, %dma_wait3A_55] : memref<10240x128xf32, #tpu.memory_space<vmem_shared>> -> memref<128x128xf32, #tpu.memory_space<vmem_shared>>
      tpu.wait_dma2 semaphore(%run_scoped3A : memref<!tpu.dma_semaphore, #tpu.memory_space<semaphore_mem>>) src(%arg8 : memref<128x128xf32, #tpu.memory_space<vmem>>) dst(%dma_wait3A_56 : memref<128x128xf32, #tpu.memory_space<vmem_shared>>)
      tpu.yield
    }) : () -> ()
    %barrier3A = arith.constant 0 : index
    tpu.barrier barrier_id(%barrier3A)
    %mul3A_18 = arith.constant 10112 : i32
    %mul3A_19 = arith.muli %add3A, %mul3A_18 : i32
    %scan3A_20 = arith.constant 0 : i32
    %scan3A_21 = arith.constant 79 : i32
    %scan3A_22 = arith.addi %scan3A_20, %scan3A_21 : i32
    %scan3A_23 = arith.constant 1 : i32
    scf.for %scan3A_51 = %scan3A_20 to %scan3A_22 step %scan3A_23  : i32 {
      %mul3A_52 = arith.constant 1 : i32
      %mul3A_53 = arith.muli %scan3A_51, %mul3A_52 : i32
      %add3A_54 = arith.constant 0 : i32
      %add3A_55 = arith.addi %add3A_54, %mul3A_53 : i32
      %mul3A_56 = arith.constant 128 : i32
      %mul3A_57 = arith.muli %add3A_55, %mul3A_56 : i32
      %add3A_58 = arith.addi %mul3A_19, %mul3A_57 : i32
      %multiple_of3A = tpu.assume_multiple %add3A_58, 128 : i32
      "tpu.region"() ({
        %run_scoped3A = tpu.sem_alloc : memref<!tpu.dma_semaphore, #tpu.memory_space<semaphore_mem>>
        %dma_start3A_63 = tpu.memref_slice %arg3[%multiple_of3A] : memref<323584xi32, #tpu.memory_space<hbm>> -> memref<128xi32, #tpu.memory_space<hbm>>
        %dma_start3A_64 = tpu.memref_slice %arg3[%multiple_of3A] : memref<323584xi32, #tpu.memory_space<hbm>> -> memref<128xi32, #tpu.memory_space<hbm>>
        tpu.enqueue_dma source(%dma_start3A_64 : memref<128xi32, #tpu.memory_space<hbm>>) target(%arg6 : memref<128xi32, #tpu.memory_space<vmem>>) target_semaphore(%run_scoped3A : memref<!tpu.dma_semaphore, #tpu.memory_space<semaphore_mem>>)
        %dma_wait3A_65 = tpu.memref_slice %arg3[%multiple_of3A] : memref<323584xi32, #tpu.memory_space<hbm>> -> memref<128xi32, #tpu.memory_space<hbm>>
        %dma_wait3A_66 = tpu.memref_slice %arg3[%multiple_of3A] : memref<323584xi32, #tpu.memory_space<hbm>> -> memref<128xi32, #tpu.memory_space<hbm>>
        tpu.wait_dma2 semaphore(%run_scoped3A : memref<!tpu.dma_semaphore, #tpu.memory_space<semaphore_mem>>) src(%dma_wait3A_66 : memref<128xi32, #tpu.memory_space<hbm>>) dst(%arg6 : memref<128xi32, #tpu.memory_space<vmem>>)
        tpu.yield
      }) : () -> ()
      "tpu.region"() ({
        %run_scoped3A = tpu.sem_alloc : memref<!tpu.dma_semaphore, #tpu.memory_space<semaphore_mem>>
        %dma_start3A_63 = tpu.memref_slice %arg4[%multiple_of3A] : memref<323584xi32, #tpu.memory_space<hbm>> -> memref<128xi32, #tpu.memory_space<hbm>>
        %dma_start3A_64 = tpu.memref_slice %arg4[%multiple_of3A] : memref<323584xi32, #tpu.memory_space<hbm>> -> memref<128xi32, #tpu.memory_space<hbm>>
        tpu.enqueue_dma source(%dma_start3A_64 : memref<128xi32, #tpu.memory_space<hbm>>) target(%arg7 : memref<128xi32, #tpu.memory_space<vmem>>) target_semaphore(%run_scoped3A : memref<!tpu.dma_semaphore, #tpu.memory_space<semaphore_mem>>)
        %dma_wait3A_65 = tpu.memref_slice %arg4[%multiple_of3A] : memref<323584xi32, #tpu.memory_space<hbm>> -> memref<128xi32, #tpu.memory_space<hbm>>
        %dma_wait3A_66 = tpu.memref_slice %arg4[%multiple_of3A] : memref<323584xi32, #tpu.memory_space<hbm>> -> memref<128xi32, #tpu.memory_space<hbm>>
        tpu.wait_dma2 semaphore(%run_scoped3A : memref<!tpu.dma_semaphore, #tpu.memory_space<semaphore_mem>>) src(%dma_wait3A_66 : memref<128xi32, #tpu.memory_space<hbm>>) dst(%arg7 : memref<128xi32, #tpu.memory_space<vmem>>)
        tpu.yield
      }) : () -> ()
      %dma_start3A = arith.constant 0 : i32
      %dma_start3A_59 = arith.constant 0 : i32
      %dma_start3A_60 = tpu.memref_slice %arg2[%dma_start3A, %dma_start3A_59] : memref<10240x128xf32, #tpu.memory_space<hbm>> -> memref<10240x128xf32, #tpu.memory_space<hbm>>
      tpu.enqueue_indirect_dma source(%dma_start3A_60 : memref<10240x128xf32, #tpu.memory_space<hbm>>) target(%arg8 : memref<128x128xf32, #tpu.memory_space<vmem>>) offsets(%arg6 : memref<128xi32, #tpu.memory_space<vmem>>) semaphore(%arg10 : memref<!tpu.dma_semaphore, #tpu.memory_space<semaphore_mem>>)
      %dma_wait3A = arith.constant 0 : i32
      %dma_wait3A_61 = arith.constant 0 : i32
      %dma_wait3A_62 = tpu.memref_slice %arg2[%dma_wait3A, %dma_wait3A_61] : memref<10240x128xf32, #tpu.memory_space<hbm>> -> memref<10240x128xf32, #tpu.memory_space<hbm>>
      tpu.wait_indirect_dma semaphore(%arg10 : memref<!tpu.dma_semaphore, #tpu.memory_space<semaphore_mem>>) src(%dma_wait3A_62 : memref<10240x128xf32, #tpu.memory_space<hbm>>) dst(%arg8 : memref<128x128xf32, #tpu.memory_space<vmem>>)
      "tpu.region"() ({
        %run_scoped3A = tpu.sem_alloc : memref<!tpu.dma_semaphore, #tpu.memory_space<semaphore_mem>>
        %dma_start3A_63 = arith.constant 0 : i32
        %dma_start3A_64 = arith.constant 0 : i32
        %dma_start3A_65 = tpu.memref_slice %arg9[%dma_start3A_63, %dma_start3A_64] : memref<10240x128xf32, #tpu.memory_space<vmem_shared>> -> memref<10240x128xf32, #tpu.memory_space<vmem_shared>>
        tpu.enqueue_indirect_dma source(%arg8 : memref<128x128xf32, #tpu.memory_space<vmem>>) target(%dma_start3A_65 : memref<10240x128xf32, #tpu.memory_space<vmem_shared>>) offsets(%arg7 : memref<128xi32, #tpu.memory_space<vmem>>) semaphore(%run_scoped3A : memref<!tpu.dma_semaphore, #tpu.memory_space<semaphore_mem>>) {add = true}
        %dma_wait3A_66 = arith.constant 0 : i32
        %dma_wait3A_67 = arith.constant 0 : i32
        %dma_wait3A_68 = tpu.memref_slice %arg9[%dma_wait3A_66, %dma_wait3A_67] : memref<10240x128xf32, #tpu.memory_space<vmem_shared>> -> memref<10240x128xf32, #tpu.memory_space<vmem_shared>>
        tpu.wait_indirect_dma semaphore(%run_scoped3A : memref<!tpu.dma_semaphore, #tpu.memory_space<semaphore_mem>>) src(%arg8 : memref<128x128xf32, #tpu.memory_space<vmem>>) dst(%dma_wait3A_68 : memref<10240x128xf32, #tpu.memory_space<vmem_shared>>)
        tpu.yield
      }) : () -> ()
    }
    %scan3A_24 = arith.constant 79 : i32
    %barrier3A_25 = arith.constant 0 : index
    tpu.barrier barrier_id(%barrier3A_25)
    %add3A_26 = arith.constant 0 : i32
    %add3A_27 = arith.addi %mul3A_2, %add3A_26 : i32
    %mul3A_28 = arith.constant 10240 : i32
    %mul3A_29 = arith.muli %arg0, %mul3A_28 : i32
    %add3A_30 = arith.addi %mul3A_29, %add3A_27 : i32
    "tpu.region"() ({
      %run_scoped3A = tpu.sem_alloc : memref<!tpu.dma_semaphore, #tpu.memory_space<semaphore_mem>>
      %dma_start3A = arith.constant 0 : i32
      %dma_start3A_51 = tpu.memref_slice %arg5[%add3A_30, %dma_start3A] : memref<20480x128xf32, #tpu.memory_space<hbm>> -> memref<128x128xf32, #tpu.memory_space<hbm>>
      %dma_start3A_52 = arith.constant 0 : i32
      %dma_start3A_53 = tpu.memref_slice %arg9[%add3A_27, %dma_start3A_52] : memref<10240x128xf32, #tpu.memory_space<vmem_shared>> -> memref<128x128xf32, #tpu.memory_space<vmem_shared>>
      tpu.enqueue_dma source(%dma_start3A_53 : memref<128x128xf32, #tpu.memory_space<vmem_shared>>) target(%dma_start3A_51 : memref<128x128xf32, #tpu.memory_space<hbm>>) target_semaphore(%run_scoped3A : memref<!tpu.dma_semaphore, #tpu.memory_space<semaphore_mem>>)
      %dma_wait3A = arith.constant 0 : i32
      %dma_wait3A_54 = tpu.memref_slice %arg5[%add3A_30, %dma_wait3A] : memref<20480x128xf32, #tpu.memory_space<hbm>> -> memref<128x128xf32, #tpu.memory_space<hbm>>
      %dma_wait3A_55 = arith.constant 0 : i32
      %dma_wait3A_56 = tpu.memref_slice %arg9[%add3A_27, %dma_wait3A_55] : memref<10240x128xf32, #tpu.memory_space<vmem_shared>> -> memref<128x128xf32, #tpu.memory_space<vmem_shared>>
      tpu.wait_dma2 semaphore(%run_scoped3A : memref<!tpu.dma_semaphore, #tpu.memory_space<semaphore_mem>>) src(%dma_wait3A_56 : memref<128x128xf32, #tpu.memory_space<vmem_shared>>) dst(%dma_wait3A_54 : memref<128x128xf32, #tpu.memory_space<hbm>>)
      tpu.yield
    }) : () -> ()
    %add3A_31 = arith.constant 128 : i32
    %add3A_32 = arith.addi %mul3A_2, %add3A_31 : i32
    %mul3A_33 = arith.constant 10240 : i32
    %mul3A_34 = arith.muli %arg0, %mul3A_33 : i32
    %add3A_35 = arith.addi %mul3A_34, %add3A_32 : i32
    "tpu.region"() ({
      %run_scoped3A = tpu.sem_alloc : memref<!tpu.dma_semaphore, #tpu.memory_space<semaphore_mem>>
      %dma_start3A = arith.constant 0 : i32
      %dma_start3A_51 = tpu.memref_slice %arg5[%add3A_35, %dma_start3A] : memref<20480x128xf32, #tpu.memory_space<hbm>> -> memref<128x128xf32, #tpu.memory_space<hbm>>
      %dma_start3A_52 = arith.constant 0 : i32
      %dma_start3A_53 = tpu.memref_slice %arg9[%add3A_32, %dma_start3A_52] : memref<10240x128xf32, #tpu.memory_space<vmem_shared>> -> memref<128x128xf32, #tpu.memory_space<vmem_shared>>
      tpu.enqueue_dma source(%dma_start3A_53 : memref<128x128xf32, #tpu.memory_space<vmem_shared>>) target(%dma_start3A_51 : memref<128x128xf32, #tpu.memory_space<hbm>>) target_semaphore(%run_scoped3A : memref<!tpu.dma_semaphore, #tpu.memory_space<semaphore_mem>>)
      %dma_wait3A = arith.constant 0 : i32
      %dma_wait3A_54 = tpu.memref_slice %arg5[%add3A_35, %dma_wait3A] : memref<20480x128xf32, #tpu.memory_space<hbm>> -> memref<128x128xf32, #tpu.memory_space<hbm>>
      %dma_wait3A_55 = arith.constant 0 : i32
      %dma_wait3A_56 = tpu.memref_slice %arg9[%add3A_32, %dma_wait3A_55] : memref<10240x128xf32, #tpu.memory_space<vmem_shared>> -> memref<128x128xf32, #tpu.memory_space<vmem_shared>>
      tpu.wait_dma2 semaphore(%run_scoped3A : memref<!tpu.dma_semaphore, #tpu.memory_space<semaphore_mem>>) src(%dma_wait3A_56 : memref<128x128xf32, #tpu.memory_space<vmem_shared>>) dst(%dma_wait3A_54 : memref<128x128xf32, #tpu.memory_space<hbm>>)
      tpu.yield
    }) : () -> ()
    %add3A_36 = arith.constant 256 : i32
    %add3A_37 = arith.addi %mul3A_2, %add3A_36 : i32
    %mul3A_38 = arith.constant 10240 : i32
    %mul3A_39 = arith.muli %arg0, %mul3A_38 : i32
    %add3A_40 = arith.addi %mul3A_39, %add3A_37 : i32
    "tpu.region"() ({
      %run_scoped3A = tpu.sem_alloc : memref<!tpu.dma_semaphore, #tpu.memory_space<semaphore_mem>>
      %dma_start3A = arith.constant 0 : i32
      %dma_start3A_51 = tpu.memref_slice %arg5[%add3A_40, %dma_start3A] : memref<20480x128xf32, #tpu.memory_space<hbm>> -> memref<128x128xf32, #tpu.memory_space<hbm>>
      %dma_start3A_52 = arith.constant 0 : i32
      %dma_start3A_53 = tpu.memref_slice %arg9[%add3A_37, %dma_start3A_52] : memref<10240x128xf32, #tpu.memory_space<vmem_shared>> -> memref<128x128xf32, #tpu.memory_space<vmem_shared>>
      tpu.enqueue_dma source(%dma_start3A_53 : memref<128x128xf32, #tpu.memory_space<vmem_shared>>) target(%dma_start3A_51 : memref<128x128xf32, #tpu.memory_space<hbm>>) target_semaphore(%run_scoped3A : memref<!tpu.dma_semaphore, #tpu.memory_space<semaphore_mem>>)
      %dma_wait3A = arith.constant 0 : i32
      %dma_wait3A_54 = tpu.memref_slice %arg5[%add3A_40, %dma_wait3A] : memref<20480x128xf32, #tpu.memory_space<hbm>> -> memref<128x128xf32, #tpu.memory_space<hbm>>
      %dma_wait3A_55 = arith.constant 0 : i32
      %dma_wait3A_56 = tpu.memref_slice %arg9[%add3A_37, %dma_wait3A_55] : memref<10240x128xf32, #tpu.memory_space<vmem_shared>> -> memref<128x128xf32, #tpu.memory_space<vmem_shared>>
      tpu.wait_dma2 semaphore(%run_scoped3A : memref<!tpu.dma_semaphore, #tpu.memory_space<semaphore_mem>>) src(%dma_wait3A_56 : memref<128x128xf32, #tpu.memory_space<vmem_shared>>) dst(%dma_wait3A_54 : memref<128x128xf32, #tpu.memory_space<hbm>>)
      tpu.yield
    }) : () -> ()
    %add3A_41 = arith.constant 384 : i32
    %add3A_42 = arith.addi %mul3A_2, %add3A_41 : i32
    %mul3A_43 = arith.constant 10240 : i32
    %mul3A_44 = arith.muli %arg0, %mul3A_43 : i32
    %add3A_45 = arith.addi %mul3A_44, %add3A_42 : i32
    "tpu.region"() ({
      %run_scoped3A = tpu.sem_alloc : memref<!tpu.dma_semaphore, #tpu.memory_space<semaphore_mem>>
      %dma_start3A = arith.constant 0 : i32
      %dma_start3A_51 = tpu.memref_slice %arg5[%add3A_45, %dma_start3A] : memref<20480x128xf32, #tpu.memory_space<hbm>> -> memref<128x128xf32, #tpu.memory_space<hbm>>
      %dma_start3A_52 = arith.constant 0 : i32
      %dma_start3A_53 = tpu.memref_slice %arg9[%add3A_42, %dma_start3A_52] : memref<10240x128xf32, #tpu.memory_space<vmem_shared>> -> memref<128x128xf32, #tpu.memory_space<vmem_shared>>
      tpu.enqueue_dma source(%dma_start3A_53 : memref<128x128xf32, #tpu.memory_space<vmem_shared>>) target(%dma_start3A_51 : memref<128x128xf32, #tpu.memory_space<hbm>>) target_semaphore(%run_scoped3A : memref<!tpu.dma_semaphore, #tpu.memory_space<semaphore_mem>>)
      %dma_wait3A = arith.constant 0 : i32
      %dma_wait3A_54 = tpu.memref_slice %arg5[%add3A_45, %dma_wait3A] : memref<20480x128xf32, #tpu.memory_space<hbm>> -> memref<128x128xf32, #tpu.memory_space<hbm>>
      %dma_wait3A_55 = arith.constant 0 : i32
      %dma_wait3A_56 = tpu.memref_slice %arg9[%add3A_42, %dma_wait3A_55] : memref<10240x128xf32, #tpu.memory_space<vmem_shared>> -> memref<128x128xf32, #tpu.memory_space<vmem_shared>>
      tpu.wait_dma2 semaphore(%run_scoped3A : memref<!tpu.dma_semaphore, #tpu.memory_space<semaphore_mem>>) src(%dma_wait3A_56 : memref<128x128xf32, #tpu.memory_space<vmem_shared>>) dst(%dma_wait3A_54 : memref<128x128xf32, #tpu.memory_space<hbm>>)
      tpu.yield
    }) : () -> ()
    %add3A_46 = arith.constant 512 : i32
    %add3A_47 = arith.addi %mul3A_2, %add3A_46 : i32
    %mul3A_48 = arith.constant 10240 : i32
    %mul3A_49 = arith.muli %arg0, %mul3A_48 : i32
    %add3A_50 = arith.addi %mul3A_49, %add3A_47 : i32
    "tpu.region"() ({
      %run_scoped3A = tpu.sem_alloc : memref<!tpu.dma_semaphore, #tpu.memory_space<semaphore_mem>>
      %dma_start3A = arith.constant 0 : i32
      %dma_start3A_51 = tpu.memref_slice %arg5[%add3A_50, %dma_start3A] : memref<20480x128xf32, #tpu.memory_space<hbm>> -> memref<128x128xf32, #tpu.memory_space<hbm>>
      %dma_start3A_52 = arith.constant 0 : i32
      %dma_start3A_53 = tpu.memref_slice %arg9[%add3A_47, %dma_start3A_52] : memref<10240x128xf32, #tpu.memory_space<vmem_shared>> -> memref<128x128xf32, #tpu.memory_space<vmem_shared>>
      tpu.enqueue_dma source(%dma_start3A_53 : memref<128x128xf32, #tpu.memory_space<vmem_shared>>) target(%dma_start3A_51 : memref<128x128xf32, #tpu.memory_space<hbm>>) target_semaphore(%run_scoped3A : memref<!tpu.dma_semaphore, #tpu.memory_space<semaphore_mem>>)
      %dma_wait3A = arith.constant 0 : i32
      %dma_wait3A_54 = tpu.memref_slice %arg5[%add3A_50, %dma_wait3A] : memref<20480x128xf32, #tpu.memory_space<hbm>> -> memref<128x128xf32, #tpu.memory_space<hbm>>
      %dma_wait3A_55 = arith.constant 0 : i32
      %dma_wait3A_56 = tpu.memref_slice %arg9[%add3A_47, %dma_wait3A_55] : memref<10240x128xf32, #tpu.memory_space<vmem_shared>> -> memref<128x128xf32, #tpu.memory_space<vmem_shared>>
      tpu.wait_dma2 semaphore(%run_scoped3A : memref<!tpu.dma_semaphore, #tpu.memory_space<semaphore_mem>>) src(%dma_wait3A_56 : memref<128x128xf32, #tpu.memory_space<vmem_shared>>) dst(%dma_wait3A_54 : memref<128x128xf32, #tpu.memory_space<hbm>>)
      tpu.yield
    }) : () -> ()
    return
  }
}

#map = affine_map<(d0, d1) -> (0, 0)>
#map1 = affine_map<(d0, d1) -> (0)>
module attributes {stable_mosaic.version = 14 : i64} {
  func.func @k(%arg0: i32, %arg1: i32, %arg2: memref<10240x128xf32, #tpu.memory_space<hbm>>, %arg3: memref<323584xi32, #tpu.memory_space<hbm>>, %arg4: memref<323584xi32, #tpu.memory_space<hbm>>, %arg5: memref<20480x128xf32, #tpu.memory_space<hbm>>, %arg6: memref<128xi32, #tpu.memory_space<vmem>>, %arg7: memref<128xi32, #tpu.memory_space<vmem>>, %arg8: memref<128x128xf32, #tpu.memory_space<vmem>>, %arg9: memref<10240x128xf32, #tpu.memory_space<vmem_shared>>, %arg10: memref<!tpu.dma_semaphore, #tpu.memory_space<semaphore_mem>>) attributes {dimension_semantics = [#tpu.dimension_semantics<core_parallel>, #tpu.dimension_semantics<subcore_parallel>], iteration_bounds = array<i64: 2, 16>, scalar_prefetch = 0 : i64, scratch_operands = 5 : i64, tpu.core_type = #tpu.core_type<sc_vector_subcore>, window_params = [{transform_indices = #map}, {transform_indices = #map1}, {transform_indices = #map1}, {transform_indices = #map}]} {
    %mul3A = arith.constant 2 : i32
    %mul3A_0 = arith.muli %arg1, %mul3A : i32
    %add3A = arith.addi %mul3A_0, %arg0 : i32
    %mul3A_1 = arith.constant 640 : i32
    %mul3A_2 = arith.muli %arg1, %mul3A_1 : i32
    %broadcast_in_dim3A = arith.constant 0.000000e+00 : f32
    %broadcast_in_dim3A_3 = vector.broadcast %broadcast_in_dim3A : f32 to vector<16xf32>
    %scan3A = arith.constant 0 : i32
    %scan3A_4 = arith.constant 128 : i32
    %scan3A_5 = arith.addi %scan3A, %scan3A_4 : i32
    %scan3A_6 = arith.constant 1 : i32
    scf.for %scan3A_51 = %scan3A to %scan3A_5 step %scan3A_6  : i32 {
      %mul3A_52 = arith.constant 1 : i32
      %mul3A_53 = arith.muli %scan3A_51, %mul3A_52 : i32
      %add3A_54 = arith.constant 0 : i32
      %add3A_55 = arith.addi %add3A_54, %mul3A_53 : i32
      %swap3A = arith.index_cast %add3A_55 : i32 to index
      %swap3A_56 = arith.constant 0 : index
      %swap3A_57 = tpu.vector_load %arg8[%swap3A, %swap3A_56] {strides = array<i32>} : memref<128x128xf32, #tpu.memory_space<vmem>>, vector<1x16xf32>,
      %swap3A_58 = vector.shape_cast %swap3A_57 : vector<1x16xf32> to vector<16xf32>
      %swap3A_59 = vector.shape_cast %broadcast_in_dim3A_3 : vector<16xf32> to vector<1x16xf32>
      tpu.vector_store %arg8[%swap3A, %swap3A_56], %swap3A_59 {strides = array<i32>} : memref<128x128xf32, #tpu.memory_space<vmem>>, vector<1x16xf32>,
      %swap3A_60 = arith.index_cast %add3A_55 : i32 to index
      %swap3A_61 = arith.constant 16 : index
      %swap3A_62 = tpu.vector_load %arg8[%swap3A_60, %swap3A_61] {strides = array<i32>} : memref<128x128xf32, #tpu.memory_space<vmem>>, vector<1x16xf32>,
      %swap3A_63 = vector.shape_cast %swap3A_62 : vector<1x16xf32> to vector<16xf32>
      %swap3A_64 = vector.shape_cast %broadcast_in_dim3A_3 : vector<16xf32> to vector<1x16xf32>
      tpu.vector_store %arg8[%swap3A_60, %swap3A_61], %swap3A_64 {strides = array<i32>} : memref<128x128xf32, #tpu.memory_space<vmem>>, vector<1x16xf32>,
      %swap3A_65 = arith.index_cast %add3A_55 : i32 to index
      %swap3A_66 = arith.constant 32 : index
      %swap3A_67 = tpu.vector_load %arg8[%swap3A_65, %swap3A_66] {strides = array<i32>} : memref<128x128xf32, #tpu.memory_space<vmem>>, vector<1x16xf32>,
      %swap3A_68 = vector.shape_cast %swap3A_67 : vector<1x16xf32> to vector<16xf32>
      %swap3A_69 = vector.shape_cast %broadcast_in_dim3A_3 : vector<16xf32> to vector<1x16xf32>
      tpu.vector_store %arg8[%swap3A_65, %swap3A_66], %swap3A_69 {strides = array<i32>} : memref<128x128xf32, #tpu.memory_space<vmem>>, vector<1x16xf32>,
      %swap3A_70 = arith.index_cast %add3A_55 : i32 to index
      %swap3A_71 = arith.constant 48 : index
      %swap3A_72 = tpu.vector_load %arg8[%swap3A_70, %swap3A_71] {strides = array<i32>} : memref<128x128xf32, #tpu.memory_space<vmem>>, vector<1x16xf32>,
      %swap3A_73 = vector.shape_cast %swap3A_72 : vector<1x16xf32> to vector<16xf32>
      %swap3A_74 = vector.shape_cast %broadcast_in_dim3A_3 : vector<16xf32> to vector<1x16xf32>
      tpu.vector_store %arg8[%swap3A_70, %swap3A_71], %swap3A_74 {strides = array<i32>} : memref<128x128xf32, #tpu.memory_space<vmem>>, vector<1x16xf32>,
      %swap3A_75 = arith.index_cast %add3A_55 : i32 to index
      %swap3A_76 = arith.constant 64 : index
      %swap3A_77 = tpu.vector_load %arg8[%swap3A_75, %swap3A_76] {strides = array<i32>} : memref<128x128xf32, #tpu.memory_space<vmem>>, vector<1x16xf32>,
      %swap3A_78 = vector.shape_cast %swap3A_77 : vector<1x16xf32> to vector<16xf32>
      %swap3A_79 = vector.shape_cast %broadcast_in_dim3A_3 : vector<16xf32> to vector<1x16xf32>
      tpu.vector_store %arg8[%swap3A_75, %swap3A_76], %swap3A_79 {strides = array<i32>} : memref<128x128xf32, #tpu.memory_space<vmem>>, vector<1x16xf32>,
      %swap3A_80 = arith.index_cast %add3A_55 : i32 to index
      %swap3A_81 = arith.constant 80 : index
      %swap3A_82 = tpu.vector_load %arg8[%swap3A_80, %swap3A_81] {strides = array<i32>} : memref<128x128xf32, #tpu.memory_space<vmem>>, vector<1x16xf32>,
      %swap3A_83 = vector.shape_cast %swap3A_82 : vector<1x16xf32> to vector<16xf32>
      %swap3A_84 = vector.shape_cast %broadcast_in_dim3A_3 : vector<16xf32> to vector<1x16xf32>
      tpu.vector_store %arg8[%swap3A_80, %swap3A_81], %swap3A_84 {strides = array<i32>} : memref<128x128xf32, #tpu.memory_space<vmem>>, vector<1x16xf32>,
      %swap3A_85 = arith.index_cast %add3A_55 : i32 to index
      %swap3A_86 = arith.constant 96 : index
      %swap3A_87 = tpu.vector_load %arg8[%swap3A_85, %swap3A_86] {strides = array<i32>} : memref<128x128xf32, #tpu.memory_space<vmem>>, vector<1x16xf32>,
      %swap3A_88 = vector.shape_cast %swap3A_87 : vector<1x16xf32> to vector<16xf32>
      %swap3A_89 = vector.shape_cast %broadcast_in_dim3A_3 : vector<16xf32> to vector<1x16xf32>
      tpu.vector_store %arg8[%swap3A_85, %swap3A_86], %swap3A_89 {strides = array<i32>} : memref<128x128xf32, #tpu.memory_space<vmem>>, vector<1x16xf32>,
      %swap3A_90 = arith.index_cast %add3A_55 : i32 to index
      %swap3A_91 = arith.constant 112 : index
      %swap3A_92 = tpu.vector_load %arg8[%swap3A_90, %swap3A_91] {strides = array<i32>} : memref<128x128xf32, #tpu.memory_space<vmem>>, vector<1x16xf32>,
      %swap3A_93 = vector.shape_cast %swap3A_92 : vector<1x16xf32> to vector<16xf32>
      %swap3A_94 = vector.shape_cast %broadcast_in_dim3A_3 : vector<16xf32> to vector<1x16xf32>
      tpu.vector_store %arg8[%swap3A_90, %swap3A_91], %swap3A_94 {strides = array<i32>} : memref<128x128xf32, #tpu.memory_space<vmem>>, vector<1x16xf32>,
    }
    %scan3A_7 = arith.constant 128 : i32
    %add3A_8 = arith.constant 0 : i32
    %add3A_9 = arith.addi %mul3A_2, %add3A_8 : i32
    "tpu.region"() ({
      %run_scoped3A = tpu.sem_alloc : memref<!tpu.dma_semaphore, #tpu.memory_space<semaphore_mem>>
      %dma_start3A = arith.constant 0 : i32
      %dma_start3A_51 = tpu.memref_slice %arg9[%add3A_9, %dma_start3A] : memref<10240x128xf32, #tpu.memory_space<vmem_shared>> -> memref<128x128xf32, #tpu.memory_space<vmem_shared>>
      %dma_start3A_52 = arith.constant 0 : i32
      %dma_start3A_53 = tpu.memref_slice %arg9[%add3A_9, %dma_start3A_52] : memref<10240x128xf32, #tpu.memory_space<vmem_shared>> -> memref<128x128xf32, #tpu.memory_space<vmem_shared>>
      tpu.enqueue_dma source(%arg8 : memref<128x128xf32, #tpu.memory_space<vmem>>) target(%dma_start3A_53 : memref<128x128xf32, #tpu.memory_space<vmem_shared>>) target_semaphore(%run_scoped3A : memref<!tpu.dma_semaphore, #tpu.memory_space<semaphore_mem>>)
      %dma_wait3A = arith.constant 0 : i32
      %dma_wait3A_54 = tpu.memref_slice %arg9[%add3A_9, %dma_wait3A] : memref<10240x128xf32, #tpu.memory_space<vmem_shared>> -> memref<128x128xf32, #tpu.memory_space<vmem_shared>>
      %dma_wait3A_55 = arith.constant 0 : i32
      %dma_wait3A_56 = tpu.memref_slice %arg9[%add3A_9, %dma_wait3A_55] : memref<10240x128xf32, #tpu.memory_space<vmem_shared>> -> memref<128x128xf32, #tpu.memory_space<vmem_shared>>
      tpu.wait_dma2 semaphore(%run_scoped3A : memref<!tpu.dma_semaphore, #tpu.memory_space<semaphore_mem>>) src(%arg8 : memref<128x128xf32, #tpu.memory_space<vmem>>) dst(%dma_wait3A_56 : memref<128x128xf32, #tpu.memory_space<vmem_shared>>)
      tpu.yield
    }) : () -> ()
    %add3A_10 = arith.constant 128 : i32
    %add3A_11 = arith.addi %mul3A_2, %add3A_10 : i32
    "tpu.region"() ({
      %run_scoped3A = tpu.sem_alloc : memref<!tpu.dma_semaphore, #tpu.memory_space<semaphore_mem>>
      %dma_start3A = arith.constant 0 : i32
      %dma_start3A_51 = tpu.memref_slice %arg9[%add3A_11, %dma_start3A] : memref<10240x128xf32, #tpu.memory_space<vmem_shared>> -> memref<128x128xf32, #tpu.memory_space<vmem_shared>>
      %dma_start3A_52 = arith.constant 0 : i32
      %dma_start3A_53 = tpu.memref_slice %arg9[%add3A_11, %dma_start3A_52] : memref<10240x128xf32, #tpu.memory_space<vmem_shared>> -> memref<128x128xf32, #tpu.memory_space<vmem_shared>>
      tpu.enqueue_dma source(%arg8 : memref<128x128xf32, #tpu.memory_space<vmem>>) target(%dma_start3A_53 : memref<128x128xf32, #tpu.memory_space<vmem_shared>>) target_semaphore(%run_scoped3A : memref<!tpu.dma_semaphore, #tpu.memory_space<semaphore_mem>>)
      %dma_wait3A = arith.constant 0 : i32
      %dma_wait3A_54 = tpu.memref_slice %arg9[%add3A_11, %dma_wait3A] : memref<10240x128xf32, #tpu.memory_space<vmem_shared>> -> memref<128x128xf32, #tpu.memory_space<vmem_shared>>
      %dma_wait3A_55 = arith.constant 0 : i32
      %dma_wait3A_56 = tpu.memref_slice %arg9[%add3A_11, %dma_wait3A_55] : memref<10240x128xf32, #tpu.memory_space<vmem_shared>> -> memref<128x128xf32, #tpu.memory_space<vmem_shared>>
      tpu.wait_dma2 semaphore(%run_scoped3A : memref<!tpu.dma_semaphore, #tpu.memory_space<semaphore_mem>>) src(%arg8 : memref<128x128xf32, #tpu.memory_space<vmem>>) dst(%dma_wait3A_56 : memref<128x128xf32, #tpu.memory_space<vmem_shared>>)
      tpu.yield
    }) : () -> ()
    %add3A_12 = arith.constant 256 : i32
    %add3A_13 = arith.addi %mul3A_2, %add3A_12 : i32
    "tpu.region"() ({
      %run_scoped3A = tpu.sem_alloc : memref<!tpu.dma_semaphore, #tpu.memory_space<semaphore_mem>>
      %dma_start3A = arith.constant 0 : i32
      %dma_start3A_51 = tpu.memref_slice %arg9[%add3A_13, %dma_start3A] : memref<10240x128xf32, #tpu.memory_space<vmem_shared>> -> memref<128x128xf32, #tpu.memory_space<vmem_shared>>
      %dma_start3A_52 = arith.constant 0 : i32
      %dma_start3A_53 = tpu.memref_slice %arg9[%add3A_13, %dma_start3A_52] : memref<10240x128xf32, #tpu.memory_space<vmem_shared>> -> memref<128x128xf32, #tpu.memory_space<vmem_shared>>
      tpu.enqueue_dma source(%arg8 : memref<128x128xf32, #tpu.memory_space<vmem>>) target(%dma_start3A_53 : memref<128x128xf32, #tpu.memory_space<vmem_shared>>) target_semaphore(%run_scoped3A : memref<!tpu.dma_semaphore, #tpu.memory_space<semaphore_mem>>)
      %dma_wait3A = arith.constant 0 : i32
      %dma_wait3A_54 = tpu.memref_slice %arg9[%add3A_13, %dma_wait3A] : memref<10240x128xf32, #tpu.memory_space<vmem_shared>> -> memref<128x128xf32, #tpu.memory_space<vmem_shared>>
      %dma_wait3A_55 = arith.constant 0 : i32
      %dma_wait3A_56 = tpu.memref_slice %arg9[%add3A_13, %dma_wait3A_55] : memref<10240x128xf32, #tpu.memory_space<vmem_shared>> -> memref<128x128xf32, #tpu.memory_space<vmem_shared>>
      tpu.wait_dma2 semaphore(%run_scoped3A : memref<!tpu.dma_semaphore, #tpu.memory_space<semaphore_mem>>) src(%arg8 : memref<128x128xf32, #tpu.memory_space<vmem>>) dst(%dma_wait3A_56 : memref<128x128xf32, #tpu.memory_space<vmem_shared>>)
      tpu.yield
    }) : () -> ()
    %add3A_14 = arith.constant 384 : i32
    %add3A_15 = arith.addi %mul3A_2, %add3A_14 : i32
    "tpu.region"() ({
      %run_scoped3A = tpu.sem_alloc : memref<!tpu.dma_semaphore, #tpu.memory_space<semaphore_mem>>
      %dma_start3A = arith.constant 0 : i32
      %dma_start3A_51 = tpu.memref_slice %arg9[%add3A_15, %dma_start3A] : memref<10240x128xf32, #tpu.memory_space<vmem_shared>> -> memref<128x128xf32, #tpu.memory_space<vmem_shared>>
      %dma_start3A_52 = arith.constant 0 : i32
      %dma_start3A_53 = tpu.memref_slice %arg9[%add3A_15, %dma_start3A_52] : memref<10240x128xf32, #tpu.memory_space<vmem_shared>> -> memref<128x128xf32, #tpu.memory_space<vmem_shared>>
      tpu.enqueue_dma source(%arg8 : memref<128x128xf32, #tpu.memory_space<vmem>>) target(%dma_start3A_53 : memref<128x128xf32, #tpu.memory_space<vmem_shared>>) target_semaphore(%run_scoped3A : memref<!tpu.dma_semaphore, #tpu.memory_space<semaphore_mem>>)
      %dma_wait3A = arith.constant 0 : i32
      %dma_wait3A_54 = tpu.memref_slice %arg9[%add3A_15, %dma_wait3A] : memref<10240x128xf32, #tpu.memory_space<vmem_shared>> -> memref<128x128xf32, #tpu.memory_space<vmem_shared>>
      %dma_wait3A_55 = arith.constant 0 : i32
      %dma_wait3A_56 = tpu.memref_slice %arg9[%add3A_15, %dma_wait3A_55] : memref<10240x128xf32, #tpu.memory_space<vmem_shared>> -> memref<128x128xf32, #tpu.memory_space<vmem_shared>>
      tpu.wait_dma2 semaphore(%run_scoped3A : memref<!tpu.dma_semaphore, #tpu.memory_space<semaphore_mem>>) src(%arg8 : memref<128x128xf32, #tpu.memory_space<vmem>>) dst(%dma_wait3A_56 : memref<128x128xf32, #tpu.memory_space<vmem_shared>>)
      tpu.yield
    }) : () -> ()
    %add3A_16 = arith.constant 512 : i32
    %add3A_17 = arith.addi %mul3A_2, %add3A_16 : i32
    "tpu.region"() ({
      %run_scoped3A = tpu.sem_alloc : memref<!tpu.dma_semaphore, #tpu.memory_space<semaphore_mem>>
      %dma_start3A = arith.constant 0 : i32
      %dma_start3A_51 = tpu.memref_slice %arg9[%add3A_17, %dma_start3A] : memref<10240x128xf32, #tpu.memory_space<vmem_shared>> -> memref<128x128xf32, #tpu.memory_space<vmem_shared>>
      %dma_start3A_52 = arith.constant 0 : i32
      %dma_start3A_53 = tpu.memref_slice %arg9[%add3A_17, %dma_start3A_52] : memref<10240x128xf32, #tpu.memory_space<vmem_shared>> -> memref<128x128xf32, #tpu.memory_space<vmem_shared>>
      tpu.enqueue_dma source(%arg8 : memref<128x128xf32, #tpu.memory_space<vmem>>) target(%dma_start3A_53 : memref<128x128xf32, #tpu.memory_space<vmem_shared>>) target_semaphore(%run_scoped3A : memref<!tpu.dma_semaphore, #tpu.memory_space<semaphore_mem>>)
      %dma_wait3A = arith.constant 0 : i32
      %dma_wait3A_54 = tpu.memref_slice %arg9[%add3A_17, %dma_wait3A] : memref<10240x128xf32, #tpu.memory_space<vmem_shared>> -> memref<128x128xf32, #tpu.memory_space<vmem_shared>>
      %dma_wait3A_55 = arith.constant 0 : i32
      %dma_wait3A_56 = tpu.memref_slice %arg9[%add3A_17, %dma_wait3A_55] : memref<10240x128xf32, #tpu.memory_space<vmem_shared>> -> memref<128x128xf32, #tpu.memory_space<vmem_shared>>
      tpu.wait_dma2 semaphore(%run_scoped3A : memref<!tpu.dma_semaphore, #tpu.memory_space<semaphore_mem>>) src(%arg8 : memref<128x128xf32, #tpu.memory_space<vmem>>) dst(%dma_wait3A_56 : memref<128x128xf32, #tpu.memory_space<vmem_shared>>)
      tpu.yield
    }) : () -> ()
    %barrier3A = arith.constant 0 : index
    tpu.barrier barrier_id(%barrier3A)
    %mul3A_18 = arith.constant 10112 : i32
    %mul3A_19 = arith.muli %add3A, %mul3A_18 : i32
    %scan3A_20 = arith.constant 0 : i32
    %scan3A_21 = arith.constant 79 : i32
    %scan3A_22 = arith.addi %scan3A_20, %scan3A_21 : i32
    %scan3A_23 = arith.constant 1 : i32
    scf.for %scan3A_51 = %scan3A_20 to %scan3A_22 step %scan3A_23  : i32 {
      %mul3A_52 = arith.constant 1 : i32
      %mul3A_53 = arith.muli %scan3A_51, %mul3A_52 : i32
      %add3A_54 = arith.constant 0 : i32
      %add3A_55 = arith.addi %add3A_54, %mul3A_53 : i32
      %mul3A_56 = arith.constant 128 : i32
      %mul3A_57 = arith.muli %add3A_55, %mul3A_56 : i32
      %add3A_58 = arith.addi %mul3A_19, %mul3A_57 : i32
      %multiple_of3A = tpu.assume_multiple %add3A_58, 128 : i32
      "tpu.region"() ({
        %run_scoped3A = tpu.sem_alloc : memref<!tpu.dma_semaphore, #tpu.memory_space<semaphore_mem>>
        %dma_start3A_63 = tpu.memref_slice %arg3[%multiple_of3A] : memref<323584xi32, #tpu.memory_space<hbm>> -> memref<128xi32, #tpu.memory_space<hbm>>
        %dma_start3A_64 = tpu.memref_slice %arg3[%multiple_of3A] : memref<323584xi32, #tpu.memory_space<hbm>> -> memref<128xi32, #tpu.memory_space<hbm>>
        tpu.enqueue_dma source(%dma_start3A_64 : memref<128xi32, #tpu.memory_space<hbm>>) target(%arg6 : memref<128xi32, #tpu.memory_space<vmem>>) target_semaphore(%run_scoped3A : memref<!tpu.dma_semaphore, #tpu.memory_space<semaphore_mem>>)
        %dma_wait3A_65 = tpu.memref_slice %arg3[%multiple_of3A] : memref<323584xi32, #tpu.memory_space<hbm>> -> memref<128xi32, #tpu.memory_space<hbm>>
        %dma_wait3A_66 = tpu.memref_slice %arg3[%multiple_of3A] : memref<323584xi32, #tpu.memory_space<hbm>> -> memref<128xi32, #tpu.memory_space<hbm>>
        tpu.wait_dma2 semaphore(%run_scoped3A : memref<!tpu.dma_semaphore, #tpu.memory_space<semaphore_mem>>) src(%dma_wait3A_66 : memref<128xi32, #tpu.memory_space<hbm>>) dst(%arg6 : memref<128xi32, #tpu.memory_space<vmem>>)
        tpu.yield
      }) : () -> ()
      "tpu.region"() ({
        %run_scoped3A = tpu.sem_alloc : memref<!tpu.dma_semaphore, #tpu.memory_space<semaphore_mem>>
        %dma_start3A_63 = tpu.memref_slice %arg4[%multiple_of3A] : memref<323584xi32, #tpu.memory_space<hbm>> -> memref<128xi32, #tpu.memory_space<hbm>>
        %dma_start3A_64 = tpu.memref_slice %arg4[%multiple_of3A] : memref<323584xi32, #tpu.memory_space<hbm>> -> memref<128xi32, #tpu.memory_space<hbm>>
        tpu.enqueue_dma source(%dma_start3A_64 : memref<128xi32, #tpu.memory_space<hbm>>) target(%arg7 : memref<128xi32, #tpu.memory_space<vmem>>) target_semaphore(%run_scoped3A : memref<!tpu.dma_semaphore, #tpu.memory_space<semaphore_mem>>)
        %dma_wait3A_65 = tpu.memref_slice %arg4[%multiple_of3A] : memref<323584xi32, #tpu.memory_space<hbm>> -> memref<128xi32, #tpu.memory_space<hbm>>
        %dma_wait3A_66 = tpu.memref_slice %arg4[%multiple_of3A] : memref<323584xi32, #tpu.memory_space<hbm>> -> memref<128xi32, #tpu.memory_space<hbm>>
        tpu.wait_dma2 semaphore(%run_scoped3A : memref<!tpu.dma_semaphore, #tpu.memory_space<semaphore_mem>>) src(%dma_wait3A_66 : memref<128xi32, #tpu.memory_space<hbm>>) dst(%arg7 : memref<128xi32, #tpu.memory_space<vmem>>)
        tpu.yield
      }) : () -> ()
      %dma_start3A = arith.constant 0 : i32
      %dma_start3A_59 = arith.constant 0 : i32
      %dma_start3A_60 = tpu.memref_slice %arg2[%dma_start3A, %dma_start3A_59] : memref<10240x128xf32, #tpu.memory_space<hbm>> -> memref<10240x128xf32, #tpu.memory_space<hbm>>
      tpu.enqueue_indirect_dma source(%dma_start3A_60 : memref<10240x128xf32, #tpu.memory_space<hbm>>) target(%arg8 : memref<128x128xf32, #tpu.memory_space<vmem>>) offsets(%arg6 : memref<128xi32, #tpu.memory_space<vmem>>) semaphore(%arg10 : memref<!tpu.dma_semaphore, #tpu.memory_space<semaphore_mem>>)
      %dma_wait3A = arith.constant 0 : i32
      %dma_wait3A_61 = arith.constant 0 : i32
      %dma_wait3A_62 = tpu.memref_slice %arg2[%dma_wait3A, %dma_wait3A_61] : memref<10240x128xf32, #tpu.memory_space<hbm>> -> memref<10240x128xf32, #tpu.memory_space<hbm>>
      tpu.wait_indirect_dma semaphore(%arg10 : memref<!tpu.dma_semaphore, #tpu.memory_space<semaphore_mem>>) src(%dma_wait3A_62 : memref<10240x128xf32, #tpu.memory_space<hbm>>) dst(%arg8 : memref<128x128xf32, #tpu.memory_space<vmem>>)
      "tpu.region"() ({
        %run_scoped3A = tpu.sem_alloc : memref<!tpu.dma_semaphore, #tpu.memory_space<semaphore_mem>>
        %dma_start3A_63 = arith.constant 0 : i32
        %dma_start3A_64 = arith.constant 0 : i32
        %dma_start3A_65 = tpu.memref_slice %arg9[%dma_start3A_63, %dma_start3A_64] : memref<10240x128xf32, #tpu.memory_space<vmem_shared>> -> memref<10240x128xf32, #tpu.memory_space<vmem_shared>>
        tpu.enqueue_indirect_dma source(%arg8 : memref<128x128xf32, #tpu.memory_space<vmem>>) target(%dma_start3A_65 : memref<10240x128xf32, #tpu.memory_space<vmem_shared>>) offsets(%arg7 : memref<128xi32, #tpu.memory_space<vmem>>) semaphore(%run_scoped3A : memref<!tpu.dma_semaphore, #tpu.memory_space<semaphore_mem>>) {add = true}
        %dma_wait3A_66 = arith.constant 0 : i32
        %dma_wait3A_67 = arith.constant 0 : i32
        %dma_wait3A_68 = tpu.memref_slice %arg9[%dma_wait3A_66, %dma_wait3A_67] : memref<10240x128xf32, #tpu.memory_space<vmem_shared>> -> memref<10240x128xf32, #tpu.memory_space<vmem_shared>>
        tpu.wait_indirect_dma semaphore(%run_scoped3A : memref<!tpu.dma_semaphore, #tpu.memory_space<semaphore_mem>>) src(%arg8 : memref<128x128xf32, #tpu.memory_space<vmem>>) dst(%dma_wait3A_68 : memref<10240x128xf32, #tpu.memory_space<vmem_shared>>)
        tpu.yield
      }) : () -> ()
    }
    %scan3A_24 = arith.constant 79 : i32
    %barrier3A_25 = arith.constant 0 : index
    tpu.barrier barrier_id(%barrier3A_25)
    %add3A_26 = arith.constant 0 : i32
    %add3A_27 = arith.addi %mul3A_2, %add3A_26 : i32
    %mul3A_28 = arith.constant 10240 : i32
    %mul3A_29 = arith.muli %arg0, %mul3A_28 : i32
    %add3A_30 = arith.addi %mul3A_29, %add3A_27 : i32
    "tpu.region"() ({
      %run_scoped3A = tpu.sem_alloc : memref<!tpu.dma_semaphore, #tpu.memory_space<semaphore_mem>>
      %dma_start3A = arith.constant 0 : i32
      %dma_start3A_51 = tpu.memref_slice %arg5[%add3A_30, %dma_start3A] : memref<20480x128xf32, #tpu.memory_space<hbm>> -> memref<128x128xf32, #tpu.memory_space<hbm>>
      %dma_start3A_52 = arith.constant 0 : i32
      %dma_start3A_53 = tpu.memref_slice %arg9[%add3A_27, %dma_start3A_52] : memref<10240x128xf32, #tpu.memory_space<vmem_shared>> -> memref<128x128xf32, #tpu.memory_space<vmem_shared>>
      tpu.enqueue_dma source(%dma_start3A_53 : memref<128x128xf32, #tpu.memory_space<vmem_shared>>) target(%dma_start3A_51 : memref<128x128xf32, #tpu.memory_space<hbm>>) target_semaphore(%run_scoped3A : memref<!tpu.dma_semaphore, #tpu.memory_space<semaphore_mem>>)
      %dma_wait3A = arith.constant 0 : i32
      %dma_wait3A_54 = tpu.memref_slice %arg5[%add3A_30, %dma_wait3A] : memref<20480x128xf32, #tpu.memory_space<hbm>> -> memref<128x128xf32, #tpu.memory_space<hbm>>
      %dma_wait3A_55 = arith.constant 0 : i32
      %dma_wait3A_56 = tpu.memref_slice %arg9[%add3A_27, %dma_wait3A_55] : memref<10240x128xf32, #tpu.memory_space<vmem_shared>> -> memref<128x128xf32, #tpu.memory_space<vmem_shared>>
      tpu.wait_dma2 semaphore(%run_scoped3A : memref<!tpu.dma_semaphore, #tpu.memory_space<semaphore_mem>>) src(%dma_wait3A_56 : memref<128x128xf32, #tpu.memory_space<vmem_shared>>) dst(%dma_wait3A_54 : memref<128x128xf32, #tpu.memory_space<hbm>>)
      tpu.yield
    }) : () -> ()
    %add3A_31 = arith.constant 128 : i32
    %add3A_32 = arith.addi %mul3A_2, %add3A_31 : i32
    %mul3A_33 = arith.constant 10240 : i32
    %mul3A_34 = arith.muli %arg0, %mul3A_33 : i32
    %add3A_35 = arith.addi %mul3A_34, %add3A_32 : i32
    "tpu.region"() ({
      %run_scoped3A = tpu.sem_alloc : memref<!tpu.dma_semaphore, #tpu.memory_space<semaphore_mem>>
      %dma_start3A = arith.constant 0 : i32
      %dma_start3A_51 = tpu.memref_slice %arg5[%add3A_35, %dma_start3A] : memref<20480x128xf32, #tpu.memory_space<hbm>> -> memref<128x128xf32, #tpu.memory_space<hbm>>
      %dma_start3A_52 = arith.constant 0 : i32
      %dma_start3A_53 = tpu.memref_slice %arg9[%add3A_32, %dma_start3A_52] : memref<10240x128xf32, #tpu.memory_space<vmem_shared>> -> memref<128x128xf32, #tpu.memory_space<vmem_shared>>
      tpu.enqueue_dma source(%dma_start3A_53 : memref<128x128xf32, #tpu.memory_space<vmem_shared>>) target(%dma_start3A_51 : memref<128x128xf32, #tpu.memory_space<hbm>>) target_semaphore(%run_scoped3A : memref<!tpu.dma_semaphore, #tpu.memory_space<semaphore_mem>>)
      %dma_wait3A = arith.constant 0 : i32
      %dma_wait3A_54 = tpu.memref_slice %arg5[%add3A_35, %dma_wait3A] : memref<20480x128xf32, #tpu.memory_space<hbm>> -> memref<128x128xf32, #tpu.memory_space<hbm>>
      %dma_wait3A_55 = arith.constant 0 : i32
      %dma_wait3A_56 = tpu.memref_slice %arg9[%add3A_32, %dma_wait3A_55] : memref<10240x128xf32, #tpu.memory_space<vmem_shared>> -> memref<128x128xf32, #tpu.memory_space<vmem_shared>>
      tpu.wait_dma2 semaphore(%run_scoped3A : memref<!tpu.dma_semaphore, #tpu.memory_space<semaphore_mem>>) src(%dma_wait3A_56 : memref<128x128xf32, #tpu.memory_space<vmem_shared>>) dst(%dma_wait3A_54 : memref<128x128xf32, #tpu.memory_space<hbm>>)
      tpu.yield
    }) : () -> ()
    %add3A_36 = arith.constant 256 : i32
    %add3A_37 = arith.addi %mul3A_2, %add3A_36 : i32
    %mul3A_38 = arith.constant 10240 : i32
    %mul3A_39 = arith.muli %arg0, %mul3A_38 : i32
    %add3A_40 = arith.addi %mul3A_39, %add3A_37 : i32
    "tpu.region"() ({
      %run_scoped3A = tpu.sem_alloc : memref<!tpu.dma_semaphore, #tpu.memory_space<semaphore_mem>>
      %dma_start3A = arith.constant 0 : i32
      %dma_start3A_51 = tpu.memref_slice %arg5[%add3A_40, %dma_start3A] : memref<20480x128xf32, #tpu.memory_space<hbm>> -> memref<128x128xf32, #tpu.memory_space<hbm>>
      %dma_start3A_52 = arith.constant 0 : i32
      %dma_start3A_53 = tpu.memref_slice %arg9[%add3A_37, %dma_start3A_52] : memref<10240x128xf32, #tpu.memory_space<vmem_shared>> -> memref<128x128xf32, #tpu.memory_space<vmem_shared>>
      tpu.enqueue_dma source(%dma_start3A_53 : memref<128x128xf32, #tpu.memory_space<vmem_shared>>) target(%dma_start3A_51 : memref<128x128xf32, #tpu.memory_space<hbm>>) target_semaphore(%run_scoped3A : memref<!tpu.dma_semaphore, #tpu.memory_space<semaphore_mem>>)
      %dma_wait3A = arith.constant 0 : i32
      %dma_wait3A_54 = tpu.memref_slice %arg5[%add3A_40, %dma_wait3A] : memref<20480x128xf32, #tpu.memory_space<hbm>> -> memref<128x128xf32, #tpu.memory_space<hbm>>
      %dma_wait3A_55 = arith.constant 0 : i32
      %dma_wait3A_56 = tpu.memref_slice %arg9[%add3A_37, %dma_wait3A_55] : memref<10240x128xf32, #tpu.memory_space<vmem_shared>> -> memref<128x128xf32, #tpu.memory_space<vmem_shared>>
      tpu.wait_dma2 semaphore(%run_scoped3A : memref<!tpu.dma_semaphore, #tpu.memory_space<semaphore_mem>>) src(%dma_wait3A_56 : memref<128x128xf32, #tpu.memory_space<vmem_shared>>) dst(%dma_wait3A_54 : memref<128x128xf32, #tpu.memory_space<hbm>>)
      tpu.yield
    }) : () -> ()
    %add3A_41 = arith.constant 384 : i32
    %add3A_42 = arith.addi %mul3A_2, %add3A_41 : i32
    %mul3A_43 = arith.constant 10240 : i32
    %mul3A_44 = arith.muli %arg0, %mul3A_43 : i32
    %add3A_45 = arith.addi %mul3A_44, %add3A_42 : i32
    "tpu.region"() ({
      %run_scoped3A = tpu.sem_alloc : memref<!tpu.dma_semaphore, #tpu.memory_space<semaphore_mem>>
      %dma_start3A = arith.constant 0 : i32
      %dma_start3A_51 = tpu.memref_slice %arg5[%add3A_45, %dma_start3A] : memref<20480x128xf32, #tpu.memory_space<hbm>> -> memref<128x128xf32, #tpu.memory_space<hbm>>
      %dma_start3A_52 = arith.constant 0 : i32
      %dma_start3A_53 = tpu.memref_slice %arg9[%add3A_42, %dma_start3A_52] : memref<10240x128xf32, #tpu.memory_space<vmem_shared>> -> memref<128x128xf32, #tpu.memory_space<vmem_shared>>
      tpu.enqueue_dma source(%dma_start3A_53 : memref<128x128xf32, #tpu.memory_space<vmem_shared>>) target(%dma_start3A_51 : memref<128x128xf32, #tpu.memory_space<hbm>>) target_semaphore(%run_scoped3A : memref<!tpu.dma_semaphore, #tpu.memory_space<semaphore_mem>>)
      %dma_wait3A = arith.constant 0 : i32
      %dma_wait3A_54 = tpu.memref_slice %arg5[%add3A_45, %dma_wait3A] : memref<20480x128xf32, #tpu.memory_space<hbm>> -> memref<128x128xf32, #tpu.memory_space<hbm>>
      %dma_wait3A_55 = arith.constant 0 : i32
      %dma_wait3A_56 = tpu.memref_slice %arg9[%add3A_42, %dma_wait3A_55] : memref<10240x128xf32, #tpu.memory_space<vmem_shared>> -> memref<128x128xf32, #tpu.memory_space<vmem_shared>>
      tpu.wait_dma2 semaphore(%run_scoped3A : memref<!tpu.dma_semaphore, #tpu.memory_space<semaphore_mem>>) src(%dma_wait3A_56 : memref<128x128xf32, #tpu.memory_space<vmem_shared>>) dst(%dma_wait3A_54 : memref<128x128xf32, #tpu.memory_space<hbm>>)
      tpu.yield
    }) : () -> ()
    %add3A_46 = arith.constant 512 : i32
    %add3A_47 = arith.addi %mul3A_2, %add3A_46 : i32
    %mul3A_48 = arith.constant 10240 : i32
    %mul3A_49 = arith.muli %arg0, %mul3A_48 : i32
    %add3A_50 = arith.addi %mul3A_49, %add3A_47 : i32
    "tpu.region"() ({
      %run_scoped3A = tpu.sem_alloc : memref<!tpu.dma_semaphore, #tpu.memory_space<semaphore_mem>>
      %dma_start3A = arith.constant 0 : i32
      %dma_start3A_51 = tpu.memref_slice %arg5[%add3A_50, %dma_start3A] : memref<20480x128xf32, #tpu.memory_space<hbm>> -> memref<128x128xf32, #tpu.memory_space<hbm>>
      %dma_start3A_52 = arith.constant 0 : i32
      %dma_start3A_53 = tpu.memref_slice %arg9[%add3A_47, %dma_start3A_52] : memref<10240x128xf32, #tpu.memory_space<vmem_shared>> -> memref<128x128xf32, #tpu.memory_space<vmem_shared>>
      tpu.enqueue_dma source(%dma_start3A_53 : memref<128x128xf32, #tpu.memory_space<vmem_shared>>) target(%dma_start3A_51 : memref<128x128xf32, #tpu.memory_space<hbm>>) target_semaphore(%run_scoped3A : memref<!tpu.dma_semaphore, #tpu.memory_space<semaphore_mem>>)
      %dma_wait3A = arith.constant 0 : i32
      %dma_wait3A_54 = tpu.memref_slice %arg5[%add3A_50, %dma_wait3A] : memref<20480x128xf32, #tpu.memory_space<hbm>> -> memref<128x128xf32, #tpu.memory_space<hbm>>
      %dma_wait3A_55 = arith.constant 0 : i32
      %dma_wait3A_56 = tpu.memref_slice %arg9[%add3A_47, %dma_wait3A_55] : memref<10240x128xf32, #tpu.memory_space<vmem_shared>> -> memref<128x128xf32, #tpu.memory_space<vmem_shared>>
      tpu.wait_dma2 semaphore(%run_scoped3A : memref<!tpu.dma_semaphore, #tpu.memory_space<semaphore_mem>>) src(%dma_wait3A_56 : memref<128x128xf32, #tpu.memory_space<vmem_shared>>) dst(%dma_wait3A_54 : memref<128x128xf32, #tpu.memory_space<hbm>>)
      tpu.yield
    }) : () -> ()
    return
  }
}

module attributes {stable_mosaic.version = 14 : i64} {
  func.func @_tc_body(%arg0: i32, %arg1: memref<512x128xf32, #tpu.memory_space<vmem>>, %arg2: memref<2x512x128xf32, #tpu.memory_space<vmem>>, %arg3: memref<512x128xf32, #tpu.memory_space<vmem>>, %arg4: memref<128x128xf32, #tpu.memory_space<vmem>>, %arg5: memref<128x128xf32, #tpu.memory_space<vmem>>, %arg6: memref<1x128xf32, #tpu.memory_space<vmem>>, %arg7: memref<512x128xf32, #tpu.memory_space<vmem>>) attributes {dimension_semantics = [#tpu.dimension_semantics<arbitrary>], iteration_bounds = array<i64: 20>, scalar_prefetch = 0 : i64, scratch_operands = 0 : i64, tpu.core_type = #tpu.core_type<tc>, window_params = [{transform_indices = @transform_0, window_bounds = array<i64: 512, 128>}, {transform_indices = @transform_1, window_bounds = array<i64: 2, 512, 128>}, {transform_indices = @transform_2, window_bounds = array<i64: 512, 128>}, {pipeline_mode = #tpu.pipeline_mode<synchronous>, transform_indices = @transform_3, window_bounds = array<i64: 128, 128>}, {pipeline_mode = #tpu.pipeline_mode<synchronous>, transform_indices = @transform_4, window_bounds = array<i64: 128, 128>}, {pipeline_mode = #tpu.pipeline_mode<synchronous>, transform_indices = @transform_5, window_bounds = array<i64: 1, 128>}, {transform_indices = @transform_6, window_bounds = array<i64: 512, 128>}]} {
    %get3A = arith.constant 0 : index
    %get3A_0 = arith.constant 0 : index
    %get3A_1 = arith.constant 0 : index
    %get3A_2 = vector.load %arg2[%get3A, %get3A_0, %get3A_1] : memref<2x512x128xf32, #tpu.memory_space<vmem>>, vector<1x512x128xf32>
    %get3A_3 = vector.shape_cast %get3A_2 : vector<1x512x128xf32> to vector<512x128xf32>
    %get3A_4 = arith.constant 1 : index
    %get3A_5 = arith.constant 0 : index
    %get3A_6 = arith.constant 0 : index
    %get3A_7 = vector.load %arg2[%get3A_4, %get3A_5, %get3A_6] : memref<2x512x128xf32, #tpu.memory_space<vmem>>, vector<1x512x128xf32>
    %get3A_8 = vector.shape_cast %get3A_7 : vector<1x512x128xf32> to vector<512x128xf32>
    %add3A = arith.addf %get3A_3, %get3A_8 : vector<512x128xf32>
    %get3A_9 = arith.constant 0 : index
    %get3A_10 = arith.constant 0 : index
    %get3A_11 = vector.load %arg3[%get3A_9, %get3A_10] : memref<512x128xf32, #tpu.memory_space<vmem>>, vector<512x128xf32>
    %max3A = arith.constant 1.000000e+00 : f32
    %max3A_12 = vector.broadcast %max3A : f32 to vector<512x128xf32>
    %max3A_13 = arith.maximumf %get3A_11, %max3A_12 : vector<512x128xf32>
    %div3A = arith.divf %add3A, %max3A_13 : vector<512x128xf32>
    %get3A_14 = arith.constant 0 : index
    %get3A_15 = arith.constant 0 : index
    %get3A_16 = vector.load %arg4[%get3A_14, %get3A_15] : memref<128x128xf32, #tpu.memory_space<vmem>>, vector<128x128xf32>
    %dot_general3A = arith.constant dense<0.000000e+00> : vector<512x128xf32>
    %dot_general3A_17 = tpu.matmul %div3A, %get3A_16, %dot_general3A {dimension_numbers = #tpu.dot_dimension_numbers<[1], [0], [0], [1], [0, 0, 1, 1], [], []>, transpose_lhs_hint = false} : vector<512x128xf32>, vector<128x128xf32>, vector<512x128xf32> -> vector<512x128xf32>
    %get3A_18 = arith.constant 0 : index
    %get3A_19 = arith.constant 0 : index
    %get3A_20 = vector.load %arg1[%get3A_18, %get3A_19] : memref<512x128xf32, #tpu.memory_space<vmem>>, vector<512x128xf32>
    %get3A_21 = arith.constant 0 : index
    %get3A_22 = arith.constant 0 : index
    %get3A_23 = vector.load %arg5[%get3A_21, %get3A_22] : memref<128x128xf32, #tpu.memory_space<vmem>>, vector<128x128xf32>
    %dot_general3A_24 = arith.constant dense<0.000000e+00> : vector<512x128xf32>
    %dot_general3A_25 = tpu.matmul %get3A_20, %get3A_23, %dot_general3A_24 {dimension_numbers = #tpu.dot_dimension_numbers<[1], [0], [0], [1], [0, 0, 1, 1], [], []>, transpose_lhs_hint = false} : vector<512x128xf32>, vector<128x128xf32>, vector<512x128xf32> -> vector<512x128xf32>
    %add3A_26 = arith.addf %dot_general3A_17, %dot_general3A_25 : vector<512x128xf32>
    %get3A_27 = arith.constant 0 : index
    %get3A_28 = arith.constant 0 : index
    %get3A_29 = vector.load %arg6[%get3A_27, %get3A_28] : memref<1x128xf32, #tpu.memory_space<vmem>>, vector<1x128xf32>
    %add3A_30 = vector.broadcast %get3A_29 : vector<1x128xf32> to vector<512x128xf32>
    %add3A_31 = arith.addf %add3A_26, %add3A_30 : vector<512x128xf32>
    %mul3A = arith.mulf %add3A_31, %add3A_31 : vector<512x128xf32>
    %reduce_sum3A = arith.constant dense<0.000000e+00> : vector<512xf32>
    %reduce_sum3A_32 = vector.multi_reduction <add>, %mul3A, %reduce_sum3A [1] : vector<512x128xf32> to vector<512xf32>
    %broadcast_in_dim3A = vector.shape_cast %reduce_sum3A_32 : vector<512xf32> to vector<512x1xf32>
    %sqrt3A = math.sqrt %broadcast_in_dim3A : vector<512x1xf32>
    %max3A_33 = arith.constant 9.99999996E-13 : f32
    %max3A_34 = vector.broadcast %max3A_33 : f32 to vector<512x1xf32>
    %max3A_35 = arith.maximumf %sqrt3A, %max3A_34 : vector<512x1xf32>
    %div3A_36 = vector.broadcast %max3A_35 : vector<512x1xf32> to vector<512x128xf32>
    %div3A_37 = arith.divf %add3A_31, %div3A_36 : vector<512x128xf32>
    %max3A_38 = arith.constant 0.000000e+00 : f32
    %max3A_39 = vector.broadcast %max3A_38 : f32 to vector<512x128xf32>
    %max3A_40 = arith.maximumf %div3A_37, %max3A_39 : vector<512x128xf32>
    %swap3A = arith.constant 0 : index
    %swap3A_41 = arith.constant 0 : index
    %swap3A_42 = vector.load %arg7[%swap3A, %swap3A_41] : memref<512x128xf32, #tpu.memory_space<vmem>>, vector<512x128xf32>
    tpu.vector_store %arg7[%swap3A, %swap3A_41], %max3A_40 {strides = array<i32>} : memref<512x128xf32, #tpu.memory_space<vmem>>, vector<512x128xf32>,
    return
  }
  func.func @transform_0(%arg0: i32) -> (i32, i32) {
    %c0_i32 = arith.constant 0 : i32
    %c0_i32_0 = arith.constant 0 : i32
    return %arg0, %c0_i32 : i32, i32
  }
  func.func @transform_1(%arg0: i32) -> (i32, i32, i32) {
    %c0_i32 = arith.constant 0 : i32
    %c0_i32_0 = arith.constant 0 : i32
    %c0_i32_1 = arith.constant 0 : i32
    return %c0_i32, %arg0, %c0_i32_0 : i32, i32, i32
  }
  func.func @transform_2(%arg0: i32) -> (i32, i32) {
    %c0_i32 = arith.constant 0 : i32
    %c0_i32_0 = arith.constant 0 : i32
    return %arg0, %c0_i32 : i32, i32
  }
  func.func @transform_3(%arg0: i32) -> (i32, i32) {
    %c0_i32 = arith.constant 0 : i32
    %c0_i32_0 = arith.constant 0 : i32
    %c0_i32_1 = arith.constant 0 : i32
    return %c0_i32, %c0_i32_0 : i32, i32
  }
  func.func @transform_4(%arg0: i32) -> (i32, i32) {
    %c0_i32 = arith.constant 0 : i32
    %c0_i32_0 = arith.constant 0 : i32
    %c0_i32_1 = arith.constant 0 : i32
    return %c0_i32, %c0_i32_0 : i32, i32
  }
  func.func @transform_5(%arg0: i32) -> (i32, i32) {
    %c0_i32 = arith.constant 0 : i32
    %c0_i32_0 = arith.constant 0 : i32
    %c0_i32_1 = arith.constant 0 : i32
    return %c0_i32, %c0_i32_0 : i32, i32
  }
  func.func @transform_6(%arg0: i32) -> (i32, i32) {
    %c0_i32 = arith.constant 0 : i32
    %c0_i32_0 = arith.constant 0 : i32
    return %arg0, %c0_i32 : i32, i32
  }
}

</mosaic_0001>

<sc_bundles>
// kernel: kernel.12.cloned.1.call-start
scs
__scs_entry_jumppad:
0x0: {  	(pc) =	sbr.rel $0x88, $3  }
0x1: {  	(tag) =	ssettag $0x0;
	lr =	simm.s32 $0x1  }
0x2: {  	[smem:$0x3F96] =	sst lr;
	_ =	strace $0xD0000000  }
0x3: {  	_ = 	snop  }
0x4: {  	_ = 	snop  }
0x5: {  	_ = 	snop  }
0x6: {  	_ = 	snop  }
0x7: {  	_ = 	snop  }
__scs_overlays_trampoline_lowered:
0x8: {  	[smem:$0x3FA5] =	sst s0  }
0x9: {  	[smem:$0x3FA6] =	sst s1  }
0xa: {  	[smem:$0x3FA7] =	sst s2  }
0xb: {  	[smem:$0x3FA8] =	sst s3  }
0xc: {  	[smem:$0x3FA9] =	sst s4  }
0xd: {  	[smem:$0x3FAA] =	sst s5  }
0xe: {  	[smem:$0x3FAB] =	sst s6  }
0xf: {  	[smem:$0x3FAC] =	sst s7  }
0x10: {  	[smem:$0x3FAD] =	sst s8  }
0x11: {  	[smem:$0x3FAE] =	sst s9;
	s0 =	simm.s32 @!p0 $0x0  }
0x12: {  	s1 =	sld [smem:$0x3F94];
	s0 =	simm.s32 @p0 $0x1  }
0x13: {  	[smem:$0x3FAF] =	sst s0;
	s0 =	simm.s32 @!p1 $0x0  }
0x14: {  	s2 =	sld [smem:$0x3F93];
	s0 =	simm.s32 @p1 $0x1  }
0x15: {  	[smem:$0x3FB0] =	sst s0;
	s0 =	simm.s32 @!p2 $0x0  }
0x16: {  	s3 =	sld [smem:$0x3FDB];
	s0 =	simm.s32 @p2 $0x1  }
0x17: {  	s4 =	simm.s32 $0x1BF5;
	[smem:$0x3FB2] =	sst s0  }
0x18: {  	s0 =	sld [smem:$0x3F95];
	_ =	swait.ge [sflag:s4], $0x0  }
0x19: {  	s7 =	sld [smem:$0x3F96]  }
0x1a: {  	s8 =	sadd.s32 $0xFFFFE003, lr  }
0x1b: {  	s9 =	sadd.s32 $0xFFFFFEF7, lr;
	s5 =	simm.s32 $0xFFFFFFFF;
	p2 =	slt.u32 s8, $0xFFFFF086  }
0x1c: {  	p1 =	slt.u32 s9, $0xF7A;
	s5 =	simm.s32 @!p2 $0x0  }
0x1d: {  	s5 =	simm.s32 @p1 $0x1;
	p0 =	seq.s32 s7, s2  }
0x1e: {  	s7 =	smul.u32 @!p0 $0xF7A, s2;
	p2 =	seq.s32 @!p0 s5, $0x0  }
0x1f: {  	s9 =	smul.u32 $0xF7A, s1;
	s8 =	simm.s32 @!p0 $0x1BF5;
	p2 =	por !p2, p0  }
0x20: {  	[sflag:s8] =	ssyncset.s32 @!p0 $0xFFFFF086;
	s6 =	sadd.s32 @!p0 s3, s7;
	s7 =	simm.s32 @!p0 $0x108  }
0x21: {  	s3 =	sadd.s32 s3, s9;
	s6 =	sadd.s32 @!p0 $0x88, s6;
	s7 =	simm.s32 @p2 $0x1082  }
0x22: {  	[simem:s7], [sflag:s8] =	dma.local @!p0 [hbm:s6], $0xF7A  }
0x23: {  	s9 =	sor.u32 $0xD0000000, s2;
	s6 =	simm.s32 $0x108;
	_ =	swait.ge @!p0 [sflag:s8], $0x0  }
0x24: {  	s3 =	sadd.s32 $0x88, s3;
	s6 =	simm.s32 @!p1 $0x1082;
	[sflag:s4] =	ssyncset.s32 $0xFFFFF086  }
0x25: {  	[simem:s6], [sflag:s4] =	dma.local [hbm:s3], $0xF7A  }
0x26: {  	[smem:$0x3F96] =	sst s1;
	(tag) =	ssettag s2;
	_ =	strace s9  }
0x27: {  	s1 =	sld [smem:$0x3FA6]  }
0x28: {  	s2 =	sld [smem:$0x3FA7]  }
0x29: {  	s4 =	sld [smem:$0x3FA9]  }
0x2a: {  	p0 =	seq.s32 s5, $0x0;
	s5 =	sld [smem:$0x3FAA]  }
0x2b: {  	s6 =	sld [smem:$0x3FAB]  }
0x2c: {  	s7 =	sld [smem:$0x3FAC]  }
0x2d: {  	s3 =	simm.s32 $0x108;
	s8 =	sld [smem:$0x3FAD]  }
0x2e: {  	s3 =	simm.s32 @!p0 $0x1082;
	s9 =	sld [smem:$0x3FAE]  }
0x2f: {  	lr =	sadd.s32 s0, s3;
	s0 =	sld [smem:$0x3FA5]  }
0x30: {  	s3 =	sld [smem:$0x3FA8]  }
0x31: {  	[smem:$0x3FB1] =	sst s10  }
0x32: {  	s10 =	sld [smem:$0x3FAF];
	_ =	sdelay $0x3  }
0x33: {  	p0 =	seq.s32 s10, $0x1;
	s10 =	sld [smem:$0x3FB1];
	_ =	sdelay $0x3  }
0x34: {  	[smem:$0x3FB1] =	sst s10  }
0x35: {  	s10 =	sld [smem:$0x3FB0];
	_ =	sdelay $0x3  }
0x36: {  	p1 =	seq.s32 s10, $0x1;
	s10 =	sld [smem:$0x3FB1];
	_ =	sdelay $0x3  }
0x37: {  	[smem:$0x3FB1] =	sst s10  }
0x38: {  	s10 =	sld [smem:$0x3FB2]  }
0x39: {  	_ = 	snop;
	(pc) =	sbr.ind lr, $3  }
0x3a: {  	_ = 	snop  }
0x3b: {  	_ = 	snop  }
0x3c: {  	p2 =	seq.s32 s10, $0x1;
	s10 =	sld [smem:$0x3FB1]  }
0x3d: {  	_ =	shalt  }
0x3e: {  	_ =	shalt  }
0x3f: {  	_ =	shalt  }
0x40: {  	_ =	shalt  }
0x41: {  	_ =	shalt  }
0x42: {  	_ =	shalt  }
0x43: {  	_ =	shalt  }
0x44: {  	_ =	shalt  }
0x45: {  	_ =	shalt  }
0x46: {  	_ =	shalt  }
0x47: {  	_ =	shalt  }
0x48: {  	_ =	shalt  }
0x49: {  	_ =	shalt  }
0x4a: {  	_ =	shalt  }
0x4b: {  	_ =	shalt  }
0x4c: {  	_ =	shalt  }
0x4d: {  	_ =	shalt  }
0x4e: {  	_ =	shalt  }
0x4f: {  	_ =	shalt  }
0x50: {  	_ =	shalt  }
0x51: {  	_ =	shalt  }
0x52: {  	_ =	shalt  }
0x53: {  	_ =	shalt  }
0x54: {  	_ =	shalt  }
0x55: {  	_ =	shalt  }
0x56: {  	_ =	shalt  }
0x57: {  	_ =	shalt  }
0x58: {  	_ =	shalt  }
0x59: {  	_ =	shalt  }
0x5a: {  	_ =	shalt  }
0x5b: {  	_ =	shalt  }
0x5c: {  	_ =	shalt  }
0x5d: {  	_ =	shalt  }
0x5e: {  	_ =	shalt  }
0x5f: {  	_ =	shalt  }
0x60: {  	_ =	shalt  }
0x61: {  	_ =	shalt  }
0x62: {  	_ =	shalt  }
0x63: {  	_ =	shalt  }
0x64: {  	_ =	shalt  }
0x65: {  	_ =	shalt  }
0x66: {  	_ =	shalt  }
0x67: {  	_ =	shalt  }
0x68: {  	_ =	shalt  }
0x69: {  	_ =	shalt  }
0x6a: {  	_ =	shalt  }
0x6b: {  	_ =	shalt  }
0x6c: {  	_ =	shalt  }
0x6d: {  	_ =	shalt  }
0x6e: {  	_ =	shalt  }
0x6f: {  	_ =	shalt  }
0x70: {  	_ =	shalt  }
0x71: {  	_ =	shalt  }
0x72: {  	_ =	shalt  }
0x73: {  	_ =	shalt  }
0x74: {  	_ =	shalt  }
0x75: {  	_ =	shalt  }
0x76: {  	_ =	shalt  }
0x77: {  	_ =	shalt  }
0x78: {  	_ =	shalt  }
0x79: {  	_ =	shalt  }
0x7a: {  	_ =	shalt  }
0x7b: {  	_ =	shalt  }
0x7c: {  	_ =	shalt  }
0x7d: {  	_ =	shalt  }
0x7e: {  	_ =	shalt  }
0x7f: {  	_ =	shalt  }
0x80: {  	_ =	shalt  }
0x81: {  	_ =	shalt  }
0x82: {  	_ =	shalt  }
0x83: {  	_ =	shalt  }
0x84: {  	_ =	shalt  }
0x85: {  	_ =	shalt  }
0x86: {  	_ =	shalt  }
0x87: {  	_ =	shalt  }
.Lfunc_end0:
.L_simem_size_0:
called_computation.1_lowered:
.L_overlay_start_0:
0x88: {  	s2 =	sld [smem:$0x3FD9]  }
0x89: {  	s3 =	sld [smem:$0x3FFE];
	_ =	sdelay $0x1  }
0x8a: {  	s1 =	srdreg.scid  }
0x8b: {  	s0 =	sand.u32 $0x1, s1  }
0x8c: {  	s17 =	sshll.u32 s0, $0xA;
	s2 =	sadd.s32 s3, s2  }
0x8d: {  	s2 =	sadd.s32 s2, s17  }
0x8e: {  	[smem:$0x3FBD] =	sst s2  }
0x8f: {  	_ = 	snop  }
0x90: {  	s18 =	sld [smem:$0x3FD0];
	(tm) =	ssettm $0x1  }
0x91: {  	s19 =	sld [smem:$0x3FFB];
	_ =	sdelay $0x3  }
0x92: {  	_ =	strace s19  }
0x93: {  	s2 =	sld [smem:$0x3FFC];
	_ =	sdelay $0x3  }
0x94: {  	_ =	strace s2  }
0x95: {  	s2 =	sld [smem:$0x3FFD];
	_ =	sdelay $0x3  }
0x96: {  	_ =	strace s2  }
0x97: {  	_ =	strace $0x8FFFFFFF  }
0x98: {  	s20 =	sld [smem:$0x3FDB];
	_ =	sdelay $0x1  }
0x99: {  	s4 =	simm.s32 $_scs_section_size  }
0x9a: {  	s5 =	simm.s32 $_size__tile_overlayer_lowered;
	s6 =	simm.s32 $_tile_overlayer_lowered  }
0x9b: {  	s7 =	simm.s32 $0x1BFF;
	s21 =	sshll.u32 s6, $0x1;
	s4 =	sadd.s32 s4, s20  }
0x9c: {  	s22 =	simm.s32 $0x0;
	s5 =	sshll.u32 s5, $0x1;
	s6 =	sadd.s32 s21, s4  }
0x9d: {  	[timem:s22], [sflag:s7] =	dma.local [hbm:s6], s5  }
0x9e: {  	_ =	swait.ge [sflag:s7], s5  }
0x9f: {  	s5 =	ssub.s32 $0x0, s5;
	[sflag:s7] =	ssyncset.done $0x0  }
0xa0: {  	[sflag:s7] =	ssyncadd.s32 s5;
	_ =	sdelay $0x1  }
0xa1: {  	s23 =	simm.s32 $0x1B8B  }
0xa2: {  	_ =	swait.ge [sflag:s23], $0x1  }
0xa3: {  	[sflag:s23] =	ssyncset.done $0x0  }
0xa4: {  	[sflag:s23] =	ssyncadd.s32 $0xFFFFFFFF  }
0xa5: {  	s5 =	sld [smem:$0x0]  }
0xa6: {  	s6 =	sand.u32 $0xFFFFFFFE, s1  }
0xa7: {  	p0 =	sne.s32 s1, s6  }
0xa8: {  	s6 =	sshll.u32 @p0 s6, $0xE  }
0xa9: {  	s6 =	sadd.s32 @p0 $0x11B8D, s6;
	s7 =	sshll.u32 @p0 s5, $0x11  }
0xaa: {  	s6 =	sor.u32 @p0 s7, s6  }
0xab: {  	[sflag:s6] =	ssyncadd.remote.s32 @p0 $0x1;
	_ =	sdelay $0x1  }
0xac: {  	s6 =	simm.s32 @p0 $0x1B8D  }
0xad: {  	_ =	swait.eq @p0 [sflag:s6], $0x1  }
0xae: {  	[sflag:s6] =	ssyncadd.s32 @p0 $0xFFFFFFFF  }
0xaf: {  	s7 =	sshll.u32 @!p0 s1, $0xE  }
0xb0: {  	s7 =	sor.u32 @!p0 $0x4000, s7;
	s6 =	simm.s32 @!p0 $0x1B8D  }
0xb1: {  	s5 =	sshll.u32 @!p0 s5, $0x11;
	s7 =	sadd.s32 @!p0 $0x11B8D, s7;
	_ =	swait.eq @!p0 [sflag:s6], $0x1  }
0xb2: {  	s5 =	sor.u32 @!p0 s5, s7;
	[sflag:s6] =	ssyncadd.s32 @!p0 $0xFFFFFFFF  }
0xb3: {  	s25 =	simm.s32 $0x1B8E;
	s24 =	sld [smem:$0x3FFE];
	[sflag:s5] =	ssyncadd.remote.s32 @!p0 $0x1  }
0xb4: {  	s26 =	simm.s32 $execute0_lowered;
	[smem:$0x3FD2] =	sst s25  }
0xb5: {  	s6 =	sshll.u32 s26, $0x1;
	_ =	strace $0x80000049;
	[dreg:$0x1] =	wrdreg $0xFFFFFFFF  }
0xb6: {  	s28 =	simm.s32 $_size_execute0_lowered;
	s4 =	sadd.s32 s4, s6;
	[dreg:$0x0] =	wrdreg $0x0  }
0xb7: {  	s6 =	sshll.u32 s28, $0x1;
	[dreg:$0x2] =	wrdreg s4  }
0xb8: {  	[dreg:$0x3] =	wrdreg s6  }
0xb9: {  	[dreg:$0x4] =	wrdreg $0xC0  }
0xba: {  	_ =	task [dreg:s22], $0x5FFFF  }
0xbb: {  	[dreg:$0x1] =	wrdreg $0xFFFFFFFF  }
0xbc: {  	[dreg:$0x0] =	wrdreg $0x60  }
0xbd: {  	[dreg:$0x2] =	wrdreg s24  }
0xbe: {  	[dreg:$0x3] =	wrdreg s18  }
0xbf: {  	[dreg:$0x4] =	wrdreg $0x41000  }
0xc0: {  	[dreg:$0x5] =	wrdreg $0xA  }
0xc1: {  	_ =	task.clear_ibuf [dreg:s22], $0x6FFFF;
	_ =	strace $0x90000049  }
0xc2: {  	s29 =	simm.s32 $0xA;
	_ =	strace $0x8000004B  }
0xc3: {  	_ =	swait.ge [sflag:s29], $0x1  }
0xc4: {  	[sflag:s29] =	ssyncadd.s32 $0xFFFFFFFF  }
0xc5: {  	_ =	strace $0x9000004B  }
0xc6: {  	_ =	sfence  }
0xc7: {  	s30 =	sld [smem:$0x0];
	_ =	sdelay $0x2  }
0xc8: {  	s31 =	sshll.u32 s1, $0xD;
	s1 =	sshrl.u32 s1, $0x2  }
0xc9: {  	s4 =	sand.u32 $0x4000, s31;
	s1 =	sadd.s32 s1, s30  }
0xca: {  	s0 =	sor.u32 s4, s0;
	s1 =	sshll.u32 s1, $0x11  }
0xcb: {  	s0 =	sor.u32 s1, s0  }
0xcc: {  	s0 =	sadd.s32 $0x8F2B, s0  }
0xcd: {  	[sflag:s0] =	ssyncadd.remote.s32 $0x1  }
0xce: {  	_ =	sfence.sel $0xFFFF  }
0xcf: {  	[dreg:$0x0] =	wrdreg $0xFFFFFFFF;
	(pc) =	sbr.abs _section_cstart, $3  }
0xd0: {  	[dreg:$0x1] =	wrdreg $0xFFFFFFFF  }
0xd1: {  	_ =	task.clear_ibuf [dreg:s22], $0x2FFFF;
	_ =	strace $0x9FFFFFFF  }
0xd2: {  	(tm) =	ssettm $0x7FFFFFFF  }
0xd3: {  	_ =	shalt  }
tec
execute0_lowered:
.L_overlay_start_1:
0x0: {  	(tag) =	ssettag $0x1  }
0x1: {  	s5 =	rddreg [dreg:$0x0]  }
0x2: {  	s17 =	rddreg [dreg:$0x1]  }
0x3: {  	s2 =	rddreg [dreg:$0x2]  }
0x4: {  	s0 =	rddreg [dreg:$0x3];
	s3 =	simm.s32 $0x0;
	s1 =	stileid.u32  }
0x5: {  	s4 =	srdreg.scid;
	s22 =	simm.s32 $0x0;
	s18 =	smul.u32 $0x9E0, s1  }
0x6: {  	[smem:$0x7FF] =	sst s3;
	s12 =	sand.u32 $0x1, s4;
	s10 =	smul.u32 $0x280, s1  }
0x7: {  	s4 =	sadd.s32 $0x5D000, s5;
	s7 =	smul.u32 $0x50000, s1;
	s14 =	sadd.s32 $0x85000, s5  }
0x8: {  	_ =	strace $0x8000004A;
	s6 =	ssub.s32 $0x2, s12;
	s21 =	smul.u32 $0x2800, s12  }
0x9: {  	s28 =	smul.u32 $0x4F0, s12;
	s15 =	sadd.s32 s18, s5;
	s23 =	sshrl.u32 s6, $0x1  }
0xa: {  	s24 =	sshrl.u32 s7, $0x2;
	s11 =	sadd.s32 $0x80, s10;
	s13 =	sadd.s32 $0x100, s10  }
0xb: {  	s19 =	sadd.s32 $0x180, s10;
	s20 =	sadd.s32 $0x200, s10;
	s17 =	sadd.s32 s18, s17  }
0xc: {  	s18 =	simm.s32 $0x100;
	s16 =	ssub.s32 s6, s23;
	s5 =	sadd.s32 s24, s2  }
0xd: {  	s25 =	sshll.u32 s11, $0x7;
	s26 =	sshll.u32 s13, $0x7;
	s8 =	sshll.u32 s19, $0x7  }
0xe: {  	s9 =	sshll.u32 s20, $0x7;
	s10 =	sadd.s32 s10, s21;
	s11 =	sadd.s32 s21, s11  }
0xf: {  	s13 =	sadd.s32 s21, s13;
	s19 =	sadd.s32 s21, s19;
	s20 =	sadd.s32 s21, s20  }
0x10: {  	s31 =	sadd.s32 s28, s15;
	s17 =	sadd.s32 s28, s17;
	s21 =	simm.s32 $0x1  }
0x11: {  	s6 =	sadd.s32 s25, s2;
	s7 =	sadd.s32 s26, s2;
	s8 =	sadd.s32 s8, s2  }
0x12: {  	s9 =	sadd.s32 s9, s2;
	s10 =	sshll.u32 s10, $0x4;
	s11 =	sshll.u32 s11, $0x4  }
0x13: {  	s13 =	sshll.u32 s13, $0x4;
	s29 =	sshll.u32 s19, $0x4;
	s30 =	sshll.u32 s20, $0x4  }
0x14: {  	s15 =	smax.u32 s16, $0x1;
	s16 =	sadd.s32 $0x3200, s31;
	s19 =	simm.s32 $0x2  }
0x15: {  	s20 =	simm.s32 $0x80;
	s10 =	sadd.s32 s14, s10;
	s11 =	sadd.s32 s14, s11  }
0x16: {  	v0 =	vimm.f32 $0.0e+00;
	s12 =	sadd.s32 s14, s13;
	s13 =	sadd.s32 s14, s29;
	s14 =	sadd.s32 s14, s30  }
.LBB2_1:
0x17: {  	s23 =	simm.s32 $0x0;
	s24 =	simm.s32 $0x200  }
.LBB2_2:
0x18: {  	p0 =	sne.s32 s24, $0xFE00;
	[tilespmem:s23+$0x170] =	vst v0  }
0x19: {  	[tilespmem:s23+$0x100] =	vst v0  }
0x1a: {  	[tilespmem:s23+$0x110] =	vst v0  }
.Ltmp0:
0x1b: {  	[tilespmem:s23+$0x120] =	vst v0;
	(pc) =	sbr.rel @p0 .LBB2_2-.Ltmp0, $4  }
0x1c: {  	[tilespmem:s23+$0x130] =	vst v0  }
0x1d: {  	[tilespmem:s23+$0x140] =	vst v0  }
0x1e: {  	[tilespmem:s23+$0x150] =	vst v0  }
0x1f: {  	[tilespmem:s23+$0x160] =	vst v0;
	s23 =	sshra.s32 s24, $0x2;
	s24 =	sadd.s32 $0x200, s24  }
0x20: {  	[tilespmem:s23+$0x170] =	vst v0  }
0x21: {  	[tilespmem:s23+$0x100] =	vst v0  }
0x22: {  	[tilespmem:s23+$0x110] =	vst v0  }
0x23: {  	[tilespmem:s23+$0x120] =	vst v0  }
0x24: {  	[tilespmem:s23+$0x130] =	vst v0  }
0x25: {  	[tilespmem:s23+$0x140] =	vst v0  }
0x26: {  	[tilespmem:s23+$0x150] =	vst v0  }
0x27: {  	[tilespmem:s23+$0x160] =	vst v0  }
0x28: {  	[spmem:s5] =	stream.linear.scatter [tilespmem:s18], [sflag:$0x2], $0x4000, $0x38;
	[tilespmem:$0x18100] =	vst v63  }
0x29: {  	_ =	swait.ge [sflag:s19], $0x4000  }
0x2a: {  	[sflag:s19] =	ssyncset.done $0x0  }
0x2b: {  	[sflag:s19] =	ssyncadd.s32 $0xFFFFC000  }
0x2c: {  	[spmem:s6] =	stream.linear.scatter [tilespmem:s18], [sflag:$0x2], $0x4000, $0x38;
	[tilespmem:$0x18100] =	vst v63  }
0x2d: {  	_ =	swait.ge [sflag:s19], $0x4000  }
0x2e: {  	[sflag:s19] =	ssyncset.done $0x0  }
0x2f: {  	[sflag:s19] =	ssyncadd.s32 $0xFFFFC000  }
0x30: {  	[spmem:s7] =	stream.linear.scatter [tilespmem:s18], [sflag:$0x2], $0x4000, $0x38;
	[tilespmem:$0x18100] =	vst v63  }
0x31: {  	_ =	swait.ge [sflag:s19], $0x4000  }
0x32: {  	[sflag:s19] =	ssyncset.done $0x0  }
0x33: {  	[sflag:s19] =	ssyncadd.s32 $0xFFFFC000  }
0x34: {  	[spmem:s8] =	stream.linear.scatter [tilespmem:s18], [sflag:$0x2], $0x4000, $0x38;
	[tilespmem:$0x18100] =	vst v63  }
0x35: {  	_ =	swait.ge [sflag:s19], $0x4000  }
0x36: {  	[sflag:s19] =	ssyncset.done $0x0  }
0x37: {  	[sflag:s19] =	ssyncadd.s32 $0xFFFFC000  }
0x38: {  	[spmem:s9] =	stream.linear.scatter [tilespmem:s18], [sflag:$0x2], $0x4000, $0x38;
	[tilespmem:$0x18100] =	vst v63  }
0x39: {  	_ =	swait.ge [sflag:s19], $0x4000  }
0x3a: {  	[sflag:s19] =	ssyncset.done $0x0  }
0x3b: {  	[sflag:s19] =	ssyncadd.s32 $0xFFFFC000  }
0x3c: {  	s30 =	sadd.s32 $0x0, s17;
	[bflag:$0x0] =	sbarrier.arrive $0xFFFF  }
0x3d: {  	[tilespmem:s3], [sflag:$0x2] =	stream.linear.gather [hbm4b:s30+s3], $0x80, $0x38;
	[tilespmem:$0x18100] =	vst v63  }
0x3e: {  	_ =	swait.ge [sflag:s19], $0x80  }
0x3f: {  	[sflag:s19] =	ssyncset.done $0x0  }
0x40: {  	s31 =	sadd.s32 $0x0, s16;
	[sflag:s19] =	ssyncadd.s32 $0xFFFFFF80  }
0x41: {  	[tilespmem:s20], [sflag:$0x2] =	stream.linear.gather [hbm4b:s31+s3], $0x80, $0x38;
	[tilespmem:$0x18100] =	vst v63  }
0x42: {  	_ =	swait.ge [sflag:s19], $0x80  }
0x43: {  	[sflag:s19] =	ssyncset.done $0x0  }
0x44: {  	[sflag:s19] =	ssyncadd.s32 $0xFFFFFF80  }
0x45: {  	[tilespmem:s18], [sflag:$0x1] =	stream.indirect.gather [hbm4b:s4+s20], $0x80, s3, s20, $0xb8;
	[tilespmem:$0x18100] =	vst v63  }
0x46: {  	_ =	swait.ge [sflag:s21], $0x4000  }
0x47: {  	[sflag:s21] =	ssyncset.done $0x0  }
0x48: {  	[sflag:s21] =	ssyncadd.s32 $0xFFFFC000  }
0x49: {  	[spmem:s2] =	stream.indirect.scatter.add.f32 [tilespmem:s18], [sflag:$0x2], $0x80, s20, s20, $0xb8;
	[tilespmem:$0x18100] =	vst v63  }
0x4a: {  	_ =	swait.ge [sflag:s19], $0x4000  }
0x4b: {  	s23 =	simm.s32 $0x10;
	s24 =	simm.s32 $0x20;
	[sflag:s19] =	ssyncset.done $0x0  }
.LBB2_4:
0x4c: {  	s25 =	sadd.s32 s23, s17  }
0x4d: {  	[sflag:s19] =	ssyncadd.s32 $0xFFFFC000;
	s26 =	smov.u32 s24;
	s28 =	sadd.s32 $0x10, s24  }
0x4e: {  	[tilespmem:s3], [sflag:$0x2] =	stream.linear.gather [hbm4b:s25+s3], $0x80, $0x38;
	[tilespmem:$0x18100] =	vst v63  }
0x4f: {  	p0 =	sne.s32 s24, $0x4E0;
	_ =	swait.ge [sflag:s19], $0x80  }
0x50: {  	[sflag:s19] =	ssyncset.done $0x0  }
0x51: {  	s24 =	sadd.s32 s23, s16;
	s23 =	smov.u32 s26;
	[sflag:s19] =	ssyncadd.s32 $0xFFFFFF80  }
0x52: {  	[tilespmem:s20], [sflag:$0x2] =	stream.linear.gather [hbm4b:s24+s3], $0x80, $0x38;
	[tilespmem:$0x18100] =	vst v63  }
0x53: {  	_ =	swait.ge [sflag:s19], $0x80  }
0x54: {  	[sflag:s19] =	ssyncset.done $0x0  }
0x55: {  	[sflag:s19] =	ssyncadd.s32 $0xFFFFFF80  }
0x56: {  	[tilespmem:s18], [sflag:$0x1] =	stream.indirect.gather [hbm4b:s4+s20], $0x80, s3, s20, $0xb8;
	[tilespmem:$0x18100] =	vst v63  }
0x57: {  	_ =	swait.ge [sflag:s21], $0x4000  }
.Ltmp1:
0x58: {  	[sflag:s21] =	ssyncset.done $0x0;
	(pc) =	sbr.rel @p0 .LBB2_4-.Ltmp1, $4  }
0x59: {  	[sflag:s21] =	ssyncadd.s32 $0xFFFFC000  }
0x5a: {  	[spmem:s2] =	stream.indirect.scatter.add.f32 [tilespmem:s18], [sflag:$0x2], $0x80, s20, s20, $0xb8;
	[tilespmem:$0x18100] =	vst v63  }
0x5b: {  	_ =	swait.ge [sflag:s19], $0x4000  }
0x5c: {  	s24 =	smov.u32 s28;
	[sflag:s19] =	ssyncset.done $0x0  }
0x5d: {  	s24 =	sadd.s32 s23, s17;
	[sflag:s19] =	ssyncadd.s32 $0xFFFFC000  }
0x5e: {  	[tilespmem:s3], [sflag:$0x2] =	stream.linear.gather [hbm4b:s24+s3], $0x80, $0x38;
	[tilespmem:$0x18100] =	vst v63  }
0x5f: {  	_ =	swait.ge [sflag:s19], $0x80  }
0x60: {  	[sflag:s19] =	ssyncset.done $0x0  }
0x61: {  	s24 =	sadd.s32 s23, s16;
	[sflag:s19] =	ssyncadd.s32 $0xFFFFFF80  }
0x62: {  	[tilespmem:s20], [sflag:$0x2] =	stream.linear.gather [hbm4b:s24+s3], $0x80, $0x38;
	[tilespmem:$0x18100] =	vst v63  }
0x63: {  	_ =	swait.ge [sflag:s19], $0x80  }
0x64: {  	[sflag:s19] =	ssyncset.done $0x0  }
0x65: {  	[sflag:s19] =	ssyncadd.s32 $0xFFFFFF80  }
0x66: {  	[tilespmem:s18], [sflag:$0x1] =	stream.indirect.gather [hbm4b:s4+s20], $0x80, s3, s20, $0xb8;
	[tilespmem:$0x18100] =	vst v63  }
0x67: {  	_ =	swait.ge [sflag:s21], $0x4000  }
0x68: {  	[sflag:s21] =	ssyncset.done $0x0  }
0x69: {  	[sflag:s21] =	ssyncadd.s32 $0xFFFFC000  }
0x6a: {  	[spmem:s2] =	stream.indirect.scatter.add.f32 [tilespmem:s18], [sflag:$0x2], $0x80, s20, s20, $0xb8;
	[tilespmem:$0x18100] =	vst v63  }
0x6b: {  	_ =	swait.ge [sflag:s19], $0x4000  }
0x6c: {  	[sflag:s19] =	ssyncset.done $0x0  }
0x6d: {  	s25 =	sshll.u32 s1, $0x6;
	[sflag:s19] =	ssyncadd.s32 $0xFFFFC000  }
0x6e: {  	s26 =	sshrl.u32 s5, $0x3;
	s23 =	sor.u32 $0x1C02, s25;
	[bflag:$0x0] =	sbarrier.arrive $0xFFFF  }
0x6f: {  	[hbm:s10], [sflag:s23] =	dma.local [spmem:s26], $0x800  }
0x70: {  	_ =	swait.ge [sflag:s19], $0x800  }
0x71: {  	[sflag:s19] =	ssyncset.done $0x0  }
0x72: {  	s28 =	sshrl.u32 s6, $0x3;
	[sflag:s19] =	ssyncadd.s32 $0xFFFFF800  }
0x73: {  	[hbm:s11], [sflag:s23] =	dma.local [spmem:s28], $0x800  }
0x74: {  	_ =	swait.ge [sflag:s19], $0x800  }
0x75: {  	[sflag:s19] =	ssyncset.done $0x0  }
0x76: {  	s29 =	sshrl.u32 s7, $0x3;
	[sflag:s19] =	ssyncadd.s32 $0xFFFFF800  }
0x77: {  	[hbm:s12], [sflag:s23] =	dma.local [spmem:s29], $0x800  }
0x78: {  	_ =	swait.ge [sflag:s19], $0x800  }
0x79: {  	[sflag:s19] =	ssyncset.done $0x0  }
0x7a: {  	s30 =	sshrl.u32 s8, $0x3;
	[sflag:s19] =	ssyncadd.s32 $0xFFFFF800  }
0x7b: {  	[hbm:s13], [sflag:s23] =	dma.local [spmem:s30], $0x800  }
0x7c: {  	s22 =	sadd.s32 $0x1, s22;
	_ =	swait.ge [sflag:s19], $0x800  }
0x7d: {  	p0 =	sne.s32 s22, s15;
	[sflag:s19] =	ssyncset.done $0x0  }
.Ltmp2:
0x7e: {  	s31 =	sshrl.u32 s9, $0x3;
	[sflag:s19] =	ssyncadd.s32 $0xFFFFF800;
	(pc) =	sbr.rel @p0 .LBB2_1-.Ltmp2, $4  }
0x7f: {  	[hbm:s14], [sflag:s23] =	dma.local [spmem:s31], $0x800  }
0x80: {  	_ =	swait.ge [sflag:s19], $0x800  }
0x81: {  	[sflag:s19] =	ssyncset.done $0x0  }
0x82: {  	[sflag:s19] =	ssyncadd.s32 $0xFFFFF800  }
0x83: {  	_ =	sfence.sel $0x180000  }
0x84: {  	[bflag:$0x0] =	sbarrier.arrive $0xFFFF  }
0x85: {  	p0 =	sne.s32 s1, $0x0;
	_ =	strace $0x9000004A  }
0x86: {  	s0 =	sadd.s32 @!p0 $0x100000, s0;
	[bflag:$0x2] =	sbarrier.arrive $0xFFFF  }
0x87: {  	[sflag:s0] =	ssyncadd.tile.s32 @!p0 $0x1;
	_ =	shalt  }
.Lfunc_end2:
_tile_overlayer_lowered:
.L_overlay_start_2:
0x88: {  	(tag) =	ssettag $0x2  }
0x89: {  	s0 =	rddreg [dreg:$0x0];
	s2 =	stileid.u32  }
0x8a: {  	s1 =	rddreg [dreg:$0x1];
	p0 =	sne.s32 s2, $0x0  }
0x8b: {  	s3 =	rddreg [dreg:$0x2];
	[bflag:$0x3] =	sbarrier.arrive $0xFFFF;
	s2 =	simm.s32 @!p0 $0x1C02  }
0x8c: {  	[timem:s3], [sflag:s2] =	dma.local @!p0 [hbm:s0], s1  }
0x8d: {  	s0 =	simm.s32 @!p0 $0x2  }
0x8e: {  	_ =	swait.ge @!p0 [sflag:s0], s1  }
0x8f: {  	s1 =	ssub.s32 @!p0 $0x0, s1;
	[sflag:s0] =	ssyncset.done @!p0 $0x0  }
0x90: {  	[sflag:s0] =	ssyncadd.s32 @!p0 s1  }
0x91: {  	[bflag:$0x3] =	sbarrier.arrive $0xFFFF  }
0x92: {  	_ =	shalt  }

// kernel: kernel.15.cloned.1.call-start
scs
__scs_entry_jumppad:
0x0: {  	(pc) =	sbr.rel $0x88, $3  }
0x1: {  	(tag) =	ssettag $0x0;
	lr =	simm.s32 $0x1  }
0x2: {  	[smem:$0x3F96] =	sst lr;
	_ =	strace $0xD0000000  }
0x3: {  	_ = 	snop  }
0x4: {  	_ = 	snop  }
0x5: {  	_ = 	snop  }
0x6: {  	_ = 	snop  }
0x7: {  	_ = 	snop  }
__scs_overlays_trampoline_lowered:
0x8: {  	[smem:$0x3FA5] =	sst s0  }
0x9: {  	[smem:$0x3FA6] =	sst s1  }
0xa: {  	[smem:$0x3FA7] =	sst s2  }
0xb: {  	[smem:$0x3FA8] =	sst s3  }
0xc: {  	[smem:$0x3FA9] =	sst s4  }
0xd: {  	[smem:$0x3FAA] =	sst s5  }
0xe: {  	[smem:$0x3FAB] =	sst s6  }
0xf: {  	[smem:$0x3FAC] =	sst s7  }
0x10: {  	[smem:$0x3FAD] =	sst s8  }
0x11: {  	[smem:$0x3FAE] =	sst s9;
	s0 =	simm.s32 @!p0 $0x0  }
0x12: {  	s1 =	sld [smem:$0x3F94];
	s0 =	simm.s32 @p0 $0x1  }
0x13: {  	[smem:$0x3FAF] =	sst s0;
	s0 =	simm.s32 @!p1 $0x0  }
0x14: {  	s2 =	sld [smem:$0x3F93];
	s0 =	simm.s32 @p1 $0x1  }
0x15: {  	[smem:$0x3FB0] =	sst s0;
	s0 =	simm.s32 @!p2 $0x0  }
0x16: {  	s3 =	sld [smem:$0x3FDB];
	s0 =	simm.s32 @p2 $0x1  }
0x17: {  	s4 =	simm.s32 $0x1BF5;
	[smem:$0x3FB2] =	sst s0  }
0x18: {  	s0 =	sld [smem:$0x3F95];
	_ =	swait.ge [sflag:s4], $0x0  }
0x19: {  	s7 =	sld [smem:$0x3F96]  }
0x1a: {  	s8 =	sadd.s32 $0xFFFFE003, lr  }
0x1b: {  	s9 =	sadd.s32 $0xFFFFFEF7, lr;
	s5 =	simm.s32 $0xFFFFFFFF;
	p2 =	slt.u32 s8, $0xFFFFF086  }
0x1c: {  	p1 =	slt.u32 s9, $0xF7A;
	s5 =	simm.s32 @!p2 $0x0  }
0x1d: {  	s5 =	simm.s32 @p1 $0x1;
	p0 =	seq.s32 s7, s2  }
0x1e: {  	s7 =	smul.u32 @!p0 $0xF7A, s2;
	p2 =	seq.s32 @!p0 s5, $0x0  }
0x1f: {  	s9 =	smul.u32 $0xF7A, s1;
	s8 =	simm.s32 @!p0 $0x1BF5;
	p2 =	por !p2, p0  }
0x20: {  	[sflag:s8] =	ssyncset.s32 @!p0 $0xFFFFF086;
	s6 =	sadd.s32 @!p0 s3, s7;
	s7 =	simm.s32 @!p0 $0x108  }
0x21: {  	s3 =	sadd.s32 s3, s9;
	s6 =	sadd.s32 @!p0 $0x88, s6;
	s7 =	simm.s32 @p2 $0x1082  }
0x22: {  	[simem:s7], [sflag:s8] =	dma.local @!p0 [hbm:s6], $0xF7A  }
0x23: {  	s9 =	sor.u32 $0xD0000000, s2;
	s6 =	simm.s32 $0x108;
	_ =	swait.ge @!p0 [sflag:s8], $0x0  }
0x24: {  	s3 =	sadd.s32 $0x88, s3;
	s6 =	simm.s32 @!p1 $0x1082;
	[sflag:s4] =	ssyncset.s32 $0xFFFFF086  }
0x25: {  	[simem:s6], [sflag:s4] =	dma.local [hbm:s3], $0xF7A  }
0x26: {  	[smem:$0x3F96] =	sst s1;
	(tag) =	ssettag s2;
	_ =	strace s9  }
0x27: {  	s1 =	sld [smem:$0x3FA6]  }
0x28: {  	s2 =	sld [smem:$0x3FA7]  }
0x29: {  	s4 =	sld [smem:$0x3FA9]  }
0x2a: {  	p0 =	seq.s32 s5, $0x0;
	s5 =	sld [smem:$0x3FAA]  }
0x2b: {  	s6 =	sld [smem:$0x3FAB]  }
0x2c: {  	s7 =	sld [smem:$0x3FAC]  }
0x2d: {  	s3 =	simm.s32 $0x108;
	s8 =	sld [smem:$0x3FAD]  }
0x2e: {  	s3 =	simm.s32 @!p0 $0x1082;
	s9 =	sld [smem:$0x3FAE]  }
0x2f: {  	lr =	sadd.s32 s0, s3;
	s0 =	sld [smem:$0x3FA5]  }
0x30: {  	s3 =	sld [smem:$0x3FA8]  }
0x31: {  	[smem:$0x3FB1] =	sst s10  }
0x32: {  	s10 =	sld [smem:$0x3FAF];
	_ =	sdelay $0x3  }
0x33: {  	p0 =	seq.s32 s10, $0x1;
	s10 =	sld [smem:$0x3FB1];
	_ =	sdelay $0x3  }
0x34: {  	[smem:$0x3FB1] =	sst s10  }
0x35: {  	s10 =	sld [smem:$0x3FB0];
	_ =	sdelay $0x3  }
0x36: {  	p1 =	seq.s32 s10, $0x1;
	s10 =	sld [smem:$0x3FB1];
	_ =	sdelay $0x3  }
0x37: {  	[smem:$0x3FB1] =	sst s10  }
0x38: {  	s10 =	sld [smem:$0x3FB2]  }
0x39: {  	_ = 	snop;
	(pc) =	sbr.ind lr, $3  }
0x3a: {  	_ = 	snop  }
0x3b: {  	_ = 	snop  }
0x3c: {  	p2 =	seq.s32 s10, $0x1;
	s10 =	sld [smem:$0x3FB1]  }
0x3d: {  	_ =	shalt  }
0x3e: {  	_ =	shalt  }
0x3f: {  	_ =	shalt  }
0x40: {  	_ =	shalt  }
0x41: {  	_ =	shalt  }
0x42: {  	_ =	shalt  }
0x43: {  	_ =	shalt  }
0x44: {  	_ =	shalt  }
0x45: {  	_ =	shalt  }
0x46: {  	_ =	shalt  }
0x47: {  	_ =	shalt  }
0x48: {  	_ =	shalt  }
0x49: {  	_ =	shalt  }
0x4a: {  	_ =	shalt  }
0x4b: {  	_ =	shalt  }
0x4c: {  	_ =	shalt  }
0x4d: {  	_ =	shalt  }
0x4e: {  	_ =	shalt  }
0x4f: {  	_ =	shalt  }
0x50: {  	_ =	shalt  }
0x51: {  	_ =	shalt  }
0x52: {  	_ =	shalt  }
0x53: {  	_ =	shalt  }
0x54: {  	_ =	shalt  }
0x55: {  	_ =	shalt  }
0x56: {  	_ =	shalt  }
0x57: {  	_ =	shalt  }
0x58: {  	_ =	shalt  }
0x59: {  	_ =	shalt  }
0x5a: {  	_ =	shalt  }
0x5b: {  	_ =	shalt  }
0x5c: {  	_ =	shalt  }
0x5d: {  	_ =	shalt  }
0x5e: {  	_ =	shalt  }
0x5f: {  	_ =	shalt  }
0x60: {  	_ =	shalt  }
0x61: {  	_ =	shalt  }
0x62: {  	_ =	shalt  }
0x63: {  	_ =	shalt  }
0x64: {  	_ =	shalt  }
0x65: {  	_ =	shalt  }
0x66: {  	_ =	shalt  }
0x67: {  	_ =	shalt  }
0x68: {  	_ =	shalt  }
0x69: {  	_ =	shalt  }
0x6a: {  	_ =	shalt  }
0x6b: {  	_ =	shalt  }
0x6c: {  	_ =	shalt  }
0x6d: {  	_ =	shalt  }
0x6e: {  	_ =	shalt  }
0x6f: {  	_ =	shalt  }
0x70: {  	_ =	shalt  }
0x71: {  	_ =	shalt  }
0x72: {  	_ =	shalt  }
0x73: {  	_ =	shalt  }
0x74: {  	_ =	shalt  }
0x75: {  	_ =	shalt  }
0x76: {  	_ =	shalt  }
0x77: {  	_ =	shalt  }
0x78: {  	_ =	shalt  }
0x79: {  	_ =	shalt  }
0x7a: {  	_ =	shalt  }
0x7b: {  	_ =	shalt  }
0x7c: {  	_ =	shalt  }
0x7d: {  	_ =	shalt  }
0x7e: {  	_ =	shalt  }
0x7f: {  	_ =	shalt  }
0x80: {  	_ =	shalt  }
0x81: {  	_ =	shalt  }
0x82: {  	_ =	shalt  }
0x83: {  	_ =	shalt  }
0x84: {  	_ =	shalt  }
0x85: {  	_ =	shalt  }
0x86: {  	_ =	shalt  }
0x87: {  	_ =	shalt  }
.Lfunc_end0:
.L_simem_size_0:
called_computation.2_lowered:
.L_overlay_start_0:
0x88: {  	s2 =	sld [smem:$0x3FD9]  }
0x89: {  	s3 =	sld [smem:$0x3FFE];
	_ =	sdelay $0x1  }
0x8a: {  	s1 =	srdreg.scid  }
0x8b: {  	s0 =	sand.u32 $0x1, s1  }
0x8c: {  	s17 =	sshll.u32 s0, $0xA;
	s2 =	sadd.s32 s3, s2  }
0x8d: {  	s2 =	sadd.s32 s2, s17  }
0x8e: {  	[smem:$0x3FBD] =	sst s2  }
0x8f: {  	_ = 	snop  }
0x90: {  	s2 =	sld [smem:$0x3FD0];
	(tm) =	ssettm $0x1  }
0x91: {  	s18 =	sld [smem:$0x3FFB];
	_ =	sdelay $0x3  }
0x92: {  	_ =	strace s18  }
0x93: {  	s3 =	sld [smem:$0x3FFC];
	_ =	sdelay $0x3  }
0x94: {  	_ =	strace s3  }
0x95: {  	s3 =	sld [smem:$0x3FFD];
	_ =	sdelay $0x3  }
0x96: {  	_ =	strace s3  }
0x97: {  	_ =	strace $0x8FFFFFFF  }
0x98: {  	s19 =	sld [smem:$0x3FDB];
	_ =	sdelay $0x1  }
0x99: {  	s4 =	simm.s32 $_scs_section_size  }
0x9a: {  	s5 =	simm.s32 $_size__tile_overlayer_lowered;
	s6 =	simm.s32 $_tile_overlayer_lowered  }
0x9b: {  	s22 =	simm.s32 $0x1BFF;
	s21 =	sshll.u32 s6, $0x1;
	s3 =	sadd.s32 s4, s19  }
0x9c: {  	s7 =	simm.s32 $0x0;
	s20 =	sshll.u32 s5, $0x1;
	s5 =	sadd.s32 s21, s3  }
0x9d: {  	[timem:s7], [sflag:s22] =	dma.local [hbm:s5], s20  }
0x9e: {  	_ =	swait.ge [sflag:s22], s20  }
0x9f: {  	s4 =	ssub.s32 $0x0, s20;
	[sflag:s22] =	ssyncset.done $0x0  }
0xa0: {  	[sflag:s22] =	ssyncadd.s32 s4;
	_ =	sdelay $0x1  }
0xa1: {  	s23 =	simm.s32 $0x1B8B  }
0xa2: {  	_ =	swait.ge [sflag:s23], $0x1  }
0xa3: {  	[sflag:s23] =	ssyncset.done $0x0  }
0xa4: {  	s25 =	simm.s32 $0x1B8E;
	s24 =	sld [smem:$0x3FFE];
	[sflag:s23] =	ssyncadd.s32 $0xFFFFFFFF  }
0xa5: {  	s26 =	simm.s32 $execute0_lowered;
	[smem:$0x3FD2] =	sst s25  }
0xa6: {  	s5 =	sshll.u32 s26, $0x1;
	_ =	strace $0x8000004C;
	[dreg:$0x1] =	wrdreg $0xFFFFFFFF  }
0xa7: {  	s28 =	simm.s32 $_size_execute0_lowered;
	s3 =	sadd.s32 s3, s5;
	[dreg:$0x0] =	wrdreg $0x0  }
0xa8: {  	s5 =	sshll.u32 s28, $0x1;
	[dreg:$0x2] =	wrdreg s3  }
0xa9: {  	[dreg:$0x3] =	wrdreg s5  }
0xaa: {  	[dreg:$0x4] =	wrdreg $0xC0  }
0xab: {  	_ =	task [dreg:s7], $0x5FFFF  }
0xac: {  	[dreg:$0x1] =	wrdreg $0xFFFFFFFF  }
0xad: {  	[dreg:$0x0] =	wrdreg $0x60  }
0xae: {  	[dreg:$0x2] =	wrdreg s24  }
0xaf: {  	[dreg:$0x3] =	wrdreg s2  }
0xb0: {  	[dreg:$0x4] =	wrdreg $0x41000  }
0xb1: {  	[dreg:$0x5] =	wrdreg $0x9  }
0xb2: {  	_ =	task.clear_ibuf [dreg:s7], $0x6FFFF;
	_ =	strace $0x9000004C  }
0xb3: {  	s29 =	simm.s32 $0x9;
	_ =	strace $0x8000004E  }
0xb4: {  	_ =	swait.ge [sflag:s29], $0x1  }
0xb5: {  	[sflag:s29] =	ssyncadd.s32 $0xFFFFFFFF  }
0xb6: {  	_ =	strace $0x9000004E  }
0xb7: {  	_ =	sfence  }
0xb8: {  	s30 =	sld [smem:$0x0];
	_ =	sdelay $0x2  }
0xb9: {  	s31 =	sshll.u32 s1, $0xD;
	s1 =	sshrl.u32 s1, $0x2  }
0xba: {  	s3 =	sand.u32 $0x4000, s31;
	s1 =	sadd.s32 s1, s30  }
0xbb: {  	s0 =	sor.u32 s3, s0;
	s1 =	sshll.u32 s1, $0x11  }
0xbc: {  	s0 =	sor.u32 s1, s0  }
0xbd: {  	s0 =	sadd.s32 $0x8F2B, s0  }
0xbe: {  	[sflag:s0] =	ssyncadd.remote.s32 $0x1  }
0xbf: {  	_ =	sfence.sel $0xFFFF  }
0xc0: {  	[dreg:$0x0] =	wrdreg $0xFFFFFFFF;
	(pc) =	sbr.abs _section_cstart, $3  }
0xc1: {  	[dreg:$0x1] =	wrdreg $0xFFFFFFFF  }
0xc2: {  	_ =	task.clear_ibuf [dreg:s7], $0x2FFFF;
	_ =	strace $0x9FFFFFFF  }
0xc3: {  	(tm) =	ssettm $0x7FFFFFFF  }
tec
execute0_lowered:
.L_overlay_start_1:
0x0: {  	(tag) =	ssettag $0x1  }
0x1: {  	s5 =	rddreg [dreg:$0x0]  }
0x2: {  	s17 =	rddreg [dreg:$0x1]  }
0x3: {  	s2 =	rddreg [dreg:$0x2]  }
0x4: {  	s0 =	rddreg [dreg:$0x3];
	s3 =	simm.s32 $0x0;
	s1 =	stileid.u32  }
0x5: {  	s4 =	srdreg.scid;
	s22 =	simm.s32 $0x0;
	s18 =	smul.u32 $0x9E0, s1  }
0x6: {  	[smem:$0x7FF] =	sst s3;
	s12 =	sand.u32 $0x1, s4;
	s10 =	smul.u32 $0x280, s1  }
0x7: {  	s4 =	sadd.s32 $0xD000, s5;
	s7 =	smul.u32 $0x50000, s1;
	s14 =	sadd.s32 $0x35000, s5  }
0x8: {  	_ =	strace $0x8000004D;
	s6 =	ssub.s32 $0x2, s12;
	s21 =	smul.u32 $0x2800, s12  }
0x9: {  	s28 =	smul.u32 $0x4F0, s12;
	s15 =	sadd.s32 s18, s5;
	s23 =	sshrl.u32 s6, $0x1  }
0xa: {  	s24 =	sshrl.u32 s7, $0x2;
	s11 =	sadd.s32 $0x80, s10;
	s13 =	sadd.s32 $0x100, s10  }
0xb: {  	s19 =	sadd.s32 $0x180, s10;
	s20 =	sadd.s32 $0x200, s10;
	s17 =	sadd.s32 s18, s17  }
0xc: {  	s18 =	simm.s32 $0x100;
	s16 =	ssub.s32 s6, s23;
	s5 =	sadd.s32 s24, s2  }
0xd: {  	s25 =	sshll.u32 s11, $0x7;
	s26 =	sshll.u32 s13, $0x7;
	s8 =	sshll.u32 s19, $0x7  }
0xe: {  	s9 =	sshll.u32 s20, $0x7;
	s10 =	sadd.s32 s10, s21;
	s11 =	sadd.s32 s21, s11  }
0xf: {  	s13 =	sadd.s32 s21, s13;
	s19 =	sadd.s32 s21, s19;
	s20 =	sadd.s32 s21, s20  }
0x10: {  	s31 =	sadd.s32 s28, s15;
	s17 =	sadd.s32 s28, s17;
	s21 =	simm.s32 $0x1  }
0x11: {  	s6 =	sadd.s32 s25, s2;
	s7 =	sadd.s32 s26, s2;
	s8 =	sadd.s32 s8, s2  }
0x12: {  	s9 =	sadd.s32 s9, s2;
	s10 =	sshll.u32 s10, $0x4;
	s11 =	sshll.u32 s11, $0x4  }
0x13: {  	s13 =	sshll.u32 s13, $0x4;
	s29 =	sshll.u32 s19, $0x4;
	s30 =	sshll.u32 s20, $0x4  }
0x14: {  	s15 =	smax.u32 s16, $0x1;
	s16 =	sadd.s32 $0x3200, s31;
	s19 =	simm.s32 $0x2  }
0x15: {  	s20 =	simm.s32 $0x80;
	s10 =	sadd.s32 s14, s10;
	s11 =	sadd.s32 s14, s11  }
0x16: {  	v0 =	vimm.f32 $0.0e+00;
	s12 =	sadd.s32 s14, s13;
	s13 =	sadd.s32 s14, s29;
	s14 =	sadd.s32 s14, s30  }
.LBB2_1:
0x17: {  	s23 =	simm.s32 $0x0;
	s24 =	simm.s32 $0x200  }
.LBB2_2:
0x18: {  	p0 =	sne.s32 s24, $0xFE00;
	[tilespmem:s23+$0x170] =	vst v0  }
0x19: {  	[tilespmem:s23+$0x100] =	vst v0  }
0x1a: {  	[tilespmem:s23+$0x110] =	vst v0  }
.Ltmp0:
0x1b: {  	[tilespmem:s23+$0x120] =	vst v0;
	(pc) =	sbr.rel @p0 .LBB2_2-.Ltmp0, $4  }
0x1c: {  	[tilespmem:s23+$0x130] =	vst v0  }
0x1d: {  	[tilespmem:s23+$0x140] =	vst v0  }
0x1e: {  	[tilespmem:s23+$0x150] =	vst v0  }
0x1f: {  	[tilespmem:s23+$0x160] =	vst v0;
	s23 =	sshra.s32 s24, $0x2;
	s24 =	sadd.s32 $0x200, s24  }
0x20: {  	[tilespmem:s23+$0x170] =	vst v0  }
0x21: {  	[tilespmem:s23+$0x100] =	vst v0  }
0x22: {  	[tilespmem:s23+$0x110] =	vst v0  }
0x23: {  	[tilespmem:s23+$0x120] =	vst v0  }
0x24: {  	[tilespmem:s23+$0x130] =	vst v0  }
0x25: {  	[tilespmem:s23+$0x140] =	vst v0  }
0x26: {  	[tilespmem:s23+$0x150] =	vst v0  }
0x27: {  	[tilespmem:s23+$0x160] =	vst v0  }
0x28: {  	[spmem:s5] =	stream.linear.scatter [tilespmem:s18], [sflag:$0x2], $0x4000, $0x38;
	[tilespmem:$0x18100] =	vst v63  }
0x29: {  	_ =	swait.ge [sflag:s19], $0x4000  }
0x2a: {  	[sflag:s19] =	ssyncset.done $0x0  }
0x2b: {  	[sflag:s19] =	ssyncadd.s32 $0xFFFFC000  }
0x2c: {  	[spmem:s6] =	stream.linear.scatter [tilespmem:s18], [sflag:$0x2], $0x4000, $0x38;
	[tilespmem:$0x18100] =	vst v63  }
0x2d: {  	_ =	swait.ge [sflag:s19], $0x4000  }
0x2e: {  	[sflag:s19] =	ssyncset.done $0x0  }
0x2f: {  	[sflag:s19] =	ssyncadd.s32 $0xFFFFC000  }
0x30: {  	[spmem:s7] =	stream.linear.scatter [tilespmem:s18], [sflag:$0x2], $0x4000, $0x38;
	[tilespmem:$0x18100] =	vst v63  }
0x31: {  	_ =	swait.ge [sflag:s19], $0x4000  }
0x32: {  	[sflag:s19] =	ssyncset.done $0x0  }
0x33: {  	[sflag:s19] =	ssyncadd.s32 $0xFFFFC000  }
0x34: {  	[spmem:s8] =	stream.linear.scatter [tilespmem:s18], [sflag:$0x2], $0x4000, $0x38;
	[tilespmem:$0x18100] =	vst v63  }
0x35: {  	_ =	swait.ge [sflag:s19], $0x4000  }
0x36: {  	[sflag:s19] =	ssyncset.done $0x0  }
0x37: {  	[sflag:s19] =	ssyncadd.s32 $0xFFFFC000  }
0x38: {  	[spmem:s9] =	stream.linear.scatter [tilespmem:s18], [sflag:$0x2], $0x4000, $0x38;
	[tilespmem:$0x18100] =	vst v63  }
0x39: {  	_ =	swait.ge [sflag:s19], $0x4000  }
0x3a: {  	[sflag:s19] =	ssyncset.done $0x0  }
0x3b: {  	[sflag:s19] =	ssyncadd.s32 $0xFFFFC000  }
0x3c: {  	s30 =	sadd.s32 $0x0, s17;
	[bflag:$0x0] =	sbarrier.arrive $0xFFFF  }
0x3d: {  	[tilespmem:s3], [sflag:$0x2] =	stream.linear.gather [hbm4b:s30+s3], $0x80, $0x38;
	[tilespmem:$0x18100] =	vst v63  }
0x3e: {  	_ =	swait.ge [sflag:s19], $0x80  }
0x3f: {  	[sflag:s19] =	ssyncset.done $0x0  }
0x40: {  	s31 =	sadd.s32 $0x0, s16;
	[sflag:s19] =	ssyncadd.s32 $0xFFFFFF80  }
0x41: {  	[tilespmem:s20], [sflag:$0x2] =	stream.linear.gather [hbm4b:s31+s3], $0x80, $0x38;
	[tilespmem:$0x18100] =	vst v63  }
0x42: {  	_ =	swait.ge [sflag:s19], $0x80  }
0x43: {  	[sflag:s19] =	ssyncset.done $0x0  }
0x44: {  	[sflag:s19] =	ssyncadd.s32 $0xFFFFFF80  }
0x45: {  	[tilespmem:s18], [sflag:$0x1] =	stream.indirect.gather [hbm4b:s4+s20], $0x80, s3, s20, $0xb8;
	[tilespmem:$0x18100] =	vst v63  }
0x46: {  	_ =	swait.ge [sflag:s21], $0x4000  }
0x47: {  	[sflag:s21] =	ssyncset.done $0x0  }
0x48: {  	[sflag:s21] =	ssyncadd.s32 $0xFFFFC000  }
0x49: {  	[spmem:s2] =	stream.indirect.scatter.add.f32 [tilespmem:s18], [sflag:$0x2], $0x80, s20, s20, $0xb8;
	[tilespmem:$0x18100] =	vst v63  }
0x4a: {  	_ =	swait.ge [sflag:s19], $0x4000  }
0x4b: {  	s23 =	simm.s32 $0x10;
	s24 =	simm.s32 $0x20;
	[sflag:s19] =	ssyncset.done $0x0  }
.LBB2_4:
0x4c: {  	s25 =	sadd.s32 s23, s17  }
0x4d: {  	[sflag:s19] =	ssyncadd.s32 $0xFFFFC000;
	s26 =	smov.u32 s24;
	s28 =	sadd.s32 $0x10, s24  }
0x4e: {  	[tilespmem:s3], [sflag:$0x2] =	stream.linear.gather [hbm4b:s25+s3], $0x80, $0x38;
	[tilespmem:$0x18100] =	vst v63  }
0x4f: {  	p0 =	sne.s32 s24, $0x4E0;
	_ =	swait.ge [sflag:s19], $0x80  }
0x50: {  	[sflag:s19] =	ssyncset.done $0x0  }
0x51: {  	s24 =	sadd.s32 s23, s16;
	s23 =	smov.u32 s26;
	[sflag:s19] =	ssyncadd.s32 $0xFFFFFF80  }
0x52: {  	[tilespmem:s20], [sflag:$0x2] =	stream.linear.gather [hbm4b:s24+s3], $0x80, $0x38;
	[tilespmem:$0x18100] =	vst v63  }
0x53: {  	_ =	swait.ge [sflag:s19], $0x80  }
0x54: {  	[sflag:s19] =	ssyncset.done $0x0  }
0x55: {  	[sflag:s19] =	ssyncadd.s32 $0xFFFFFF80  }
0x56: {  	[tilespmem:s18], [sflag:$0x1] =	stream.indirect.gather [hbm4b:s4+s20], $0x80, s3, s20, $0xb8;
	[tilespmem:$0x18100] =	vst v63  }
0x57: {  	_ =	swait.ge [sflag:s21], $0x4000  }
.Ltmp1:
0x58: {  	[sflag:s21] =	ssyncset.done $0x0;
	(pc) =	sbr.rel @p0 .LBB2_4-.Ltmp1, $4  }
0x59: {  	[sflag:s21] =	ssyncadd.s32 $0xFFFFC000  }
0x5a: {  	[spmem:s2] =	stream.indirect.scatter.add.f32 [tilespmem:s18], [sflag:$0x2], $0x80, s20, s20, $0xb8;
	[tilespmem:$0x18100] =	vst v63  }
0x5b: {  	_ =	swait.ge [sflag:s19], $0x4000  }
0x5c: {  	s24 =	smov.u32 s28;
	[sflag:s19] =	ssyncset.done $0x0  }
0x5d: {  	s24 =	sadd.s32 s23, s17;
	[sflag:s19] =	ssyncadd.s32 $0xFFFFC000  }
0x5e: {  	[tilespmem:s3], [sflag:$0x2] =	stream.linear.gather [hbm4b:s24+s3], $0x80, $0x38;
	[tilespmem:$0x18100] =	vst v63  }
0x5f: {  	_ =	swait.ge [sflag:s19], $0x80  }
0x60: {  	[sflag:s19] =	ssyncset.done $0x0  }
0x61: {  	s24 =	sadd.s32 s23, s16;
	[sflag:s19] =	ssyncadd.s32 $0xFFFFFF80  }
0x62: {  	[tilespmem:s20], [sflag:$0x2] =	stream.linear.gather [hbm4b:s24+s3], $0x80, $0x38;
	[tilespmem:$0x18100] =	vst v63  }
0x63: {  	_ =	swait.ge [sflag:s19], $0x80  }
0x64: {  	[sflag:s19] =	ssyncset.done $0x0  }
0x65: {  	[sflag:s19] =	ssyncadd.s32 $0xFFFFFF80  }
0x66: {  	[tilespmem:s18], [sflag:$0x1] =	stream.indirect.gather [hbm4b:s4+s20], $0x80, s3, s20, $0xb8;
	[tilespmem:$0x18100] =	vst v63  }
0x67: {  	_ =	swait.ge [sflag:s21], $0x4000  }
0x68: {  	[sflag:s21] =	ssyncset.done $0x0  }
0x69: {  	[sflag:s21] =	ssyncadd.s32 $0xFFFFC000  }
0x6a: {  	[spmem:s2] =	stream.indirect.scatter.add.f32 [tilespmem:s18], [sflag:$0x2], $0x80, s20, s20, $0xb8;
	[tilespmem:$0x18100] =	vst v63  }
0x6b: {  	_ =	swait.ge [sflag:s19], $0x4000  }
0x6c: {  	[sflag:s19] =	ssyncset.done $0x0  }
0x6d: {  	s25 =	sshll.u32 s1, $0x6;
	[sflag:s19] =	ssyncadd.s32 $0xFFFFC000  }
0x6e: {  	s26 =	sshrl.u32 s5, $0x3;
	s23 =	sor.u32 $0x1C02, s25;
	[bflag:$0x0] =	sbarrier.arrive $0xFFFF  }
0x6f: {  	[hbm:s10], [sflag:s23] =	dma.local [spmem:s26], $0x800  }
0x70: {  	_ =	swait.ge [sflag:s19], $0x800  }
0x71: {  	[sflag:s19] =	ssyncset.done $0x0  }
0x72: {  	s28 =	sshrl.u32 s6, $0x3;
	[sflag:s19] =	ssyncadd.s32 $0xFFFFF800  }
0x73: {  	[hbm:s11], [sflag:s23] =	dma.local [spmem:s28], $0x800  }
0x74: {  	_ =	swait.ge [sflag:s19], $0x800  }
0x75: {  	[sflag:s19] =	ssyncset.done $0x0  }
0x76: {  	s29 =	sshrl.u32 s7, $0x3;
	[sflag:s19] =	ssyncadd.s32 $0xFFFFF800  }
0x77: {  	[hbm:s12], [sflag:s23] =	dma.local [spmem:s29], $0x800  }
0x78: {  	_ =	swait.ge [sflag:s19], $0x800  }
0x79: {  	[sflag:s19] =	ssyncset.done $0x0  }
0x7a: {  	s30 =	sshrl.u32 s8, $0x3;
	[sflag:s19] =	ssyncadd.s32 $0xFFFFF800  }
0x7b: {  	[hbm:s13], [sflag:s23] =	dma.local [spmem:s30], $0x800  }
0x7c: {  	s22 =	sadd.s32 $0x1, s22;
	_ =	swait.ge [sflag:s19], $0x800  }
0x7d: {  	p0 =	sne.s32 s22, s15;
	[sflag:s19] =	ssyncset.done $0x0  }
.Ltmp2:
0x7e: {  	s31 =	sshrl.u32 s9, $0x3;
	[sflag:s19] =	ssyncadd.s32 $0xFFFFF800;
	(pc) =	sbr.rel @p0 .LBB2_1-.Ltmp2, $4  }
0x7f: {  	[hbm:s14], [sflag:s23] =	dma.local [spmem:s31], $0x800  }
0x80: {  	_ =	swait.ge [sflag:s19], $0x800  }
0x81: {  	[sflag:s19] =	ssyncset.done $0x0  }
0x82: {  	[sflag:s19] =	ssyncadd.s32 $0xFFFFF800  }
0x83: {  	_ =	sfence.sel $0x180000  }
0x84: {  	[bflag:$0x0] =	sbarrier.arrive $0xFFFF  }
0x85: {  	p0 =	sne.s32 s1, $0x0;
	_ =	strace $0x9000004D  }
0x86: {  	s0 =	sadd.s32 @!p0 $0x100000, s0;
	[bflag:$0x2] =	sbarrier.arrive $0xFFFF  }
0x87: {  	[sflag:s0] =	ssyncadd.tile.s32 @!p0 $0x1;
	_ =	shalt  }
.Lfunc_end2:
_tile_overlayer_lowered:
.L_overlay_start_2:
0x88: {  	(tag) =	ssettag $0x2  }
0x89: {  	s0 =	rddreg [dreg:$0x0];
	s2 =	stileid.u32  }
0x8a: {  	s1 =	rddreg [dreg:$0x1];
	p0 =	sne.s32 s2, $0x0  }
0x8b: {  	s3 =	rddreg [dreg:$0x2];
	[bflag:$0x3] =	sbarrier.arrive $0xFFFF;
	s2 =	simm.s32 @!p0 $0x1C02  }
0x8c: {  	[timem:s3], [sflag:s2] =	dma.local @!p0 [hbm:s0], s1  }
0x8d: {  	s0 =	simm.s32 @!p0 $0x2  }
0x8e: {  	_ =	swait.ge @!p0 [sflag:s0], s1  }
0x8f: {  	s1 =	ssub.s32 @!p0 $0x0, s1;
	[sflag:s0] =	ssyncset.done @!p0 $0x0  }
0x90: {  	[sflag:s0] =	ssyncadd.s32 @!p0 s1  }
0x91: {  	[bflag:$0x3] =	sbarrier.arrive $0xFFFF  }
0x92: {  	_ =	shalt  }

// kernel: kernel.18.cloned.1.call-start
scs
__scs_entry_jumppad:
0x0: {  	(pc) =	sbr.rel $0x88, $3  }
0x1: {  	(tag) =	ssettag $0x0;
	lr =	simm.s32 $0x1  }
0x2: {  	[smem:$0x3F96] =	sst lr;
	_ =	strace $0xD0000000  }
0x3: {  	_ = 	snop  }
0x4: {  	_ = 	snop  }
0x5: {  	_ = 	snop  }
0x6: {  	_ = 	snop  }
0x7: {  	_ = 	snop  }
__scs_overlays_trampoline_lowered:
0x8: {  	[smem:$0x3FA5] =	sst s0  }
0x9: {  	[smem:$0x3FA6] =	sst s1  }
0xa: {  	[smem:$0x3FA7] =	sst s2  }
0xb: {  	[smem:$0x3FA8] =	sst s3  }
0xc: {  	[smem:$0x3FA9] =	sst s4  }
0xd: {  	[smem:$0x3FAA] =	sst s5  }
0xe: {  	[smem:$0x3FAB] =	sst s6  }
0xf: {  	[smem:$0x3FAC] =	sst s7  }
0x10: {  	[smem:$0x3FAD] =	sst s8  }
0x11: {  	[smem:$0x3FAE] =	sst s9;
	s0 =	simm.s32 @!p0 $0x0  }
0x12: {  	s1 =	sld [smem:$0x3F94];
	s0 =	simm.s32 @p0 $0x1  }
0x13: {  	[smem:$0x3FAF] =	sst s0;
	s0 =	simm.s32 @!p1 $0x0  }
0x14: {  	s2 =	sld [smem:$0x3F93];
	s0 =	simm.s32 @p1 $0x1  }
0x15: {  	[smem:$0x3FB0] =	sst s0;
	s0 =	simm.s32 @!p2 $0x0  }
0x16: {  	s3 =	sld [smem:$0x3FDB];
	s0 =	simm.s32 @p2 $0x1  }
0x17: {  	s4 =	simm.s32 $0x1BF5;
	[smem:$0x3FB2] =	sst s0  }
0x18: {  	s0 =	sld [smem:$0x3F95];
	_ =	swait.ge [sflag:s4], $0x0  }
0x19: {  	s7 =	sld [smem:$0x3F96]  }
0x1a: {  	s8 =	sadd.s32 $0xFFFFE003, lr  }
0x1b: {  	s9 =	sadd.s32 $0xFFFFFEF7, lr;
	s5 =	simm.s32 $0xFFFFFFFF;
	p2 =	slt.u32 s8, $0xFFFFF086  }
0x1c: {  	p1 =	slt.u32 s9, $0xF7A;
	s5 =	simm.s32 @!p2 $0x0  }
0x1d: {  	s5 =	simm.s32 @p1 $0x1;
	p0 =	seq.s32 s7, s2  }
0x1e: {  	s7 =	smul.u32 @!p0 $0xF7A, s2;
	p2 =	seq.s32 @!p0 s5, $0x0  }
0x1f: {  	s9 =	smul.u32 $0xF7A, s1;
	s8 =	simm.s32 @!p0 $0x1BF5;
	p2 =	por !p2, p0  }
0x20: {  	[sflag:s8] =	ssyncset.s32 @!p0 $0xFFFFF086;
	s6 =	sadd.s32 @!p0 s3, s7;
	s7 =	simm.s32 @!p0 $0x108  }
0x21: {  	s3 =	sadd.s32 s3, s9;
	s6 =	sadd.s32 @!p0 $0x88, s6;
	s7 =	simm.s32 @p2 $0x1082  }
0x22: {  	[simem:s7], [sflag:s8] =	dma.local @!p0 [hbm:s6], $0xF7A  }
0x23: {  	s9 =	sor.u32 $0xD0000000, s2;
	s6 =	simm.s32 $0x108;
	_ =	swait.ge @!p0 [sflag:s8], $0x0  }
0x24: {  	s3 =	sadd.s32 $0x88, s3;
	s6 =	simm.s32 @!p1 $0x1082;
	[sflag:s4] =	ssyncset.s32 $0xFFFFF086  }
0x25: {  	[simem:s6], [sflag:s4] =	dma.local [hbm:s3], $0xF7A  }
0x26: {  	[smem:$0x3F96] =	sst s1;
	(tag) =	ssettag s2;
	_ =	strace s9  }
0x27: {  	s1 =	sld [smem:$0x3FA6]  }
0x28: {  	s2 =	sld [smem:$0x3FA7]  }
0x29: {  	s4 =	sld [smem:$0x3FA9]  }
0x2a: {  	p0 =	seq.s32 s5, $0x0;
	s5 =	sld [smem:$0x3FAA]  }
0x2b: {  	s6 =	sld [smem:$0x3FAB]  }
0x2c: {  	s7 =	sld [smem:$0x3FAC]  }
0x2d: {  	s3 =	simm.s32 $0x108;
	s8 =	sld [smem:$0x3FAD]  }
0x2e: {  	s3 =	simm.s32 @!p0 $0x1082;
	s9 =	sld [smem:$0x3FAE]  }
0x2f: {  	lr =	sadd.s32 s0, s3;
	s0 =	sld [smem:$0x3FA5]  }
0x30: {  	s3 =	sld [smem:$0x3FA8]  }
0x31: {  	[smem:$0x3FB1] =	sst s10  }
0x32: {  	s10 =	sld [smem:$0x3FAF];
	_ =	sdelay $0x3  }
0x33: {  	p0 =	seq.s32 s10, $0x1;
	s10 =	sld [smem:$0x3FB1];
	_ =	sdelay $0x3  }
0x34: {  	[smem:$0x3FB1] =	sst s10  }
0x35: {  	s10 =	sld [smem:$0x3FB0];
	_ =	sdelay $0x3  }
0x36: {  	p1 =	seq.s32 s10, $0x1;
	s10 =	sld [smem:$0x3FB1];
	_ =	sdelay $0x3  }
0x37: {  	[smem:$0x3FB1] =	sst s10  }
0x38: {  	s10 =	sld [smem:$0x3FB2]  }
0x39: {  	_ = 	snop;
	(pc) =	sbr.ind lr, $3  }
0x3a: {  	_ = 	snop  }
0x3b: {  	_ = 	snop  }
0x3c: {  	p2 =	seq.s32 s10, $0x1;
	s10 =	sld [smem:$0x3FB1]  }
0x3d: {  	_ =	shalt  }
0x3e: {  	_ =	shalt  }
0x3f: {  	_ =	shalt  }
0x40: {  	_ =	shalt  }
0x41: {  	_ =	shalt  }
0x42: {  	_ =	shalt  }
0x43: {  	_ =	shalt  }
0x44: {  	_ =	shalt  }
0x45: {  	_ =	shalt  }
0x46: {  	_ =	shalt  }
0x47: {  	_ =	shalt  }
0x48: {  	_ =	shalt  }
0x49: {  	_ =	shalt  }
0x4a: {  	_ =	shalt  }
0x4b: {  	_ =	shalt  }
0x4c: {  	_ =	shalt  }
0x4d: {  	_ =	shalt  }
0x4e: {  	_ =	shalt  }
0x4f: {  	_ =	shalt  }
0x50: {  	_ =	shalt  }
0x51: {  	_ =	shalt  }
0x52: {  	_ =	shalt  }
0x53: {  	_ =	shalt  }
0x54: {  	_ =	shalt  }
0x55: {  	_ =	shalt  }
0x56: {  	_ =	shalt  }
0x57: {  	_ =	shalt  }
0x58: {  	_ =	shalt  }
0x59: {  	_ =	shalt  }
0x5a: {  	_ =	shalt  }
0x5b: {  	_ =	shalt  }
0x5c: {  	_ =	shalt  }
0x5d: {  	_ =	shalt  }
0x5e: {  	_ =	shalt  }
0x5f: {  	_ =	shalt  }
0x60: {  	_ =	shalt  }
0x61: {  	_ =	shalt  }
0x62: {  	_ =	shalt  }
0x63: {  	_ =	shalt  }
0x64: {  	_ =	shalt  }
0x65: {  	_ =	shalt  }
0x66: {  	_ =	shalt  }
0x67: {  	_ =	shalt  }
0x68: {  	_ =	shalt  }
0x69: {  	_ =	shalt  }
0x6a: {  	_ =	shalt  }
0x6b: {  	_ =	shalt  }
0x6c: {  	_ =	shalt  }
0x6d: {  	_ =	shalt  }
0x6e: {  	_ =	shalt  }
0x6f: {  	_ =	shalt  }
0x70: {  	_ =	shalt  }
0x71: {  	_ =	shalt  }
0x72: {  	_ =	shalt  }
0x73: {  	_ =	shalt  }
0x74: {  	_ =	shalt  }
0x75: {  	_ =	shalt  }
0x76: {  	_ =	shalt  }
0x77: {  	_ =	shalt  }
0x78: {  	_ =	shalt  }
0x79: {  	_ =	shalt  }
0x7a: {  	_ =	shalt  }
0x7b: {  	_ =	shalt  }
0x7c: {  	_ =	shalt  }
0x7d: {  	_ =	shalt  }
0x7e: {  	_ =	shalt  }
0x7f: {  	_ =	shalt  }
0x80: {  	_ =	shalt  }
0x81: {  	_ =	shalt  }
0x82: {  	_ =	shalt  }
0x83: {  	_ =	shalt  }
0x84: {  	_ =	shalt  }
0x85: {  	_ =	shalt  }
0x86: {  	_ =	shalt  }
0x87: {  	_ =	shalt  }
.Lfunc_end0:
.L_simem_size_0:
called_computation.3_lowered:
.L_overlay_start_0:
0x88: {  	s2 =	sld [smem:$0x3FD9]  }
0x89: {  	s3 =	sld [smem:$0x3FFE];
	_ =	sdelay $0x1  }
0x8a: {  	s1 =	srdreg.scid  }
0x8b: {  	s0 =	sand.u32 $0x1, s1  }
0x8c: {  	s17 =	sshll.u32 s0, $0xA;
	s2 =	sadd.s32 s3, s2  }
0x8d: {  	s2 =	sadd.s32 s2, s17  }
0x8e: {  	[smem:$0x3FBD] =	sst s2  }
0x8f: {  	_ = 	snop  }
0x90: {  	s2 =	sld [smem:$0x3FD0];
	(tm) =	ssettm $0x1  }
0x91: {  	s18 =	sld [smem:$0x3FFB];
	_ =	sdelay $0x3  }
0x92: {  	_ =	strace s18  }
0x93: {  	s3 =	sld [smem:$0x3FFC];
	_ =	sdelay $0x3  }
0x94: {  	_ =	strace s3  }
0x95: {  	s3 =	sld [smem:$0x3FFD];
	_ =	sdelay $0x3  }
0x96: {  	_ =	strace s3  }
0x97: {  	_ =	strace $0x8FFFFFFF  }
0x98: {  	s19 =	sld [smem:$0x3FDB];
	_ =	sdelay $0x1  }
0x99: {  	s4 =	simm.s32 $_scs_section_size  }
0x9a: {  	s5 =	simm.s32 $_size__tile_overlayer_lowered;
	s6 =	simm.s32 $_tile_overlayer_lowered  }
0x9b: {  	s22 =	simm.s32 $0x1BFF;
	s21 =	sshll.u32 s6, $0x1;
	s3 =	sadd.s32 s4, s19  }
0x9c: {  	s7 =	simm.s32 $0x0;
	s20 =	sshll.u32 s5, $0x1;
	s5 =	sadd.s32 s21, s3  }
0x9d: {  	[timem:s7], [sflag:s22] =	dma.local [hbm:s5], s20  }
0x9e: {  	_ =	swait.ge [sflag:s22], s20  }
0x9f: {  	s4 =	ssub.s32 $0x0, s20;
	[sflag:s22] =	ssyncset.done $0x0  }
0xa0: {  	[sflag:s22] =	ssyncadd.s32 s4;
	_ =	sdelay $0x1  }
0xa1: {  	s23 =	simm.s32 $0x1B8B  }
0xa2: {  	_ =	swait.ge [sflag:s23], $0x1  }
0xa3: {  	[sflag:s23] =	ssyncset.done $0x0  }
0xa4: {  	s25 =	simm.s32 $0x1B8E;
	s24 =	sld [smem:$0x3FFE];
	[sflag:s23] =	ssyncadd.s32 $0xFFFFFFFF  }
0xa5: {  	s26 =	simm.s32 $execute0_lowered;
	[smem:$0x3FD2] =	sst s25  }
0xa6: {  	s5 =	sshll.u32 s26, $0x1;
	_ =	strace $0x8000004F;
	[dreg:$0x1] =	wrdreg $0xFFFFFFFF  }
0xa7: {  	s28 =	simm.s32 $_size_execute0_lowered;
	s3 =	sadd.s32 s3, s5;
	[dreg:$0x0] =	wrdreg $0x0  }
0xa8: {  	s5 =	sshll.u32 s28, $0x1;
	[dreg:$0x2] =	wrdreg s3  }
0xa9: {  	[dreg:$0x3] =	wrdreg s5  }
0xaa: {  	[dreg:$0x4] =	wrdreg $0xC0  }
0xab: {  	_ =	task [dreg:s7], $0x5FFFF  }
0xac: {  	[dreg:$0x1] =	wrdreg $0xFFFFFFFF  }
0xad: {  	[dreg:$0x0] =	wrdreg $0x60  }
0xae: {  	[dreg:$0x2] =	wrdreg s24  }
0xaf: {  	[dreg:$0x3] =	wrdreg s2  }
0xb0: {  	[dreg:$0x4] =	wrdreg $0x41000  }
0xb1: {  	[dreg:$0x5] =	wrdreg $0x9  }
0xb2: {  	_ =	task.clear_ibuf [dreg:s7], $0x6FFFF;
	_ =	strace $0x9000004F  }
0xb3: {  	s29 =	simm.s32 $0x9;
	_ =	strace $0x80000051  }
0xb4: {  	_ =	swait.ge [sflag:s29], $0x1  }
0xb5: {  	[sflag:s29] =	ssyncadd.s32 $0xFFFFFFFF  }
0xb6: {  	_ =	strace $0x90000051  }
0xb7: {  	_ =	sfence  }
0xb8: {  	s30 =	sld [smem:$0x0];
	_ =	sdelay $0x2  }
0xb9: {  	s31 =	sshll.u32 s1, $0xD;
	s1 =	sshrl.u32 s1, $0x2  }
0xba: {  	s3 =	sand.u32 $0x4000, s31;
	s1 =	sadd.s32 s1, s30  }
0xbb: {  	s0 =	sor.u32 s3, s0;
	s1 =	sshll.u32 s1, $0x11  }
0xbc: {  	s0 =	sor.u32 s1, s0  }
0xbd: {  	s0 =	sadd.s32 $0x8F2B, s0  }
0xbe: {  	[sflag:s0] =	ssyncadd.remote.s32 $0x1  }
0xbf: {  	_ =	sfence.sel $0xFFFF  }
0xc0: {  	[dreg:$0x0] =	wrdreg $0xFFFFFFFF;
	(pc) =	sbr.abs _section_cstart, $3  }
0xc1: {  	[dreg:$0x1] =	wrdreg $0xFFFFFFFF  }
0xc2: {  	_ =	task.clear_ibuf [dreg:s7], $0x2FFFF;
	_ =	strace $0x9FFFFFFF  }
0xc3: {  	(tm) =	ssettm $0x7FFFFFFF  }
tec
execute0_lowered:
.L_overlay_start_1:
0x0: {  	(tag) =	ssettag $0x1  }
0x1: {  	s5 =	rddreg [dreg:$0x0]  }
0x2: {  	s17 =	rddreg [dreg:$0x1]  }
0x3: {  	s2 =	rddreg [dreg:$0x2]  }
0x4: {  	s0 =	rddreg [dreg:$0x3];
	s3 =	simm.s32 $0x0;
	s1 =	stileid.u32  }
0x5: {  	s4 =	srdreg.scid;
	s22 =	simm.s32 $0x0;
	s18 =	smul.u32 $0x9E0, s1  }
0x6: {  	[smem:$0x7FF] =	sst s3;
	s12 =	sand.u32 $0x1, s4;
	s10 =	smul.u32 $0x280, s1  }
0x7: {  	s4 =	sadd.s32 $0xD000, s5;
	s7 =	smul.u32 $0x50000, s1;
	s14 =	sadd.s32 $0x35000, s5  }
0x8: {  	_ =	strace $0x80000050;
	s6 =	ssub.s32 $0x2, s12;
	s21 =	smul.u32 $0x2800, s12  }
0x9: {  	s28 =	smul.u32 $0x4F0, s12;
	s15 =	sadd.s32 s18, s5;
	s23 =	sshrl.u32 s6, $0x1  }
0xa: {  	s24 =	sshrl.u32 s7, $0x2;
	s11 =	sadd.s32 $0x80, s10;
	s13 =	sadd.s32 $0x100, s10  }
0xb: {  	s19 =	sadd.s32 $0x180, s10;
	s20 =	sadd.s32 $0x200, s10;
	s17 =	sadd.s32 s18, s17  }
0xc: {  	s18 =	simm.s32 $0x100;
	s16 =	ssub.s32 s6, s23;
	s5 =	sadd.s32 s24, s2  }
0xd: {  	s25 =	sshll.u32 s11, $0x7;
	s26 =	sshll.u32 s13, $0x7;
	s8 =	sshll.u32 s19, $0x7  }
0xe: {  	s9 =	sshll.u32 s20, $0x7;
	s10 =	sadd.s32 s10, s21;
	s11 =	sadd.s32 s21, s11  }
0xf: {  	s13 =	sadd.s32 s21, s13;
	s19 =	sadd.s32 s21, s19;
	s20 =	sadd.s32 s21, s20  }
0x10: {  	s31 =	sadd.s32 s28, s15;
	s17 =	sadd.s32 s28, s17;
	s21 =	simm.s32 $0x1  }
0x11: {  	s6 =	sadd.s32 s25, s2;
	s7 =	sadd.s32 s26, s2;
	s8 =	sadd.s32 s8, s2  }
0x12: {  	s9 =	sadd.s32 s9, s2;
	s10 =	sshll.u32 s10, $0x4;
	s11 =	sshll.u32 s11, $0x4  }
0x13: {  	s13 =	sshll.u32 s13, $0x4;
	s29 =	sshll.u32 s19, $0x4;
	s30 =	sshll.u32 s20, $0x4  }
0x14: {  	s15 =	smax.u32 s16, $0x1;
	s16 =	sadd.s32 $0x3200, s31;
	s19 =	simm.s32 $0x2  }
0x15: {  	s20 =	simm.s32 $0x80;
	s10 =	sadd.s32 s14, s10;
	s11 =	sadd.s32 s14, s11  }
0x16: {  	v0 =	vimm.f32 $0.0e+00;
	s12 =	sadd.s32 s14, s13;
	s13 =	sadd.s32 s14, s29;
	s14 =	sadd.s32 s14, s30  }
.LBB2_1:
0x17: {  	s23 =	simm.s32 $0x0;
	s24 =	simm.s32 $0x200  }
.LBB2_2:
0x18: {  	p0 =	sne.s32 s24, $0xFE00;
	[tilespmem:s23+$0x170] =	vst v0  }
0x19: {  	[tilespmem:s23+$0x100] =	vst v0  }
0x1a: {  	[tilespmem:s23+$0x110] =	vst v0  }
.Ltmp0:
0x1b: {  	[tilespmem:s23+$0x120] =	vst v0;
	(pc) =	sbr.rel @p0 .LBB2_2-.Ltmp0, $4  }
0x1c: {  	[tilespmem:s23+$0x130] =	vst v0  }
0x1d: {  	[tilespmem:s23+$0x140] =	vst v0  }
0x1e: {  	[tilespmem:s23+$0x150] =	vst v0  }
0x1f: {  	[tilespmem:s23+$0x160] =	vst v0;
	s23 =	sshra.s32 s24, $0x2;
	s24 =	sadd.s32 $0x200, s24  }
0x20: {  	[tilespmem:s23+$0x170] =	vst v0  }
0x21: {  	[tilespmem:s23+$0x100] =	vst v0  }
0x22: {  	[tilespmem:s23+$0x110] =	vst v0  }
0x23: {  	[tilespmem:s23+$0x120] =	vst v0  }
0x24: {  	[tilespmem:s23+$0x130] =	vst v0  }
0x25: {  	[tilespmem:s23+$0x140] =	vst v0  }
0x26: {  	[tilespmem:s23+$0x150] =	vst v0  }
0x27: {  	[tilespmem:s23+$0x160] =	vst v0  }
0x28: {  	[spmem:s5] =	stream.linear.scatter [tilespmem:s18], [sflag:$0x2], $0x4000, $0x38;
	[tilespmem:$0x18100] =	vst v63  }
0x29: {  	_ =	swait.ge [sflag:s19], $0x4000  }
0x2a: {  	[sflag:s19] =	ssyncset.done $0x0  }
0x2b: {  	[sflag:s19] =	ssyncadd.s32 $0xFFFFC000  }
0x2c: {  	[spmem:s6] =	stream.linear.scatter [tilespmem:s18], [sflag:$0x2], $0x4000, $0x38;
	[tilespmem:$0x18100] =	vst v63  }
0x2d: {  	_ =	swait.ge [sflag:s19], $0x4000  }
0x2e: {  	[sflag:s19] =	ssyncset.done $0x0  }
0x2f: {  	[sflag:s19] =	ssyncadd.s32 $0xFFFFC000  }
0x30: {  	[spmem:s7] =	stream.linear.scatter [tilespmem:s18], [sflag:$0x2], $0x4000, $0x38;
	[tilespmem:$0x18100] =	vst v63  }
0x31: {  	_ =	swait.ge [sflag:s19], $0x4000  }
0x32: {  	[sflag:s19] =	ssyncset.done $0x0  }
0x33: {  	[sflag:s19] =	ssyncadd.s32 $0xFFFFC000  }
0x34: {  	[spmem:s8] =	stream.linear.scatter [tilespmem:s18], [sflag:$0x2], $0x4000, $0x38;
	[tilespmem:$0x18100] =	vst v63  }
0x35: {  	_ =	swait.ge [sflag:s19], $0x4000  }
0x36: {  	[sflag:s19] =	ssyncset.done $0x0  }
0x37: {  	[sflag:s19] =	ssyncadd.s32 $0xFFFFC000  }
0x38: {  	[spmem:s9] =	stream.linear.scatter [tilespmem:s18], [sflag:$0x2], $0x4000, $0x38;
	[tilespmem:$0x18100] =	vst v63  }
0x39: {  	_ =	swait.ge [sflag:s19], $0x4000  }
0x3a: {  	[sflag:s19] =	ssyncset.done $0x0  }
0x3b: {  	[sflag:s19] =	ssyncadd.s32 $0xFFFFC000  }
0x3c: {  	s30 =	sadd.s32 $0x0, s17;
	[bflag:$0x0] =	sbarrier.arrive $0xFFFF  }
0x3d: {  	[tilespmem:s3], [sflag:$0x2] =	stream.linear.gather [hbm4b:s30+s3], $0x80, $0x38;
	[tilespmem:$0x18100] =	vst v63  }
0x3e: {  	_ =	swait.ge [sflag:s19], $0x80  }
0x3f: {  	[sflag:s19] =	ssyncset.done $0x0  }
0x40: {  	s31 =	sadd.s32 $0x0, s16;
	[sflag:s19] =	ssyncadd.s32 $0xFFFFFF80  }
0x41: {  	[tilespmem:s20], [sflag:$0x2] =	stream.linear.gather [hbm4b:s31+s3], $0x80, $0x38;
	[tilespmem:$0x18100] =	vst v63  }
0x42: {  	_ =	swait.ge [sflag:s19], $0x80  }
0x43: {  	[sflag:s19] =	ssyncset.done $0x0  }
0x44: {  	[sflag:s19] =	ssyncadd.s32 $0xFFFFFF80  }
0x45: {  	[tilespmem:s18], [sflag:$0x1] =	stream.indirect.gather [hbm4b:s4+s20], $0x80, s3, s20, $0xb8;
	[tilespmem:$0x18100] =	vst v63  }
0x46: {  	_ =	swait.ge [sflag:s21], $0x4000  }
0x47: {  	[sflag:s21] =	ssyncset.done $0x0  }
0x48: {  	[sflag:s21] =	ssyncadd.s32 $0xFFFFC000  }
0x49: {  	[spmem:s2] =	stream.indirect.scatter.add.f32 [tilespmem:s18], [sflag:$0x2], $0x80, s20, s20, $0xb8;
	[tilespmem:$0x18100] =	vst v63  }
0x4a: {  	_ =	swait.ge [sflag:s19], $0x4000  }
0x4b: {  	s23 =	simm.s32 $0x10;
	s24 =	simm.s32 $0x20;
	[sflag:s19] =	ssyncset.done $0x0  }
.LBB2_4:
0x4c: {  	s25 =	sadd.s32 s23, s17  }
0x4d: {  	[sflag:s19] =	ssyncadd.s32 $0xFFFFC000;
	s26 =	smov.u32 s24;
	s28 =	sadd.s32 $0x10, s24  }
0x4e: {  	[tilespmem:s3], [sflag:$0x2] =	stream.linear.gather [hbm4b:s25+s3], $0x80, $0x38;
	[tilespmem:$0x18100] =	vst v63  }
0x4f: {  	p0 =	sne.s32 s24, $0x4E0;
	_ =	swait.ge [sflag:s19], $0x80  }
0x50: {  	[sflag:s19] =	ssyncset.done $0x0  }
0x51: {  	s24 =	sadd.s32 s23, s16;
	s23 =	smov.u32 s26;
	[sflag:s19] =	ssyncadd.s32 $0xFFFFFF80  }
0x52: {  	[tilespmem:s20], [sflag:$0x2] =	stream.linear.gather [hbm4b:s24+s3], $0x80, $0x38;
	[tilespmem:$0x18100] =	vst v63  }
0x53: {  	_ =	swait.ge [sflag:s19], $0x80  }
0x54: {  	[sflag:s19] =	ssyncset.done $0x0  }
0x55: {  	[sflag:s19] =	ssyncadd.s32 $0xFFFFFF80  }
0x56: {  	[tilespmem:s18], [sflag:$0x1] =	stream.indirect.gather [hbm4b:s4+s20], $0x80, s3, s20, $0xb8;
	[tilespmem:$0x18100] =	vst v63  }
0x57: {  	_ =	swait.ge [sflag:s21], $0x4000  }
.Ltmp1:
0x58: {  	[sflag:s21] =	ssyncset.done $0x0;
	(pc) =	sbr.rel @p0 .LBB2_4-.Ltmp1, $4  }
0x59: {  	[sflag:s21] =	ssyncadd.s32 $0xFFFFC000  }
0x5a: {  	[spmem:s2] =	stream.indirect.scatter.add.f32 [tilespmem:s18], [sflag:$0x2], $0x80, s20, s20, $0xb8;
	[tilespmem:$0x18100] =	vst v63  }
0x5b: {  	_ =	swait.ge [sflag:s19], $0x4000  }
0x5c: {  	s24 =	smov.u32 s28;
	[sflag:s19] =	ssyncset.done $0x0  }
0x5d: {  	s24 =	sadd.s32 s23, s17;
	[sflag:s19] =	ssyncadd.s32 $0xFFFFC000  }
0x5e: {  	[tilespmem:s3], [sflag:$0x2] =	stream.linear.gather [hbm4b:s24+s3], $0x80, $0x38;
	[tilespmem:$0x18100] =	vst v63  }
0x5f: {  	_ =	swait.ge [sflag:s19], $0x80  }
0x60: {  	[sflag:s19] =	ssyncset.done $0x0  }
0x61: {  	s24 =	sadd.s32 s23, s16;
	[sflag:s19] =	ssyncadd.s32 $0xFFFFFF80  }
0x62: {  	[tilespmem:s20], [sflag:$0x2] =	stream.linear.gather [hbm4b:s24+s3], $0x80, $0x38;
	[tilespmem:$0x18100] =	vst v63  }
0x63: {  	_ =	swait.ge [sflag:s19], $0x80  }
0x64: {  	[sflag:s19] =	ssyncset.done $0x0  }
0x65: {  	[sflag:s19] =	ssyncadd.s32 $0xFFFFFF80  }
0x66: {  	[tilespmem:s18], [sflag:$0x1] =	stream.indirect.gather [hbm4b:s4+s20], $0x80, s3, s20, $0xb8;
	[tilespmem:$0x18100] =	vst v63  }
0x67: {  	_ =	swait.ge [sflag:s21], $0x4000  }
0x68: {  	[sflag:s21] =	ssyncset.done $0x0  }
0x69: {  	[sflag:s21] =	ssyncadd.s32 $0xFFFFC000  }
0x6a: {  	[spmem:s2] =	stream.indirect.scatter.add.f32 [tilespmem:s18], [sflag:$0x2], $0x80, s20, s20, $0xb8;
	[tilespmem:$0x18100] =	vst v63  }
0x6b: {  	_ =	swait.ge [sflag:s19], $0x4000  }
0x6c: {  	[sflag:s19] =	ssyncset.done $0x0  }
0x6d: {  	s25 =	sshll.u32 s1, $0x6;
	[sflag:s19] =	ssyncadd.s32 $0xFFFFC000  }
0x6e: {  	s26 =	sshrl.u32 s5, $0x3;
	s23 =	sor.u32 $0x1C02, s25;
	[bflag:$0x0] =	sbarrier.arrive $0xFFFF  }
0x6f: {  	[hbm:s10], [sflag:s23] =	dma.local [spmem:s26], $0x800  }
0x70: {  	_ =	swait.ge [sflag:s19], $0x800  }
0x71: {  	[sflag:s19] =	ssyncset.done $0x0  }
0x72: {  	s28 =	sshrl.u32 s6, $0x3;
	[sflag:s19] =	ssyncadd.s32 $0xFFFFF800  }
0x73: {  	[hbm:s11], [sflag:s23] =	dma.local [spmem:s28], $0x800  }
0x74: {  	_ =	swait.ge [sflag:s19], $0x800  }
0x75: {  	[sflag:s19] =	ssyncset.done $0x0  }
0x76: {  	s29 =	sshrl.u32 s7, $0x3;
	[sflag:s19] =	ssyncadd.s32 $0xFFFFF800  }
0x77: {  	[hbm:s12], [sflag:s23] =	dma.local [spmem:s29], $0x800  }
0x78: {  	_ =	swait.ge [sflag:s19], $0x800  }
0x79: {  	[sflag:s19] =	ssyncset.done $0x0  }
0x7a: {  	s30 =	sshrl.u32 s8, $0x3;
	[sflag:s19] =	ssyncadd.s32 $0xFFFFF800  }
0x7b: {  	[hbm:s13], [sflag:s23] =	dma.local [spmem:s30], $0x800  }
0x7c: {  	s22 =	sadd.s32 $0x1, s22;
	_ =	swait.ge [sflag:s19], $0x800  }
0x7d: {  	p0 =	sne.s32 s22, s15;
	[sflag:s19] =	ssyncset.done $0x0  }
.Ltmp2:
0x7e: {  	s31 =	sshrl.u32 s9, $0x3;
	[sflag:s19] =	ssyncadd.s32 $0xFFFFF800;
	(pc) =	sbr.rel @p0 .LBB2_1-.Ltmp2, $4  }
0x7f: {  	[hbm:s14], [sflag:s23] =	dma.local [spmem:s31], $0x800  }
0x80: {  	_ =	swait.ge [sflag:s19], $0x800  }
0x81: {  	[sflag:s19] =	ssyncset.done $0x0  }
0x82: {  	[sflag:s19] =	ssyncadd.s32 $0xFFFFF800  }
0x83: {  	_ =	sfence.sel $0x180000  }
0x84: {  	[bflag:$0x0] =	sbarrier.arrive $0xFFFF  }
0x85: {  	p0 =	sne.s32 s1, $0x0;
	_ =	strace $0x90000050  }
0x86: {  	s0 =	sadd.s32 @!p0 $0x100000, s0;
	[bflag:$0x2] =	sbarrier.arrive $0xFFFF  }
0x87: {  	[sflag:s0] =	ssyncadd.tile.s32 @!p0 $0x1;
	_ =	shalt  }
.Lfunc_end2:
_tile_overlayer_lowered:
.L_overlay_start_2:
0x88: {  	(tag) =	ssettag $0x2  }
0x89: {  	s0 =	rddreg [dreg:$0x0];
	s2 =	stileid.u32  }
0x8a: {  	s1 =	rddreg [dreg:$0x1];
	p0 =	sne.s32 s2, $0x0  }
0x8b: {  	s3 =	rddreg [dreg:$0x2];
	[bflag:$0x3] =	sbarrier.arrive $0xFFFF;
	s2 =	simm.s32 @!p0 $0x1C02  }
0x8c: {  	[timem:s3], [sflag:s2] =	dma.local @!p0 [hbm:s0], s1  }
0x8d: {  	s0 =	simm.s32 @!p0 $0x2  }
0x8e: {  	_ =	swait.ge @!p0 [sflag:s0], s1  }
0x8f: {  	s1 =	ssub.s32 @!p0 $0x0, s1;
	[sflag:s0] =	ssyncset.done @!p0 $0x0  }
0x90: {  	[sflag:s0] =	ssyncadd.s32 @!p0 s1  }
0x91: {  	[bflag:$0x3] =	sbarrier.arrive $0xFFFF  }
0x92: {  	_ =	shalt  }

// kernel: kernel.9.cloned.1.call-start
scs
__scs_entry_jumppad:
0x0: {  	(pc) =	sbr.rel $0x88, $3  }
0x1: {  	(tag) =	ssettag $0x0;
	lr =	simm.s32 $0x1  }
0x2: {  	[smem:$0x3F96] =	sst lr;
	_ =	strace $0xD0000000  }
0x3: {  	_ = 	snop  }
0x4: {  	_ = 	snop  }
0x5: {  	_ = 	snop  }
0x6: {  	_ = 	snop  }
0x7: {  	_ = 	snop  }
__scs_overlays_trampoline_lowered:
0x8: {  	[smem:$0x3FA5] =	sst s0  }
0x9: {  	[smem:$0x3FA6] =	sst s1  }
0xa: {  	[smem:$0x3FA7] =	sst s2  }
0xb: {  	[smem:$0x3FA8] =	sst s3  }
0xc: {  	[smem:$0x3FA9] =	sst s4  }
0xd: {  	[smem:$0x3FAA] =	sst s5  }
0xe: {  	[smem:$0x3FAB] =	sst s6  }
0xf: {  	[smem:$0x3FAC] =	sst s7  }
0x10: {  	[smem:$0x3FAD] =	sst s8  }
0x11: {  	[smem:$0x3FAE] =	sst s9;
	s0 =	simm.s32 @!p0 $0x0  }
0x12: {  	s1 =	sld [smem:$0x3F94];
	s0 =	simm.s32 @p0 $0x1  }
0x13: {  	[smem:$0x3FAF] =	sst s0;
	s0 =	simm.s32 @!p1 $0x0  }
0x14: {  	s2 =	sld [smem:$0x3F93];
	s0 =	simm.s32 @p1 $0x1  }
0x15: {  	[smem:$0x3FB0] =	sst s0;
	s0 =	simm.s32 @!p2 $0x0  }
0x16: {  	s3 =	sld [smem:$0x3FDB];
	s0 =	simm.s32 @p2 $0x1  }
0x17: {  	s4 =	simm.s32 $0x1BF5;
	[smem:$0x3FB2] =	sst s0  }
0x18: {  	s0 =	sld [smem:$0x3F95];
	_ =	swait.ge [sflag:s4], $0x0  }
0x19: {  	s7 =	sld [smem:$0x3F96]  }
0x1a: {  	s8 =	sadd.s32 $0xFFFFE003, lr  }
0x1b: {  	s9 =	sadd.s32 $0xFFFFFEF7, lr;
	s5 =	simm.s32 $0xFFFFFFFF;
	p2 =	slt.u32 s8, $0xFFFFF086  }
0x1c: {  	p1 =	slt.u32 s9, $0xF7A;
	s5 =	simm.s32 @!p2 $0x0  }
0x1d: {  	s5 =	simm.s32 @p1 $0x1;
	p0 =	seq.s32 s7, s2  }
0x1e: {  	s7 =	smul.u32 @!p0 $0xF7A, s2;
	p2 =	seq.s32 @!p0 s5, $0x0  }
0x1f: {  	s9 =	smul.u32 $0xF7A, s1;
	s8 =	simm.s32 @!p0 $0x1BF5;
	p2 =	por !p2, p0  }
0x20: {  	[sflag:s8] =	ssyncset.s32 @!p0 $0xFFFFF086;
	s6 =	sadd.s32 @!p0 s3, s7;
	s7 =	simm.s32 @!p0 $0x108  }
0x21: {  	s3 =	sadd.s32 s3, s9;
	s6 =	sadd.s32 @!p0 $0x88, s6;
	s7 =	simm.s32 @p2 $0x1082  }
0x22: {  	[simem:s7], [sflag:s8] =	dma.local @!p0 [hbm:s6], $0xF7A  }
0x23: {  	s9 =	sor.u32 $0xD0000000, s2;
	s6 =	simm.s32 $0x108;
	_ =	swait.ge @!p0 [sflag:s8], $0x0  }
0x24: {  	s3 =	sadd.s32 $0x88, s3;
	s6 =	simm.s32 @!p1 $0x1082;
	[sflag:s4] =	ssyncset.s32 $0xFFFFF086  }
0x25: {  	[simem:s6], [sflag:s4] =	dma.local [hbm:s3], $0xF7A  }
0x26: {  	[smem:$0x3F96] =	sst s1;
	(tag) =	ssettag s2;
	_ =	strace s9  }
0x27: {  	s1 =	sld [smem:$0x3FA6]  }
0x28: {  	s2 =	sld [smem:$0x3FA7]  }
0x29: {  	s4 =	sld [smem:$0x3FA9]  }
0x2a: {  	p0 =	seq.s32 s5, $0x0;
	s5 =	sld [smem:$0x3FAA]  }
0x2b: {  	s6 =	sld [smem:$0x3FAB]  }
0x2c: {  	s7 =	sld [smem:$0x3FAC]  }
0x2d: {  	s3 =	simm.s32 $0x108;
	s8 =	sld [smem:$0x3FAD]  }
0x2e: {  	s3 =	simm.s32 @!p0 $0x1082;
	s9 =	sld [smem:$0x3FAE]  }
0x2f: {  	lr =	sadd.s32 s0, s3;
	s0 =	sld [smem:$0x3FA5]  }
0x30: {  	s3 =	sld [smem:$0x3FA8]  }
0x31: {  	[smem:$0x3FB1] =	sst s10  }
0x32: {  	s10 =	sld [smem:$0x3FAF];
	_ =	sdelay $0x3  }
0x33: {  	p0 =	seq.s32 s10, $0x1;
	s10 =	sld [smem:$0x3FB1];
	_ =	sdelay $0x3  }
0x34: {  	[smem:$0x3FB1] =	sst s10  }
0x35: {  	s10 =	sld [smem:$0x3FB0];
	_ =	sdelay $0x3  }
0x36: {  	p1 =	seq.s32 s10, $0x1;
	s10 =	sld [smem:$0x3FB1];
	_ =	sdelay $0x3  }
0x37: {  	[smem:$0x3FB1] =	sst s10  }
0x38: {  	s10 =	sld [smem:$0x3FB2]  }
0x39: {  	_ = 	snop;
	(pc) =	sbr.ind lr, $3  }
0x3a: {  	_ = 	snop  }
0x3b: {  	_ = 	snop  }
0x3c: {  	p2 =	seq.s32 s10, $0x1;
	s10 =	sld [smem:$0x3FB1]  }
0x3d: {  	_ =	shalt  }
0x3e: {  	_ =	shalt  }
0x3f: {  	_ =	shalt  }
0x40: {  	_ =	shalt  }
0x41: {  	_ =	shalt  }
0x42: {  	_ =	shalt  }
0x43: {  	_ =	shalt  }
0x44: {  	_ =	shalt  }
0x45: {  	_ =	shalt  }
0x46: {  	_ =	shalt  }
0x47: {  	_ =	shalt  }
0x48: {  	_ =	shalt  }
0x49: {  	_ =	shalt  }
0x4a: {  	_ =	shalt  }
0x4b: {  	_ =	shalt  }
0x4c: {  	_ =	shalt  }
0x4d: {  	_ =	shalt  }
0x4e: {  	_ =	shalt  }
0x4f: {  	_ =	shalt  }
0x50: {  	_ =	shalt  }
0x51: {  	_ =	shalt  }
0x52: {  	_ =	shalt  }
0x53: {  	_ =	shalt  }
0x54: {  	_ =	shalt  }
0x55: {  	_ =	shalt  }
0x56: {  	_ =	shalt  }
0x57: {  	_ =	shalt  }
0x58: {  	_ =	shalt  }
0x59: {  	_ =	shalt  }
0x5a: {  	_ =	shalt  }
0x5b: {  	_ =	shalt  }
0x5c: {  	_ =	shalt  }
0x5d: {  	_ =	shalt  }
0x5e: {  	_ =	shalt  }
0x5f: {  	_ =	shalt  }
0x60: {  	_ =	shalt  }
0x61: {  	_ =	shalt  }
0x62: {  	_ =	shalt  }
0x63: {  	_ =	shalt  }
0x64: {  	_ =	shalt  }
0x65: {  	_ =	shalt  }
0x66: {  	_ =	shalt  }
0x67: {  	_ =	shalt  }
0x68: {  	_ =	shalt  }
0x69: {  	_ =	shalt  }
0x6a: {  	_ =	shalt  }
0x6b: {  	_ =	shalt  }
0x6c: {  	_ =	shalt  }
0x6d: {  	_ =	shalt  }
0x6e: {  	_ =	shalt  }
0x6f: {  	_ =	shalt  }
0x70: {  	_ =	shalt  }
0x71: {  	_ =	shalt  }
0x72: {  	_ =	shalt  }
0x73: {  	_ =	shalt  }
0x74: {  	_ =	shalt  }
0x75: {  	_ =	shalt  }
0x76: {  	_ =	shalt  }
0x77: {  	_ =	shalt  }
0x78: {  	_ =	shalt  }
0x79: {  	_ =	shalt  }
0x7a: {  	_ =	shalt  }
0x7b: {  	_ =	shalt  }
0x7c: {  	_ =	shalt  }
0x7d: {  	_ =	shalt  }
0x7e: {  	_ =	shalt  }
0x7f: {  	_ =	shalt  }
0x80: {  	_ =	shalt  }
0x81: {  	_ =	shalt  }
0x82: {  	_ =	shalt  }
0x83: {  	_ =	shalt  }
0x84: {  	_ =	shalt  }
0x85: {  	_ =	shalt  }
0x86: {  	_ =	shalt  }
0x87: {  	_ =	shalt  }
.Lfunc_end0:
.L_simem_size_0:
called_computation_lowered:
.L_overlay_start_0:
0x88: {  	s2 =	sld [smem:$0x3FD9]  }
0x89: {  	s3 =	sld [smem:$0x3FFE];
	_ =	sdelay $0x1  }
0x8a: {  	s1 =	srdreg.scid  }
0x8b: {  	s0 =	sand.u32 $0x1, s1  }
0x8c: {  	s16 =	sshll.u32 s0, $0xA;
	s2 =	sadd.s32 s3, s2  }
0x8d: {  	s2 =	sadd.s32 s2, s16  }
0x8e: {  	[smem:$0x3FBD] =	sst s2  }
0x8f: {  	_ = 	snop  }
0x90: {  	(tm) =	ssettm $0x1  }
0x91: {  	s17 =	sld [smem:$0x3FFB];
	_ =	sdelay $0x3  }
0x92: {  	_ =	strace s17  }
0x93: {  	s2 =	sld [smem:$0x3FFC];
	_ =	sdelay $0x3  }
0x94: {  	_ =	strace s2  }
0x95: {  	s2 =	sld [smem:$0x3FFD];
	_ =	sdelay $0x3  }
0x96: {  	_ =	strace s2  }
0x97: {  	_ =	strace $0x8FFFFFFF  }
0x98: {  	s18 =	sld [smem:$0x3FDB];
	_ =	sdelay $0x1  }
0x99: {  	s19 =	simm.s32 $_scs_section_size  }
0x9a: {  	s4 =	simm.s32 $_size__tile_overlayer_lowered;
	s5 =	simm.s32 $_tile_overlayer_lowered  }
0x9b: {  	s22 =	simm.s32 $0x1BFF;
	s21 =	sshll.u32 s5, $0x1;
	s2 =	sadd.s32 s19, s18  }
0x9c: {  	s6 =	simm.s32 $0x0;
	s20 =	sshll.u32 s4, $0x1;
	s4 =	sadd.s32 s21, s2  }
0x9d: {  	[timem:s6], [sflag:s22] =	dma.local [hbm:s4], s20  }
0x9e: {  	_ =	swait.ge [sflag:s22], s20  }
0x9f: {  	s3 =	ssub.s32 $0x0, s20;
	[sflag:s22] =	ssyncset.done $0x0  }
0xa0: {  	[sflag:s22] =	ssyncadd.s32 s3;
	_ =	sdelay $0x1  }
0xa1: {  	s23 =	simm.s32 $0x1B8B  }
0xa2: {  	_ =	swait.ge [sflag:s23], $0x1  }
0xa3: {  	[sflag:s23] =	ssyncset.done $0x0  }
0xa4: {  	s25 =	simm.s32 $0x1B8E;
	s24 =	sld [smem:$0x3FFE];
	[sflag:s23] =	ssyncadd.s32 $0xFFFFFFFF  }
0xa5: {  	s26 =	simm.s32 $execute0_lowered;
	[smem:$0x3FD2] =	sst s25  }
0xa6: {  	s4 =	sshll.u32 s26, $0x1;
	_ =	strace $0x80000046;
	[dreg:$0x1] =	wrdreg $0xFFFFFFFF  }
0xa7: {  	s28 =	simm.s32 $_size_execute0_lowered;
	s2 =	sadd.s32 s2, s4;
	[dreg:$0x0] =	wrdreg $0x0  }
0xa8: {  	s4 =	sshll.u32 s28, $0x1;
	[dreg:$0x2] =	wrdreg s2  }
0xa9: {  	[dreg:$0x3] =	wrdreg s4  }
0xaa: {  	[dreg:$0x4] =	wrdreg $0xC0  }
0xab: {  	_ =	task [dreg:s6], $0x5FFFF  }
0xac: {  	[dreg:$0x1] =	wrdreg $0xFFFFFFFF  }
0xad: {  	[dreg:$0x0] =	wrdreg $0x60  }
0xae: {  	[dreg:$0x2] =	wrdreg s24  }
0xaf: {  	[dreg:$0x3] =	wrdreg $0x40800  }
0xb0: {  	[dreg:$0x4] =	wrdreg $0x9  }
0xb1: {  	_ =	task.clear_ibuf [dreg:s6], $0x5FFFF;
	_ =	strace $0x90000046  }
0xb2: {  	s29 =	simm.s32 $0x9;
	_ =	strace $0x80000048  }
0xb3: {  	_ =	swait.ge [sflag:s29], $0x1  }
0xb4: {  	[sflag:s29] =	ssyncadd.s32 $0xFFFFFFFF  }
0xb5: {  	_ =	strace $0x90000048  }
0xb6: {  	_ =	sfence  }
0xb7: {  	s30 =	sld [smem:$0x0];
	_ =	sdelay $0x2  }
0xb8: {  	s31 =	sshll.u32 s1, $0xD;
	s1 =	sshrl.u32 s1, $0x2  }
0xb9: {  	s3 =	sand.u32 $0x4000, s31;
	s1 =	sadd.s32 s1, s30  }
0xba: {  	s0 =	sor.u32 s3, s0;
	s1 =	sshll.u32 s1, $0x11  }
0xbb: {  	s0 =	sor.u32 s1, s0  }
0xbc: {  	s0 =	sadd.s32 $0x8F2B, s0  }
0xbd: {  	[sflag:s0] =	ssyncadd.remote.s32 $0x1  }
0xbe: {  	_ =	sfence.sel $0xFFFF  }
0xbf: {  	[dreg:$0x0] =	wrdreg $0xFFFFFFFF;
	(pc) =	sbr.abs _section_cstart, $3  }
0xc0: {  	[dreg:$0x1] =	wrdreg $0xFFFFFFFF  }
0xc1: {  	_ =	task.clear_ibuf [dreg:s6], $0x2FFFF;
	_ =	strace $0x9FFFFFFF  }
0xc2: {  	(tm) =	ssettm $0x7FFFFFFF  }
0xc3: {  	_ =	shalt  }
tec
execute0_lowered:
.L_overlay_start_1:
0x0: {  	(tag) =	ssettag $0x1  }
0x1: {  	s4 =	rddreg [dreg:$0x0]  }
0x2: {  	s2 =	rddreg [dreg:$0x1]  }
0x3: {  	s0 =	rddreg [dreg:$0x2];
	s1 =	stileid.u32  }
0x4: {  	s3 =	simm.s32 $0x0;
	s6 =	srdreg.scid;
	s5 =	smul.u32 $0x9E0, s1  }
0x5: {  	[smem:$0x7FF] =	sst s3;
	s8 =	smul.u32 $0x280, s1  }
0x6: {  	s11 =	sand.u32 $0x1, s6;
	s20 =	smul.u32 $0x50000, s1;
	s14 =	sadd.s32 $0xD000, s4  }
0x7: {  	_ =	strace $0x80000047;
	s21 =	ssub.s32 $0x2, s11;
	s17 =	smul.u32 $0x2800, s11  }
0x8: {  	s28 =	smul.u32 $0x4F0, s11;
	s13 =	sadd.s32 s5, s4;
	s22 =	sshrl.u32 s21, $0x1  }
0x9: {  	s6 =	sshrl.u32 s20, $0x2;
	s9 =	sadd.s32 $0x80, s8;
	s12 =	sadd.s32 $0x100, s8  }
0xa: {  	s16 =	sadd.s32 $0x180, s8;
	s18 =	sadd.s32 $0x200, s8;
	s15 =	ssub.s32 s21, s22  }
0xb: {  	s4 =	sadd.s32 s6, s2;
	s23 =	sshll.u32 s9, $0x7;
	s24 =	sshll.u32 s12, $0x7  }
0xc: {  	s7 =	sshll.u32 s16, $0x7;
	s10 =	sshll.u32 s18, $0x7;
	s19 =	sadd.s32 s8, s17  }
0xd: {  	s9 =	sadd.s32 s17, s9;
	s12 =	sadd.s32 s17, s12;
	s16 =	sadd.s32 s17, s16  }
0xe: {  	s30 =	sadd.s32 s17, s18;
	s31 =	sadd.s32 s28, s13;
	s17 =	simm.s32 $0x1  }
0xf: {  	s18 =	simm.s32 $0x0;
	s5 =	sadd.s32 s23, s2;
	s6 =	sadd.s32 s24, s2  }
0x10: {  	s7 =	sadd.s32 s7, s2;
	s8 =	sadd.s32 s10, s2;
	s25 =	sshll.u32 s19, $0x4  }
0x11: {  	s26 =	sshll.u32 s9, $0x4;
	s12 =	sshll.u32 s12, $0x4;
	s29 =	sshll.u32 s16, $0x4  }
0x12: {  	s16 =	sshll.u32 s30, $0x4;
	s9 =	sadd.s32 s14, s25;
	s10 =	sadd.s32 s14, s26  }
0x13: {  	s11 =	sadd.s32 s14, s12;
	s12 =	sadd.s32 s14, s29;
	s13 =	sadd.s32 s14, s16  }
0x14: {  	v0 =	vimm.f32 $0.0e+00;
	v1 =	vimm.f32 $1.000000000e+00;
	s14 =	smax.u32 s15, $0x1;
	s15 =	sadd.s32 $0x3200, s31;
	s16 =	simm.s32 $0x80  }
.LBB2_1:
0x15: {  	s19 =	simm.s32 $0x0;
	s20 =	simm.s32 $0x200  }
.LBB2_2:
0x16: {  	p0 =	sne.s32 s20, $0xFE00;
	[tilespmem:s19+$0xF0] =	vst v0  }
0x17: {  	[tilespmem:s19+$0x80] =	vst v0  }
0x18: {  	[tilespmem:s19+$0x90] =	vst v0  }
.Ltmp0:
0x19: {  	[tilespmem:s19+$0xA0] =	vst v0;
	(pc) =	sbr.rel @p0 .LBB2_2-.Ltmp0, $4  }
0x1a: {  	[tilespmem:s19+$0xB0] =	vst v0  }
0x1b: {  	[tilespmem:s19+$0xC0] =	vst v0  }
0x1c: {  	[tilespmem:s19+$0xD0] =	vst v0  }
0x1d: {  	[tilespmem:s19+$0xE0] =	vst v0;
	s19 =	sshra.s32 s20, $0x2;
	s20 =	sadd.s32 $0x200, s20  }
0x1e: {  	[tilespmem:s19+$0xF0] =	vst v0  }
0x1f: {  	[tilespmem:s19+$0x80] =	vst v0  }
0x20: {  	[tilespmem:s19+$0x90] =	vst v0  }
0x21: {  	[tilespmem:s19+$0xA0] =	vst v0  }
0x22: {  	[tilespmem:s19+$0xB0] =	vst v0  }
0x23: {  	[tilespmem:s19+$0xC0] =	vst v0  }
0x24: {  	[tilespmem:s19+$0xD0] =	vst v0  }
0x25: {  	[tilespmem:s19+$0xE0] =	vst v0  }
0x26: {  	[spmem:s4] =	stream.linear.scatter [tilespmem:s16], [sflag:$0x1], $0x4000, $0x38;
	[tilespmem:$0x18080] =	vst v63  }
0x27: {  	_ =	swait.ge [sflag:s17], $0x4000  }
0x28: {  	[sflag:s17] =	ssyncset.done $0x0  }
0x29: {  	[sflag:s17] =	ssyncadd.s32 $0xFFFFC000  }
0x2a: {  	[spmem:s5] =	stream.linear.scatter [tilespmem:s16], [sflag:$0x1], $0x4000, $0x38;
	[tilespmem:$0x18080] =	vst v63  }
0x2b: {  	_ =	swait.ge [sflag:s17], $0x4000  }
0x2c: {  	[sflag:s17] =	ssyncset.done $0x0  }
0x2d: {  	[sflag:s17] =	ssyncadd.s32 $0xFFFFC000  }
0x2e: {  	[spmem:s6] =	stream.linear.scatter [tilespmem:s16], [sflag:$0x1], $0x4000, $0x38;
	[tilespmem:$0x18080] =	vst v63  }
0x2f: {  	_ =	swait.ge [sflag:s17], $0x4000  }
0x30: {  	[sflag:s17] =	ssyncset.done $0x0  }
0x31: {  	[sflag:s17] =	ssyncadd.s32 $0xFFFFC000  }
0x32: {  	[spmem:s7] =	stream.linear.scatter [tilespmem:s16], [sflag:$0x1], $0x4000, $0x38;
	[tilespmem:$0x18080] =	vst v63  }
0x33: {  	_ =	swait.ge [sflag:s17], $0x4000  }
0x34: {  	[sflag:s17] =	ssyncset.done $0x0  }
0x35: {  	[sflag:s17] =	ssyncadd.s32 $0xFFFFC000  }
0x36: {  	[spmem:s8] =	stream.linear.scatter [tilespmem:s16], [sflag:$0x1], $0x4000, $0x38;
	[tilespmem:$0x18080] =	vst v63  }
0x37: {  	_ =	swait.ge [sflag:s17], $0x4000  }
0x38: {  	[sflag:s17] =	ssyncset.done $0x0  }
0x39: {  	s19 =	simm.s32 $0x0;
	s20 =	simm.s32 $0x200;
	[sflag:s17] =	ssyncadd.s32 $0xFFFFC000  }
.LBB2_4:
0x3a: {  	p0 =	sne.s32 s20, $0xFE00;
	[tilespmem:s19+$0xF0] =	vst v1  }
0x3b: {  	[tilespmem:s19+$0x80] =	vst v1  }
0x3c: {  	[tilespmem:s19+$0x90] =	vst v1  }
.Ltmp1:
0x3d: {  	[tilespmem:s19+$0xA0] =	vst v1;
	(pc) =	sbr.rel @p0 .LBB2_4-.Ltmp1, $4  }
0x3e: {  	[tilespmem:s19+$0xB0] =	vst v1  }
0x3f: {  	[tilespmem:s19+$0xC0] =	vst v1  }
0x40: {  	[tilespmem:s19+$0xD0] =	vst v1  }
0x41: {  	[tilespmem:s19+$0xE0] =	vst v1;
	s19 =	sshra.s32 s20, $0x2;
	s20 =	sadd.s32 $0x200, s20  }
0x42: {  	[tilespmem:s19+$0xF0] =	vst v1  }
0x43: {  	[tilespmem:s19+$0x80] =	vst v1  }
0x44: {  	[tilespmem:s19+$0x90] =	vst v1  }
0x45: {  	[tilespmem:s19+$0xA0] =	vst v1  }
0x46: {  	[tilespmem:s19+$0xB0] =	vst v1  }
0x47: {  	[tilespmem:s19+$0xC0] =	vst v1  }
0x48: {  	[tilespmem:s19+$0xD0] =	vst v1  }
0x49: {  	[tilespmem:s19+$0xE0] =	vst v1  }
0x4a: {  	s31 =	sadd.s32 $0x0, s15;
	[bflag:$0x0] =	sbarrier.arrive $0xFFFF  }
0x4b: {  	[tilespmem:s3], [sflag:$0x1] =	stream.linear.gather [hbm4b:s31+s3], $0x80, $0x38;
	[tilespmem:$0x18080] =	vst v63  }
0x4c: {  	_ =	swait.ge [sflag:s17], $0x80  }
0x4d: {  	[sflag:s17] =	ssyncset.done $0x0  }
0x4e: {  	[sflag:s17] =	ssyncadd.s32 $0xFFFFFF80  }
0x4f: {  	[spmem:s2] =	stream.indirect.scatter.add.f32 [tilespmem:s16], [sflag:$0x1], $0x80, s3, s16, $0xb8;
	[tilespmem:$0x18080] =	vst v63  }
0x50: {  	_ =	swait.ge [sflag:s17], $0x4000  }
0x51: {  	s19 =	simm.s32 $0x10;
	s20 =	simm.s32 $0x20;
	[sflag:s17] =	ssyncset.done $0x0  }
.LBB2_6:
0x52: {  	s21 =	sadd.s32 s19, s15  }
0x53: {  	[sflag:s17] =	ssyncadd.s32 $0xFFFFC000;
	s19 =	smov.u32 s20;
	s22 =	sadd.s32 $0x10, s20  }
0x54: {  	[tilespmem:s3], [sflag:$0x1] =	stream.linear.gather [hbm4b:s21+s3], $0x80, $0x38;
	[tilespmem:$0x18080] =	vst v63  }
0x55: {  	p0 =	sne.s32 s20, $0x4E0;
	_ =	swait.ge [sflag:s17], $0x80  }
.Ltmp2:
0x56: {  	[sflag:s17] =	ssyncset.done $0x0;
	(pc) =	sbr.rel @p0 .LBB2_6-.Ltmp2, $4  }
0x57: {  	[sflag:s17] =	ssyncadd.s32 $0xFFFFFF80  }
0x58: {  	[spmem:s2] =	stream.indirect.scatter.add.f32 [tilespmem:s16], [sflag:$0x1], $0x80, s3, s16, $0xb8;
	[tilespmem:$0x18080] =	vst v63  }
0x59: {  	_ =	swait.ge [sflag:s17], $0x4000  }
0x5a: {  	s20 =	smov.u32 s22;
	[sflag:s17] =	ssyncset.done $0x0  }
0x5b: {  	s19 =	sadd.s32 s19, s15;
	[sflag:s17] =	ssyncadd.s32 $0xFFFFC000  }
0x5c: {  	[tilespmem:s3], [sflag:$0x1] =	stream.linear.gather [hbm4b:s19+s3], $0x80, $0x38;
	[tilespmem:$0x18080] =	vst v63  }
0x5d: {  	_ =	swait.ge [sflag:s17], $0x80  }
0x5e: {  	[sflag:s17] =	ssyncset.done $0x0  }
0x5f: {  	[sflag:s17] =	ssyncadd.s32 $0xFFFFFF80  }
0x60: {  	[spmem:s2] =	stream.indirect.scatter.add.f32 [tilespmem:s16], [sflag:$0x1], $0x80, s3, s16, $0xb8;
	[tilespmem:$0x18080] =	vst v63  }
0x61: {  	_ =	swait.ge [sflag:s17], $0x4000  }
0x62: {  	[sflag:s17] =	ssyncset.done $0x0  }
0x63: {  	s26 =	sshll.u32 s1, $0x6;
	[sflag:s17] =	ssyncadd.s32 $0xFFFFC000  }
0x64: {  	s20 =	sshrl.u32 s4, $0x3;
	s19 =	sor.u32 $0x1C01, s26;
	[bflag:$0x0] =	sbarrier.arrive $0xFFFF  }
0x65: {  	[hbm:s9], [sflag:s19] =	dma.local [spmem:s20], $0x800  }
0x66: {  	_ =	swait.ge [sflag:s17], $0x800  }
0x67: {  	[sflag:s17] =	ssyncset.done $0x0  }
0x68: {  	s28 =	sshrl.u32 s5, $0x3;
	[sflag:s17] =	ssyncadd.s32 $0xFFFFF800  }
0x69: {  	[hbm:s10], [sflag:s19] =	dma.local [spmem:s28], $0x800  }
0x6a: {  	_ =	swait.ge [sflag:s17], $0x800  }
0x6b: {  	[sflag:s17] =	ssyncset.done $0x0  }
0x6c: {  	s29 =	sshrl.u32 s6, $0x3;
	[sflag:s17] =	ssyncadd.s32 $0xFFFFF800  }
0x6d: {  	[hbm:s11], [sflag:s19] =	dma.local [spmem:s29], $0x800  }
0x6e: {  	_ =	swait.ge [sflag:s17], $0x800  }
0x6f: {  	[sflag:s17] =	ssyncset.done $0x0  }
0x70: {  	s30 =	sshrl.u32 s7, $0x3;
	[sflag:s17] =	ssyncadd.s32 $0xFFFFF800  }
0x71: {  	[hbm:s12], [sflag:s19] =	dma.local [spmem:s30], $0x800  }
0x72: {  	s18 =	sadd.s32 $0x1, s18;
	_ =	swait.ge [sflag:s17], $0x800  }
0x73: {  	p0 =	sne.s32 s18, s14;
	[sflag:s17] =	ssyncset.done $0x0  }
.Ltmp3:
0x74: {  	s31 =	sshrl.u32 s8, $0x3;
	[sflag:s17] =	ssyncadd.s32 $0xFFFFF800;
	(pc) =	sbr.rel @p0 .LBB2_1-.Ltmp3, $4  }
0x75: {  	[hbm:s13], [sflag:s19] =	dma.local [spmem:s31], $0x800  }
0x76: {  	_ =	swait.ge [sflag:s17], $0x800  }
0x77: {  	[sflag:s17] =	ssyncset.done $0x0  }
0x78: {  	[sflag:s17] =	ssyncadd.s32 $0xFFFFF800  }
0x79: {  	_ =	sfence.sel $0x180000  }
0x7a: {  	[bflag:$0x0] =	sbarrier.arrive $0xFFFF  }
0x7b: {  	p0 =	sne.s32 s1, $0x0;
	_ =	strace $0x90000047  }
0x7c: {  	s0 =	sadd.s32 @!p0 $0x100000, s0;
	[bflag:$0x2] =	sbarrier.arrive $0xFFFF  }
0x7d: {  	[sflag:s0] =	ssyncadd.tile.s32 @!p0 $0x1;
	_ =	shalt  }
.Lfunc_end2:
_tile_overlayer_lowered:
.L_overlay_start_2:
0x7e: {  	(tag) =	ssettag $0x2  }
0x7f: {  	s0 =	rddreg [dreg:$0x0];
	s2 =	stileid.u32  }
0x80: {  	s1 =	rddreg [dreg:$0x1];
	p0 =	sne.s32 s2, $0x0  }
0x81: {  	s3 =	rddreg [dreg:$0x2];
	[bflag:$0x3] =	sbarrier.arrive $0xFFFF;
	s2 =	simm.s32 @!p0 $0x1C01  }
0x82: {  	[timem:s3], [sflag:s2] =	dma.local @!p0 [hbm:s0], s1  }
0x83: {  	s0 =	simm.s32 @!p0 $0x1  }
0x84: {  	_ =	swait.ge @!p0 [sflag:s0], s1  }
0x85: {  	s1 =	ssub.s32 @!p0 $0x0, s1;
	[sflag:s0] =	ssyncset.done @!p0 $0x0  }
0x86: {  	[sflag:s0] =	ssyncadd.s32 @!p0 s1  }
0x87: {  	[bflag:$0x3] =	sbarrier.arrive $0xFFFF  }
0x88: {  	_ =	shalt  }

</sc_bundles>
